<compile_context>
chip_gen: v7x
topology: tpu7x:2x2x1
jax: 0.10.2.dev20260603
libtpu: 0.0.44.dev20260713+nightly
codegen_flags: <defaults>
</compile_context>

<pallas_src>
import functools

import jax
import jax.numpy as jnp
from jax import lax
from jax.experimental import pallas as pl
from jax.experimental.pallas import tpu as pltpu
from jax.experimental.pallas import tpu_sc as plsc

_KE = 14.399645
_CUTON = 2.5
_SW_CUTOFF = 7.5
_LR_CUTOFF = 10.0
_CUTOFF = 10.0
_HALF_KE = 0.5 * _KE
_INV_SW_WIDTH = 1.0 / (_SW_CUTOFF - _CUTON)
_INV_LR = 1.0 / _LR_CUTOFF
_INV_LR2 = 1.0 / (_LR_CUTOFF * _LR_CUTOFF)
_INV_CUT = 1.0 / _CUTOFF
_INV_A_CONST = 1.0 / (0.8854 * 0.529177)

_NC = 2
_NS = 16
_NW = _NC * _NS
_LANES = 16
_SUBLEN = 128
_CHUNK = 1024
_NSUB = _CHUNK // _SUBLEN


def _rsqrt(x):
    i = lax.bitcast_convert_type(x, jnp.int32)
    i = jnp.int32(0x5F3759DF) - lax.shift_right_logical(i, 1)
    y = lax.bitcast_convert_type(i, jnp.float32)
    xh = 0.5 * x
    for _ in range(2):
        y = y * (1.5 - xh * y * y)
    return y


def _rcp(x):
    i = lax.bitcast_convert_type(x, jnp.int32)
    i = jnp.int32(0x7EF311C3) - i
    y = lax.bitcast_convert_type(i, jnp.float32)
    for _ in range(2):
        y = y * (2.0 - x * y)
    return y


def _pair_energy(xi, yi_, zi_, qi, c6i, zfi, z23i,
                 xj, yj_, zj_, qj, c6j, zfj, z23j):
    dx = xj - xi
    dy = yj_ - yi_
    dz = zj_ - zi_
    r2 = dx * dx + dy * dy + dz * dz
    u = _rsqrt(r2)
    r = r2 * u
    damped = _rsqrt(r2 + 1.0)
    xs = jnp.clip((r - _CUTON) * _INV_SW_WIDTH, 0.0, 1.0)
    s = (xs * xs * xs) * (xs * (6.0 * xs - 15.0) + 10.0)
    coul = damped + s * (u - damped)
    in_lr = r < _LR_CUTOFF
    shifted = jnp.where(in_lr, coul + r * _INV_LR2 - 2.0 * _INV_LR, 0.0)
    e_c = (qi * qj) * shifted
    xc = r * _INV_CUT
    fc = jnp.where(in_lr,
                   1.0 - (xc * xc * xc) * (xc * (6.0 * xc - 15.0) + 10.0),
                   0.0)
    c6ij = c6i * c6j
    r6 = r2 * r2 * r2
    e_d = (-0.5) * c6ij * _rcp(r6 + 1.0) * fc
    inv_a = (z23i + z23j + 1e-9) * _INV_A_CONST
    xz = r * inv_a
    phi = (0.18175 * jnp.exp(-3.19980 * xz)
           + 0.50986 * jnp.exp(-0.94229 * xz)
           + 0.28022 * jnp.exp(-0.40290 * xz)
           + 0.02817 * jnp.exp(-0.20162 * xz))
    e_z = (zfi * zfj) * u * phi * fc
    return e_c + e_z + e_d


def _make_sc_kernel(nt, nchunk, rows_limit):
    rows_per_tile = nt // _NS
    mesh = plsc.VectorSubcoreMesh(core_axis_name="c", subcore_axis_name="s",
                                  num_cores=_NC, num_subcores=_NS)

    nbuf = 2
    scr = []
    for _ in range(nbuf):
        scr += [
            pltpu.VMEM((_NSUB, _SUBLEN), jnp.int32),
            pltpu.VMEM((_NSUB, _SUBLEN), jnp.int32),
            pltpu.VMEM((_CHUNK, 8), jnp.float32),
            pltpu.VMEM((_CHUNK, 8), jnp.float32),
            pltpu.VMEM((_CHUNK,), jnp.float32),
            pltpu.SemaphoreType.DMA,
            pltpu.SemaphoreType.DMA,
            pltpu.SemaphoreType.DMA,
        ]
    scr += [
        pltpu.VMEM((nt // _NS,), jnp.float32),
        pltpu.VMEM_SHARED((nt,), jnp.float32),
    ]

    @functools.partial(
        pl.kernel,
        out_type=jax.ShapeDtypeStruct((_NC, _NS, rows_per_tile), jnp.float32),
        mesh=mesh,
        scratch_types=scr,
        compiler_params=pltpu.CompilerParams(needs_layout_passes=False,
                                             use_tc_tiling_on_sc=False),
    )
    def sc_kernel(table_hbm, idxi_hbm, idxj_hbm, out_hbm, *bufs):
        buf = [bufs[8 * b:8 * b + 8] for b in range(nbuf)]
        zbuf, acc_sp = bufs[8 * nbuf], bufs[8 * nbuf + 1]
        cid = lax.axis_index("c")
        tid = lax.axis_index("s")

        r0 = tid * rows_per_tile

        def zero_body(i, _):
            zbuf[pl.ds(i * _LANES, _LANES)] = jnp.zeros((_LANES,), jnp.float32)
            return 0
        lax.fori_loop(0, rows_per_tile // _LANES, zero_body, 0)
        pltpu.sync_copy(zbuf, acc_sp.at[pl.ds(r0, rows_per_tile)])
        plsc.subcore_barrier()

        wid = cid * _NS + tid
        base_row = wid * (nchunk * _NSUB)
        nvalid = jnp.clip((rows_limit - base_row) // _NSUB, 0, nchunk)
        lanes = lax.iota(jnp.int32, _LANES)

        def idx_start(b, c):
            row0 = base_row + c * _NSUB
            isem = buf[b][5]
            pltpu.async_copy(idxi_hbm.at[pl.ds(row0, _NSUB)], buf[b][0], isem)
            pltpu.async_copy(idxj_hbm.at[pl.ds(row0, _NSUB)], buf[b][1], isem)

        def idx_wait(b):
            isem = buf[b][5]
            pltpu.make_async_copy(idxi_hbm.at[pl.ds(0, _NSUB)],
                                  buf[b][0], isem).wait()
            pltpu.make_async_copy(idxj_hbm.at[pl.ds(0, _NSUB)],
                                  buf[b][1], isem).wait()

        def gather_start(b):
            idxi_v, idxj_v, rows_i, rows_j = buf[b][:4]
            gsem = buf[b][6]
            for sub in range(_NSUB):
                dst = pl.ds(sub * _SUBLEN, _SUBLEN)
                pltpu.async_copy(table_hbm.at[idxi_v.at[sub]],
                                 rows_i.at[dst], gsem)
                pltpu.async_copy(table_hbm.at[idxj_v.at[sub]],
                                 rows_j.at[dst], gsem)

        def gather_wait(b):
            idxi_v, idxj_v, rows_i, rows_j = buf[b][:4]
            gsem = buf[b][6]
            for sub in range(_NSUB):
                dst = pl.ds(sub * _SUBLEN, _SUBLEN)
                pltpu.make_async_copy(table_hbm.at[idxi_v.at[sub]],
                                      rows_i.at[dst], gsem).wait()
                pltpu.make_async_copy(table_hbm.at[idxj_v.at[sub]],
                                      rows_j.at[dst], gsem).wait()

        def compute(b):
            rows_i, rows_j, evals = buf[b][2], buf[b][3], buf[b][4]

            def pair_body(k, _):
                row16 = k * _LANES + lanes

                def col(ref, ci):
                    return plsc.load_gather(
                        ref, [row16, jnp.full((_LANES,), ci, jnp.int32)])

                e16 = _pair_energy(
                    col(rows_i, 0), col(rows_i, 1), col(rows_i, 2),
                    col(rows_i, 3), col(rows_i, 4), col(rows_i, 5),
                    col(rows_i, 6),
                    col(rows_j, 0), col(rows_j, 1), col(rows_j, 2),
                    col(rows_j, 3), col(rows_j, 4), col(rows_j, 5),
                    col(rows_j, 6))
                evals[pl.ds(k * _LANES, _LANES)] = e16
                return 0

            lax.fori_loop(0, _CHUNK // _LANES, pair_body, 0)

        def scatter_start(b):
            idxi_v, evals, ssem = buf[b][0], buf[b][4], buf[b][7]
            for sub in range(_NSUB):
                pltpu.async_copy(evals.at[pl.ds(sub * _SUBLEN, _SUBLEN)],
                                 acc_sp.at[idxi_v.at[sub]], ssem, add=True)

        def scatter_drain(b):
            idxi_v, evals, ssem = buf[b][0], buf[b][4], buf[b][7]
            for sub in range(_NSUB):
                pltpu.make_async_copy(
                    evals.at[pl.ds(sub * _SUBLEN, _SUBLEN)],
                    acc_sp.at[idxi_v.at[sub]], ssem).wait()

        @pl.when(nvalid > 0)
        def _():
            idx_start(0, 0)
            idx_wait(0)
            gather_start(0)

        def half(b, ob, g, c):
            @pl.when(c + 1 < nvalid)
            def _():
                idx_start(ob, c + 1)
                idx_wait(ob)
                gather_start(ob)

            @pl.when(c < nvalid)
            def _():
                gather_wait(b)
                compute(b)
                scatter_start(b)
                scatter_drain(b)

        def sched_body(g, _):
            half(0, 1, g, 2 * g)
            half(1, 0, g, 2 * g + 1)
            return 0

        lax.fori_loop(0, nchunk // 2, sched_body, 0)
        plsc.subcore_barrier()
        pltpu.sync_copy(acc_sp.at[pl.ds(r0, rows_per_tile)],
                        out_hbm.at[cid, tid])

    return sc_kernel


def _combine_body(p_ref, y_ref, o_ref):
    o_ref[...] = p_ref[0] + p_ref[1] + y_ref[...]


def kernel(yi, R, partial_charges, c6_table, Z, idx_m, idx_i, idx_j):
    n = Z.shape[0]
    p = idx_i.shape[0]

    nt = ((n + 1 + 2047) // 2048) * 2048
    pairs_per_sweep = _NW * _CHUNK
    nchunk = (p + pairs_per_sweep - 1) // pairs_per_sweep
    nchunk += nchunk % 2

    Z = Z.astype(jnp.int32)
    zf = Z.astype(jnp.float32)
    sc6 = jnp.sqrt(jax.nn.softplus(c6_table.astype(jnp.float32)))
    onehot = (Z[:, None] == jnp.arange(sc6.shape[0], dtype=jnp.int32)[None, :])
    sc6z = jnp.dot(onehot.astype(jnp.float32), sc6)
    sqke = _HALF_KE ** 0.5
    table = jnp.stack(
        [R[:, 0], R[:, 1], R[:, 2],
         partial_charges.astype(jnp.float32) * sqke,
         sc6z, zf * sqke, zf ** 0.23, jnp.zeros((n,), jnp.float32)], axis=1)

    ii = idx_i.astype(jnp.int32)
    jj = idx_j.astype(jnp.int32)
    if p % _CHUNK != 0:
        p_use = ((p + _CHUNK - 1) // _CHUNK) * _CHUNK
        ii = jnp.pad(ii, (0, p_use - p), constant_values=n)
        jj = jnp.pad(jj, (0, p_use - p), constant_values=n)
        table = jnp.pad(table, ((0, 1), (0, 0)))
    else:
        p_use = p
    ii = ii.reshape(p_use // _SUBLEN, _SUBLEN)
    jj = jj.reshape(p_use // _SUBLEN, _SUBLEN)

    parts = _make_sc_kernel(nt, nchunk, p_use // _SUBLEN)(table, ii, jj)
    parts = parts.reshape(_NC, nt // 128, 128)

    yi0 = jnp.pad(yi[:, 0].astype(jnp.float32), (0, nt - n))
    yi0 = yi0.reshape(nt // 128, 128)

    total = pl.pallas_call(
        _combine_body,
        out_shape=jax.ShapeDtypeStruct((nt // 128, 128), jnp.float32),
    )(parts, yi0)

    return total.reshape(nt)[:n][:, None]

# --- scband reference (transcript-rebuilt; emitter-appended) ---
"""Pipeline reference for scband-phys-net-energy-25409026523323 (READ-ONLY COPY).

The authoritative reference and input builder live on the scoring server;
editing this copy changes nothing except your own understanding.
"""

import jax, jax.numpy as jnp
import numpy as np

N = 100000
P = 3200000
NUM_MOL = 1000
CUTOFF = 10.0
CUTON = 2.5
SW_CUTOFF = 7.5
LR_CUTOFF = 10.0
KE = 14.399645


def _physnet_cutoff(r, cutoff):
    x = r / cutoff
    f = 1.0 - 6.0 * x ** 5 + 15.0 * x ** 4 - 10.0 * x ** 3
    return jnp.where(r < cutoff, f, 0.0)


def _smooth_switch(r, cuton, cutoff):
    x = jnp.clip((r - cuton) / (cutoff - cuton), 0.0, 1.0)
    s = x ** 3 * (x * (6.0 * x - 15.0) + 10.0)
    return 1.0 - s


def setup_inputs(seed: int = 0):
    key = jax.random.key(seed)
    ks = jax.random.split(key, 8)
    yi = jax.random.normal(ks[0], (N, 2), dtype=jnp.float32)
    R = jax.random.normal(ks[1], (N, 3), dtype=jnp.float32) * 6.0
    Z = jax.random.randint(ks[2], (N,), 0, 94)
    idx_m = jnp.sort(jax.random.randint(ks[3], (N,), 0, NUM_MOL))
    partial_charges = jax.random.normal(ks[4], (N,), dtype=jnp.float32) * 0.1
    idx_i = jax.random.randint(ks[5], (P,), 0, N)
    idx_j = jax.random.randint(ks[6], (P,), 0, N)
    idx_j = jnp.where(idx_j == idx_i, (idx_j + 1) % N, idx_j)
    c6_table = jax.random.uniform(ks[7], (95,), dtype=jnp.float32) * 2.0
    return {"yi": yi, "R": R, "partial_charges": partial_charges, "c6_table": c6_table, "Z": Z, "idx_m": idx_m, "idx_i": idx_i, "idx_j": idx_j}


def _forward(yi, R, partial_charges, c6_table, Z, idx_m, idx_i, idx_j, num_batch):
    energy = yi[:, 0]
    charge = yi[:, 1]
    n_atoms = Z.shape[0]
    Qleftover = jnp.zeros(n_atoms, dtype=jnp.float32).at[idx_m].add(-charge)
    w = jnp.ones(n_atoms, dtype=jnp.float32)
    denom = jnp.zeros(num_batch, dtype=jnp.float32).at[idx_m].add(w)
    w = w / denom[idx_m]
    qa = charge + Qleftover[idx_m] * w  # computed (as in original) but unused downstream
    d = R[idx_j] - R[idx_i]
    r = jnp.sqrt(jnp.sum(d * d, axis=-1))
    # ElectrostaticEnergy (cuton=0.25*cutoff, cutoff=0.75*cutoff, lr_cutoff=cutoff)
    damped = 1.0 / jnp.sqrt(r * r + 1.0)
    ordinary = 1.0 / r
    sw = _smooth_switch(r, CUTON, SW_CUTOFF)
    coul = sw * damped + (1.0 - sw) * ordinary
    shifted = jnp.where(r < LR_CUTOFF, coul - 1.0 / LR_CUTOFF + (r - LR_CUTOFF) / LR_CUTOFF ** 2, 0.0)
    e_pair_c = 0.5 * KE * partial_charges[idx_i] * partial_charges[idx_j] * shifted
    ec = jax.ops.segment_sum(e_pair_c, idx_i, num_segments=n_atoms)
    # D4-style dispersion with per-element C6 table
    c6 = jax.nn.softplus(c6_table)
    c6ij = jnp.sqrt(c6[Z[idx_i]] * c6[Z[idx_j]] + 1e-12)
    fc = _physnet_cutoff(r, CUTOFF)
    e_pair_d = -0.5 * c6ij / (r ** 6 + 1.0) * fc
    ea_vdw = jax.ops.segment_sum(e_pair_d, idx_i, num_segments=n_atoms)
    # ZBL nuclear repulsion
    zi = Z[idx_i].astype(jnp.float32)
    zj = Z[idx_j].astype(jnp.float32)
    a = 0.8854 * 0.529177 / (zi ** 0.23 + zj ** 0.23 + 1e-9)
    xz = r / a
    phi = (0.18175 * jnp.exp(-3.19980 * xz) + 0.50986 * jnp.exp(-0.94229 * xz)
           + 0.28022 * jnp.exp(-0.40290 * xz) + 0.02817 * jnp.exp(-0.20162 * xz))
    e_pair_z = 0.5 * KE * zi * zj / r * phi * fc
    ez = jax.ops.segment_sum(e_pair_z, idx_i, num_segments=n_atoms)
    return (ec + ea_vdw + energy + ez)[:, None]


def reference(yi, R, partial_charges, c6_table, Z, idx_m, idx_i, idx_j):
    num_batch = NUM_MOL
    return _forward(yi, R, partial_charges, c6_table, Z, idx_m, idx_i, idx_j, num_batch)

if __name__ == "__main__":
    import jax
    _d = setup_inputs()
    print(jax.jit(kernel)(*tuple(_d.values())))

</pallas_src>

<mosaic_0001>
#map = affine_map<(d0, d1) -> (0, 0)>
#map1 = affine_map<(d0, d1) -> (0, 0, 0)>
module attributes {stable_mosaic.version = 14 : i64} {
  func.func @sc_kernel(%arg0: i32, %arg1: i32, %arg2: memref<100000x8xf32, #tpu.memory_space<hbm>>, %arg3: memref<25000x128xi32, #tpu.memory_space<hbm>>, %arg4: memref<25000x128xi32, #tpu.memory_space<hbm>>, %arg5: memref<2x16x6272xf32, #tpu.memory_space<hbm>>, %arg6: memref<8x128xi32, #tpu.memory_space<vmem>>, %arg7: memref<8x128xi32, #tpu.memory_space<vmem>>, %arg8: memref<1024x8xf32, #tpu.memory_space<vmem>>, %arg9: memref<1024x8xf32, #tpu.memory_space<vmem>>, %arg10: memref<1024xf32, #tpu.memory_space<vmem>>, %arg11: memref<!tpu.dma_semaphore, #tpu.memory_space<semaphore_mem>>, %arg12: memref<!tpu.dma_semaphore, #tpu.memory_space<semaphore_mem>>, %arg13: memref<!tpu.dma_semaphore, #tpu.memory_space<semaphore_mem>>, %arg14: memref<8x128xi32, #tpu.memory_space<vmem>>, %arg15: memref<8x128xi32, #tpu.memory_space<vmem>>, %arg16: memref<1024x8xf32, #tpu.memory_space<vmem>>, %arg17: memref<1024x8xf32, #tpu.memory_space<vmem>>, %arg18: memref<1024xf32, #tpu.memory_space<vmem>>, %arg19: memref<!tpu.dma_semaphore, #tpu.memory_space<semaphore_mem>>, %arg20: memref<!tpu.dma_semaphore, #tpu.memory_space<semaphore_mem>>, %arg21: memref<!tpu.dma_semaphore, #tpu.memory_space<semaphore_mem>>, %arg22: memref<6272xf32, #tpu.memory_space<vmem>>, %arg23: memref<100352xf32, #tpu.memory_space<vmem_shared>>) attributes {dimension_semantics = [#tpu.dimension_semantics<core_parallel>, #tpu.dimension_semantics<subcore_parallel>], iteration_bounds = array<i64: 2, 16>, scalar_prefetch = 0 : i64, scratch_operands = 18 : i64, tpu.core_type = #tpu.core_type<sc_vector_subcore>, window_params = [{transform_indices = #map}, {transform_indices = #map}, {transform_indices = #map}, {transform_indices = #map1}]} {
    %mul3A = arith.constant 6272 : i32
    %mul3A_0 = arith.muli %arg1, %mul3A : i32
    %scan3A = arith.constant 0 : i32
    %scan3A_1 = arith.constant 0 : i32
    %scan3A_2 = arith.constant 392 : i32
    %scan3A_3 = arith.addi %scan3A_1, %scan3A_2 : i32
    %scan3A_4 = arith.constant 1 : i32
    %scan3A_5 = scf.for %scan3A_41 = %scan3A_1 to %scan3A_3 step %scan3A_4 iter_args(%scan3A_42 = %scan3A) -> (i32)  : i32 {
      %broadcast_in_dim3A = arith.constant 0.000000e+00 : f32
      %broadcast_in_dim3A_43 = vector.broadcast %broadcast_in_dim3A : f32 to vector<16xf32>
      %mul3A_44 = arith.constant 16 : i32
      %mul3A_45 = arith.muli %scan3A_41, %mul3A_44 : i32
      %swap3A = arith.index_cast %mul3A_45 : i32 to index
      %swap3A_46 = tpu.vector_load %arg22[%swap3A] {strides = array<i32>} : memref<6272xf32, #tpu.memory_space<vmem>>, vector<16xf32>,
      tpu.vector_store %arg22[%swap3A], %broadcast_in_dim3A_43 {strides = array<i32>} : memref<6272xf32, #tpu.memory_space<vmem>>, vector<16xf32>,
      %scan3A_47 = arith.constant 0 : i32
      scf.yield %scan3A_47 : i32
    }
    %scan3A_6 = arith.constant 392 : i32
    "tpu.region"() ({
      %run_scoped3A = tpu.sem_alloc : memref<!tpu.dma_semaphore, #tpu.memory_space<semaphore_mem>>
      %dma_start3A = tpu.memref_slice %arg23[%mul3A_0] : memref<100352xf32, #tpu.memory_space<vmem_shared>> -> memref<6272xf32, #tpu.memory_space<vmem_shared>>
      %dma_start3A_41 = tpu.memref_slice %arg23[%mul3A_0] : memref<100352xf32, #tpu.memory_space<vmem_shared>> -> memref<6272xf32, #tpu.memory_space<vmem_shared>>
      tpu.enqueue_dma source(%arg22 : memref<6272xf32, #tpu.memory_space<vmem>>) target(%dma_start3A_41 : memref<6272xf32, #tpu.memory_space<vmem_shared>>) target_semaphore(%run_scoped3A : memref<!tpu.dma_semaphore, #tpu.memory_space<semaphore_mem>>)
      %dma_wait3A = tpu.memref_slice %arg23[%mul3A_0] : memref<100352xf32, #tpu.memory_space<vmem_shared>> -> memref<6272xf32, #tpu.memory_space<vmem_shared>>
      %dma_wait3A_42 = tpu.memref_slice %arg23[%mul3A_0] : memref<100352xf32, #tpu.memory_space<vmem_shared>> -> memref<6272xf32, #tpu.memory_space<vmem_shared>>
      tpu.wait_dma2 semaphore(%run_scoped3A : memref<!tpu.dma_semaphore, #tpu.memory_space<semaphore_mem>>) src(%arg22 : memref<6272xf32, #tpu.memory_space<vmem>>) dst(%dma_wait3A_42 : memref<6272xf32, #tpu.memory_space<vmem_shared>>)
      tpu.yield
    }) : () -> ()
    %barrier3A = arith.constant 0 : index
    tpu.barrier barrier_id(%barrier3A)
    %mul3A_7 = arith.constant 16 : i32
    %mul3A_8 = arith.muli %arg0, %mul3A_7 : i32
    %add3A = arith.addi %mul3A_8, %arg1 : i32
    %mul3A_9 = arith.constant 784 : i32
    %mul3A_10 = arith.muli %add3A, %mul3A_9 : i32
    %sub3A = arith.constant 25000 : i32
    %sub3A_11 = arith.subi %sub3A, %mul3A_10 : i32
    %jit3A = arith.constant 8 : i32
    %div3A = arith.divsi %sub3A_11, %jit3A : i32
    %sign3A = arith.constant 0 : i32
    %sign3A_12 = arith.cmpi sgt, %sub3A_11, %sign3A : i32
    %sign3A_13 = arith.extui %sign3A_12 : i1 to i32
    %sign3A_14 = arith.constant 0 : i32
    %sign3A_15 = arith.cmpi slt, %sub3A_11, %sign3A_14 : i32
    %sign3A_16 = arith.extui %sign3A_15 : i1 to i32
    %sign3A_17 = arith.subi %sign3A_13, %sign3A_16 : i32
    %sign3A_18 = arith.constant 0 : i32
    %sign3A_19 = arith.cmpi sgt, %jit3A, %sign3A_18 : i32
    %sign3A_20 = arith.extui %sign3A_19 : i1 to i32
    %sign3A_21 = arith.constant 0 : i32
    %sign3A_22 = arith.cmpi slt, %jit3A, %sign3A_21 : i32
    %sign3A_23 = arith.extui %sign3A_22 : i1 to i32
    %sign3A_24 = arith.subi %sign3A_20, %sign3A_23 : i32
    %ne3A = arith.cmpi ne, %sign3A_17, %sign3A_24 : i32
    %rem3A = arith.remsi %sub3A_11, %jit3A : i32
    %ne3A_25 = arith.constant 0 : i32
    %ne3A_26 = arith.cmpi ne, %rem3A, %ne3A_25 : i32
    %and3A = arith.andi %ne3A, %ne3A_26 : i1
    %sub3A_27 = arith.constant 1 : i32
    %sub3A_28 = arith.subi %div3A, %sub3A_27 : i32
    %select_n3A = arith.select %and3A, %sub3A_28, %div3A : i32
    %jit3A_29 = arith.constant 0 : i32
    %jit3A_30 = arith.constant 98 : i32
    %max3A = arith.maxsi %jit3A_29, %select_n3A : i32
    %min3A = arith.minsi %jit3A_30, %max3A : i32
    %iota3A = tpu.iota {dimensions = array<i32: 0>} : vector<16xi32>
    %gt3A = arith.constant 0 : i32
    %gt3A_31 = arith.cmpi sgt, %min3A, %gt3A : i32
    %convert_element_type3A = arith.extui %gt3A_31 : i1 to i32
    %cond3A = arith.constant 0 : i32
    %cond3A_32 = arith.cmpi ne, %convert_element_type3A, %cond3A : i32
    scf.if %cond3A_32 {
      %add3A_41 = arith.constant 0 : i32
      %add3A_42 = arith.addi %mul3A_10, %add3A_41 : i32
      %dma_start3A = arith.constant 0 : i32
      %dma_start3A_43 = tpu.memref_slice %arg3[%add3A_42, %dma_start3A] : memref<25000x128xi32, #tpu.memory_space<hbm>> -> memref<8x128xi32, #tpu.memory_space<hbm>>
      %dma_start3A_44 = arith.constant 0 : i32
      %dma_start3A_45 = tpu.memref_slice %arg3[%add3A_42, %dma_start3A_44] : memref<25000x128xi32, #tpu.memory_space<hbm>> -> memref<8x128xi32, #tpu.memory_space<hbm>>
      tpu.enqueue_dma source(%dma_start3A_45 : memref<8x128xi32, #tpu.memory_space<hbm>>) target(%arg6 : memref<8x128xi32, #tpu.memory_space<vmem>>) target_semaphore(%arg11 : memref<!tpu.dma_semaphore, #tpu.memory_space<semaphore_mem>>)
      %dma_start3A_46 = arith.constant 0 : i32
      %dma_start3A_47 = tpu.memref_slice %arg4[%add3A_42, %dma_start3A_46] : memref<25000x128xi32, #tpu.memory_space<hbm>> -> memref<8x128xi32, #tpu.memory_space<hbm>>
      %dma_start3A_48 = arith.constant 0 : i32
      %dma_start3A_49 = tpu.memref_slice %arg4[%add3A_42, %dma_start3A_48] : memref<25000x128xi32, #tpu.memory_space<hbm>> -> memref<8x128xi32, #tpu.memory_space<hbm>>
      tpu.enqueue_dma source(%dma_start3A_49 : memref<8x128xi32, #tpu.memory_space<hbm>>) target(%arg7 : memref<8x128xi32, #tpu.memory_space<vmem>>) target_semaphore(%arg11 : memref<!tpu.dma_semaphore, #tpu.memory_space<semaphore_mem>>)
      %dma_wait3A = arith.constant 0 : i32
      %dma_wait3A_50 = arith.constant 0 : i32
      %dma_wait3A_51 = tpu.memref_slice %arg3[%dma_wait3A, %dma_wait3A_50] : memref<25000x128xi32, #tpu.memory_space<hbm>> -> memref<8x128xi32, #tpu.memory_space<hbm>>
      %dma_wait3A_52 = arith.constant 0 : i32
      %dma_wait3A_53 = arith.constant 0 : i32
      %dma_wait3A_54 = tpu.memref_slice %arg3[%dma_wait3A_52, %dma_wait3A_53] : memref<25000x128xi32, #tpu.memory_space<hbm>> -> memref<8x128xi32, #tpu.memory_space<hbm>>
      tpu.wait_dma2 semaphore(%arg11 : memref<!tpu.dma_semaphore, #tpu.memory_space<semaphore_mem>>) src(%dma_wait3A_54 : memref<8x128xi32, #tpu.memory_space<hbm>>) dst(%arg6 : memref<8x128xi32, #tpu.memory_space<vmem>>)
      %dma_wait3A_55 = arith.constant 0 : i32
      %dma_wait3A_56 = arith.constant 0 : i32
      %dma_wait3A_57 = tpu.memref_slice %arg4[%dma_wait3A_55, %dma_wait3A_56] : memref<25000x128xi32, #tpu.memory_space<hbm>> -> memref<8x128xi32, #tpu.memory_space<hbm>>
      %dma_wait3A_58 = arith.constant 0 : i32
      %dma_wait3A_59 = arith.constant 0 : i32
      %dma_wait3A_60 = tpu.memref_slice %arg4[%dma_wait3A_58, %dma_wait3A_59] : memref<25000x128xi32, #tpu.memory_space<hbm>> -> memref<8x128xi32, #tpu.memory_space<hbm>>
      tpu.wait_dma2 semaphore(%arg11 : memref<!tpu.dma_semaphore, #tpu.memory_space<semaphore_mem>>) src(%dma_wait3A_60 : memref<8x128xi32, #tpu.memory_space<hbm>>) dst(%arg7 : memref<8x128xi32, #tpu.memory_space<vmem>>)
      %dma_start3A_61 = arith.constant 0 : i32
      %dma_start3A_62 = arith.constant 0 : i32
      %dma_start3A_63 = arith.constant 0 : i32
      %dma_start3A_64 = tpu.memref_slice %arg8[%dma_start3A_62, %dma_start3A_63] : memref<1024x8xf32, #tpu.memory_space<vmem>> -> memref<128x8xf32, #tpu.memory_space<vmem>>
      %dma_start3A_65 = arith.constant 0 : i32
      %dma_start3A_66 = tpu.memref_slice %arg6[%dma_start3A_61, %dma_start3A_65] : memref<8x128xi32, #tpu.memory_space<vmem>> -> memref<1x128xi32, #tpu.memory_space<vmem>>
      %dma_start3A_67 = tpu.memref_squeeze %dma_start3A_66 : memref<1x128xi32, #tpu.memory_space<vmem>> -> memref<128xi32, #tpu.memory_space<vmem>>
      %dma_start3A_68 = arith.constant 0 : i32
      %dma_start3A_69 = arith.constant 0 : i32
      %dma_start3A_70 = tpu.memref_slice %arg2[%dma_start3A_68, %dma_start3A_69] : memref<100000x8xf32, #tpu.memory_space<hbm>> -> memref<100000x8xf32, #tpu.memory_space<hbm>>
      tpu.enqueue_indirect_dma source(%dma_start3A_70 : memref<100000x8xf32, #tpu.memory_space<hbm>>) target(%dma_start3A_64 : memref<128x8xf32, #tpu.memory_space<vmem>>) offsets(%dma_start3A_67 : memref<128xi32, #tpu.memory_space<vmem>>) semaphore(%arg12 : memref<!tpu.dma_semaphore, #tpu.memory_space<semaphore_mem>>)
      %dma_start3A_71 = arith.constant 0 : i32
      %dma_start3A_72 = arith.constant 0 : i32
      %dma_start3A_73 = arith.constant 0 : i32
      %dma_start3A_74 = tpu.memref_slice %arg9[%dma_start3A_72, %dma_start3A_73] : memref<1024x8xf32, #tpu.memory_space<vmem>> -> memref<128x8xf32, #tpu.memory_space<vmem>>
      %dma_start3A_75 = arith.constant 0 : i32
      %dma_start3A_76 = tpu.memref_slice %arg7[%dma_start3A_71, %dma_start3A_75] : memref<8x128xi32, #tpu.memory_space<vmem>> -> memref<1x128xi32, #tpu.memory_space<vmem>>
      %dma_start3A_77 = tpu.memref_squeeze %dma_start3A_76 : memref<1x128xi32, #tpu.memory_space<vmem>> -> memref<128xi32, #tpu.memory_space<vmem>>
      %dma_start3A_78 = arith.constant 0 : i32
      %dma_start3A_79 = arith.constant 0 : i32
      %dma_start3A_80 = tpu.memref_slice %arg2[%dma_start3A_78, %dma_start3A_79] : memref<100000x8xf32, #tpu.memory_space<hbm>> -> memref<100000x8xf32, #tpu.memory_space<hbm>>
      tpu.enqueue_indirect_dma source(%dma_start3A_80 : memref<100000x8xf32, #tpu.memory_space<hbm>>) target(%dma_start3A_74 : memref<128x8xf32, #tpu.memory_space<vmem>>) offsets(%dma_start3A_77 : memref<128xi32, #tpu.memory_space<vmem>>) semaphore(%arg12 : memref<!tpu.dma_semaphore, #tpu.memory_space<semaphore_mem>>)
      %dma_start3A_81 = arith.constant 1 : i32
      %dma_start3A_82 = arith.constant 128 : i32
      %dma_start3A_83 = arith.constant 0 : i32
      %dma_start3A_84 = tpu.memref_slice %arg8[%dma_start3A_82, %dma_start3A_83] : memref<1024x8xf32, #tpu.memory_space<vmem>> -> memref<128x8xf32, #tpu.memory_space<vmem>>
      %dma_start3A_85 = arith.constant 0 : i32
      %dma_start3A_86 = tpu.memref_slice %arg6[%dma_start3A_81, %dma_start3A_85] : memref<8x128xi32, #tpu.memory_space<vmem>> -> memref<1x128xi32, #tpu.memory_space<vmem>>
      %dma_start3A_87 = tpu.memref_squeeze %dma_start3A_86 : memref<1x128xi32, #tpu.memory_space<vmem>> -> memref<128xi32, #tpu.memory_space<vmem>>
      %dma_start3A_88 = arith.constant 0 : i32
      %dma_start3A_89 = arith.constant 0 : i32
      %dma_start3A_90 = tpu.memref_slice %arg2[%dma_start3A_88, %dma_start3A_89] : memref<100000x8xf32, #tpu.memory_space<hbm>> -> memref<100000x8xf32, #tpu.memory_space<hbm>>
      tpu.enqueue_indirect_dma source(%dma_start3A_90 : memref<100000x8xf32, #tpu.memory_space<hbm>>) target(%dma_start3A_84 : memref<128x8xf32, #tpu.memory_space<vmem>>) offsets(%dma_start3A_87 : memref<128xi32, #tpu.memory_space<vmem>>) semaphore(%arg12 : memref<!tpu.dma_semaphore, #tpu.memory_space<semaphore_mem>>)
      %dma_start3A_91 = arith.constant 1 : i32
      %dma_start3A_92 = arith.constant 128 : i32
      %dma_start3A_93 = arith.constant 0 : i32
      %dma_start3A_94 = tpu.memref_slice %arg9[%dma_start3A_92, %dma_start3A_93] : memref<1024x8xf32, #tpu.memory_space<vmem>> -> memref<128x8xf32, #tpu.memory_space<vmem>>
      %dma_start3A_95 = arith.constant 0 : i32
      %dma_start3A_96 = tpu.memref_slice %arg7[%dma_start3A_91, %dma_start3A_95] : memref<8x128xi32, #tpu.memory_space<vmem>> -> memref<1x128xi32, #tpu.memory_space<vmem>>
      %dma_start3A_97 = tpu.memref_squeeze %dma_start3A_96 : memref<1x128xi32, #tpu.memory_space<vmem>> -> memref<128xi32, #tpu.memory_space<vmem>>
      %dma_start3A_98 = arith.constant 0 : i32
      %dma_start3A_99 = arith.constant 0 : i32
      %dma_start3A_100 = tpu.memref_slice %arg2[%dma_start3A_98, %dma_start3A_99] : memref<100000x8xf32, #tpu.memory_space<hbm>> -> memref<100000x8xf32, #tpu.memory_space<hbm>>
      tpu.enqueue_indirect_dma source(%dma_start3A_100 : memref<100000x8xf32, #tpu.memory_space<hbm>>) target(%dma_start3A_94 : memref<128x8xf32, #tpu.memory_space<vmem>>) offsets(%dma_start3A_97 : memref<128xi32, #tpu.memory_space<vmem>>) semaphore(%arg12 : memref<!tpu.dma_semaphore, #tpu.memory_space<semaphore_mem>>)
      %dma_start3A_101 = arith.constant 2 : i32
      %dma_start3A_102 = arith.constant 256 : i32
      %dma_start3A_103 = arith.constant 0 : i32
      %dma_start3A_104 = tpu.memref_slice %arg8[%dma_start3A_102, %dma_start3A_103] : memref<1024x8xf32, #tpu.memory_space<vmem>> -> memref<128x8xf32, #tpu.memory_space<vmem>>
      %dma_start3A_105 = arith.constant 0 : i32
      %dma_start3A_106 = tpu.memref_slice %arg6[%dma_start3A_101, %dma_start3A_105] : memref<8x128xi32, #tpu.memory_space<vmem>> -> memref<1x128xi32, #tpu.memory_space<vmem>>
      %dma_start3A_107 = tpu.memref_squeeze %dma_start3A_106 : memref<1x128xi32, #tpu.memory_space<vmem>> -> memref<128xi32, #tpu.memory_space<vmem>>
      %dma_start3A_108 = arith.constant 0 : i32
      %dma_start3A_109 = arith.constant 0 : i32
      %dma_start3A_110 = tpu.memref_slice %arg2[%dma_start3A_108, %dma_start3A_109] : memref<100000x8xf32, #tpu.memory_space<hbm>> -> memref<100000x8xf32, #tpu.memory_space<hbm>>
      tpu.enqueue_indirect_dma source(%dma_start3A_110 : memref<100000x8xf32, #tpu.memory_space<hbm>>) target(%dma_start3A_104 : memref<128x8xf32, #tpu.memory_space<vmem>>) offsets(%dma_start3A_107 : memref<128xi32, #tpu.memory_space<vmem>>) semaphore(%arg12 : memref<!tpu.dma_semaphore, #tpu.memory_space<semaphore_mem>>)
      %dma_start3A_111 = arith.constant 2 : i32
      %dma_start3A_112 = arith.constant 256 : i32
      %dma_start3A_113 = arith.constant 0 : i32
      %dma_start3A_114 = tpu.memref_slice %arg9[%dma_start3A_112, %dma_start3A_113] : memref<1024x8xf32, #tpu.memory_space<vmem>> -> memref<128x8xf32, #tpu.memory_space<vmem>>
      %dma_start3A_115 = arith.constant 0 : i32
      %dma_start3A_116 = tpu.memref_slice %arg7[%dma_start3A_111, %dma_start3A_115] : memref<8x128xi32, #tpu.memory_space<vmem>> -> memref<1x128xi32, #tpu.memory_space<vmem>>
      %dma_start3A_117 = tpu.memref_squeeze %dma_start3A_116 : memref<1x128xi32, #tpu.memory_space<vmem>> -> memref<128xi32, #tpu.memory_space<vmem>>
      %dma_start3A_118 = arith.constant 0 : i32
      %dma_start3A_119 = arith.constant 0 : i32
      %dma_start3A_120 = tpu.memref_slice %arg2[%dma_start3A_118, %dma_start3A_119] : memref<100000x8xf32, #tpu.memory_space<hbm>> -> memref<100000x8xf32, #tpu.memory_space<hbm>>
      tpu.enqueue_indirect_dma source(%dma_start3A_120 : memref<100000x8xf32, #tpu.memory_space<hbm>>) target(%dma_start3A_114 : memref<128x8xf32, #tpu.memory_space<vmem>>) offsets(%dma_start3A_117 : memref<128xi32, #tpu.memory_space<vmem>>) semaphore(%arg12 : memref<!tpu.dma_semaphore, #tpu.memory_space<semaphore_mem>>)
      %dma_start3A_121 = arith.constant 3 : i32
      %dma_start3A_122 = arith.constant 384 : i32
      %dma_start3A_123 = arith.constant 0 : i32
      %dma_start3A_124 = tpu.memref_slice %arg8[%dma_start3A_122, %dma_start3A_123] : memref<1024x8xf32, #tpu.memory_space<vmem>> -> memref<128x8xf32, #tpu.memory_space<vmem>>
      %dma_start3A_125 = arith.constant 0 : i32
      %dma_start3A_126 = tpu.memref_slice %arg6[%dma_start3A_121, %dma_start3A_125] : memref<8x128xi32, #tpu.memory_space<vmem>> -> memref<1x128xi32, #tpu.memory_space<vmem>>
      %dma_start3A_127 = tpu.memref_squeeze %dma_start3A_126 : memref<1x128xi32, #tpu.memory_space<vmem>> -> memref<128xi32, #tpu.memory_space<vmem>>
      %dma_start3A_128 = arith.constant 0 : i32
      %dma_start3A_129 = arith.constant 0 : i32
      %dma_start3A_130 = tpu.memref_slice %arg2[%dma_start3A_128, %dma_start3A_129] : memref<100000x8xf32, #tpu.memory_space<hbm>> -> memref<100000x8xf32, #tpu.memory_space<hbm>>
      tpu.enqueue_indirect_dma source(%dma_start3A_130 : memref<100000x8xf32, #tpu.memory_space<hbm>>) target(%dma_start3A_124 : memref<128x8xf32, #tpu.memory_space<vmem>>) offsets(%dma_start3A_127 : memref<128xi32, #tpu.memory_space<vmem>>) semaphore(%arg12 : memref<!tpu.dma_semaphore, #tpu.memory_space<semaphore_mem>>)
      %dma_start3A_131 = arith.constant 3 : i32
      %dma_start3A_132 = arith.constant 384 : i32
      %dma_start3A_133 = arith.constant 0 : i32
      %dma_start3A_134 = tpu.memref_slice %arg9[%dma_start3A_132, %dma_start3A_133] : memref<1024x8xf32, #tpu.memory_space<vmem>> -> memref<128x8xf32, #tpu.memory_space<vmem>>
      %dma_start3A_135 = arith.constant 0 : i32
      %dma_start3A_136 = tpu.memref_slice %arg7[%dma_start3A_131, %dma_start3A_135] : memref<8x128xi32, #tpu.memory_space<vmem>> -> memref<1x128xi32, #tpu.memory_space<vmem>>
      %dma_start3A_137 = tpu.memref_squeeze %dma_start3A_136 : memref<1x128xi32, #tpu.memory_space<vmem>> -> memref<128xi32, #tpu.memory_space<vmem>>
      %dma_start3A_138 = arith.constant 0 : i32
      %dma_start3A_139 = arith.constant 0 : i32
      %dma_start3A_140 = tpu.memref_slice %arg2[%dma_start3A_138, %dma_start3A_139] : memref<100000x8xf32, #tpu.memory_space<hbm>> -> memref<100000x8xf32, #tpu.memory_space<hbm>>
      tpu.enqueue_indirect_dma source(%dma_start3A_140 : memref<100000x8xf32, #tpu.memory_space<hbm>>) target(%dma_start3A_134 : memref<128x8xf32, #tpu.memory_space<vmem>>) offsets(%dma_start3A_137 : memref<128xi32, #tpu.memory_space<vmem>>) semaphore(%arg12 : memref<!tpu.dma_semaphore, #tpu.memory_space<semaphore_mem>>)
      %dma_start3A_141 = arith.constant 4 : i32
      %dma_start3A_142 = arith.constant 512 : i32
      %dma_start3A_143 = arith.constant 0 : i32
      %dma_start3A_144 = tpu.memref_slice %arg8[%dma_start3A_142, %dma_start3A_143] : memref<1024x8xf32, #tpu.memory_space<vmem>> -> memref<128x8xf32, #tpu.memory_space<vmem>>
      %dma_start3A_145 = arith.constant 0 : i32
      %dma_start3A_146 = tpu.memref_slice %arg6[%dma_start3A_141, %dma_start3A_145] : memref<8x128xi32, #tpu.memory_space<vmem>> -> memref<1x128xi32, #tpu.memory_space<vmem>>
      %dma_start3A_147 = tpu.memref_squeeze %dma_start3A_146 : memref<1x128xi32, #tpu.memory_space<vmem>> -> memref<128xi32, #tpu.memory_space<vmem>>
      %dma_start3A_148 = arith.constant 0 : i32
      %dma_start3A_149 = arith.constant 0 : i32
      %dma_start3A_150 = tpu.memref_slice %arg2[%dma_start3A_148, %dma_start3A_149] : memref<100000x8xf32, #tpu.memory_space<hbm>> -> memref<100000x8xf32, #tpu.memory_space<hbm>>
      tpu.enqueue_indirect_dma source(%dma_start3A_150 : memref<100000x8xf32, #tpu.memory_space<hbm>>) target(%dma_start3A_144 : memref<128x8xf32, #tpu.memory_space<vmem>>) offsets(%dma_start3A_147 : memref<128xi32, #tpu.memory_space<vmem>>) semaphore(%arg12 : memref<!tpu.dma_semaphore, #tpu.memory_space<semaphore_mem>>)
      %dma_start3A_151 = arith.constant 4 : i32
      %dma_start3A_152 = arith.constant 512 : i32
      %dma_start3A_153 = arith.constant 0 : i32
      %dma_start3A_154 = tpu.memref_slice %arg9[%dma_start3A_152, %dma_start3A_153] : memref<1024x8xf32, #tpu.memory_space<vmem>> -> memref<128x8xf32, #tpu.memory_space<vmem>>
      %dma_start3A_155 = arith.constant 0 : i32
      %dma_start3A_156 = tpu.memref_slice %arg7[%dma_start3A_151, %dma_start3A_155] : memref<8x128xi32, #tpu.memory_space<vmem>> -> memref<1x128xi32, #tpu.memory_space<vmem>>
      %dma_start3A_157 = tpu.memref_squeeze %dma_start3A_156 : memref<1x128xi32, #tpu.memory_space<vmem>> -> memref<128xi32, #tpu.memory_space<vmem>>
      %dma_start3A_158 = arith.constant 0 : i32
      %dma_start3A_159 = arith.constant 0 : i32
      %dma_start3A_160 = tpu.memref_slice %arg2[%dma_start3A_158, %dma_start3A_159] : memref<100000x8xf32, #tpu.memory_space<hbm>> -> memref<100000x8xf32, #tpu.memory_space<hbm>>
      tpu.enqueue_indirect_dma source(%dma_start3A_160 : memref<100000x8xf32, #tpu.memory_space<hbm>>) target(%dma_start3A_154 : memref<128x8xf32, #tpu.memory_space<vmem>>) offsets(%dma_start3A_157 : memref<128xi32, #tpu.memory_space<vmem>>) semaphore(%arg12 : memref<!tpu.dma_semaphore, #tpu.memory_space<semaphore_mem>>)
      %dma_start3A_161 = arith.constant 5 : i32
      %dma_start3A_162 = arith.constant 640 : i32
      %dma_start3A_163 = arith.constant 0 : i32
      %dma_start3A_164 = tpu.memref_slice %arg8[%dma_start3A_162, %dma_start3A_163] : memref<1024x8xf32, #tpu.memory_space<vmem>> -> memref<128x8xf32, #tpu.memory_space<vmem>>
      %dma_start3A_165 = arith.constant 0 : i32
      %dma_start3A_166 = tpu.memref_slice %arg6[%dma_start3A_161, %dma_start3A_165] : memref<8x128xi32, #tpu.memory_space<vmem>> -> memref<1x128xi32, #tpu.memory_space<vmem>>
      %dma_start3A_167 = tpu.memref_squeeze %dma_start3A_166 : memref<1x128xi32, #tpu.memory_space<vmem>> -> memref<128xi32, #tpu.memory_space<vmem>>
      %dma_start3A_168 = arith.constant 0 : i32
      %dma_start3A_169 = arith.constant 0 : i32
      %dma_start3A_170 = tpu.memref_slice %arg2[%dma_start3A_168, %dma_start3A_169] : memref<100000x8xf32, #tpu.memory_space<hbm>> -> memref<100000x8xf32, #tpu.memory_space<hbm>>
      tpu.enqueue_indirect_dma source(%dma_start3A_170 : memref<100000x8xf32, #tpu.memory_space<hbm>>) target(%dma_start3A_164 : memref<128x8xf32, #tpu.memory_space<vmem>>) offsets(%dma_start3A_167 : memref<128xi32, #tpu.memory_space<vmem>>) semaphore(%arg12 : memref<!tpu.dma_semaphore, #tpu.memory_space<semaphore_mem>>)
      %dma_start3A_171 = arith.constant 5 : i32
      %dma_start3A_172 = arith.constant 640 : i32
      %dma_start3A_173 = arith.constant 0 : i32
      %dma_start3A_174 = tpu.memref_slice %arg9[%dma_start3A_172, %dma_start3A_173] : memref<1024x8xf32, #tpu.memory_space<vmem>> -> memref<128x8xf32, #tpu.memory_space<vmem>>
      %dma_start3A_175 = arith.constant 0 : i32
      %dma_start3A_176 = tpu.memref_slice %arg7[%dma_start3A_171, %dma_start3A_175] : memref<8x128xi32, #tpu.memory_space<vmem>> -> memref<1x128xi32, #tpu.memory_space<vmem>>
      %dma_start3A_177 = tpu.memref_squeeze %dma_start3A_176 : memref<1x128xi32, #tpu.memory_space<vmem>> -> memref<128xi32, #tpu.memory_space<vmem>>
      %dma_start3A_178 = arith.constant 0 : i32
      %dma_start3A_179 = arith.constant 0 : i32
      %dma_start3A_180 = tpu.memref_slice %arg2[%dma_start3A_178, %dma_start3A_179] : memref<100000x8xf32, #tpu.memory_space<hbm>> -> memref<100000x8xf32, #tpu.memory_space<hbm>>
      tpu.enqueue_indirect_dma source(%dma_start3A_180 : memref<100000x8xf32, #tpu.memory_space<hbm>>) target(%dma_start3A_174 : memref<128x8xf32, #tpu.memory_space<vmem>>) offsets(%dma_start3A_177 : memref<128xi32, #tpu.memory_space<vmem>>) semaphore(%arg12 : memref<!tpu.dma_semaphore, #tpu.memory_space<semaphore_mem>>)
      %dma_start3A_181 = arith.constant 6 : i32
      %dma_start3A_182 = arith.constant 768 : i32
      %dma_start3A_183 = arith.constant 0 : i32
      %dma_start3A_184 = tpu.memref_slice %arg8[%dma_start3A_182, %dma_start3A_183] : memref<1024x8xf32, #tpu.memory_space<vmem>> -> memref<128x8xf32, #tpu.memory_space<vmem>>
      %dma_start3A_185 = arith.constant 0 : i32
      %dma_start3A_186 = tpu.memref_slice %arg6[%dma_start3A_181, %dma_start3A_185] : memref<8x128xi32, #tpu.memory_space<vmem>> -> memref<1x128xi32, #tpu.memory_space<vmem>>
      %dma_start3A_187 = tpu.memref_squeeze %dma_start3A_186 : memref<1x128xi32, #tpu.memory_space<vmem>> -> memref<128xi32, #tpu.memory_space<vmem>>
      %dma_start3A_188 = arith.constant 0 : i32
      %dma_start3A_189 = arith.constant 0 : i32
      %dma_start3A_190 = tpu.memref_slice %arg2[%dma_start3A_188, %dma_start3A_189] : memref<100000x8xf32, #tpu.memory_space<hbm>> -> memref<100000x8xf32, #tpu.memory_space<hbm>>
      tpu.enqueue_indirect_dma source(%dma_start3A_190 : memref<100000x8xf32, #tpu.memory_space<hbm>>) target(%dma_start3A_184 : memref<128x8xf32, #tpu.memory_space<vmem>>) offsets(%dma_start3A_187 : memref<128xi32, #tpu.memory_space<vmem>>) semaphore(%arg12 : memref<!tpu.dma_semaphore, #tpu.memory_space<semaphore_mem>>)
      %dma_start3A_191 = arith.constant 6 : i32
      %dma_start3A_192 = arith.constant 768 : i32
      %dma_start3A_193 = arith.constant 0 : i32
      %dma_start3A_194 = tpu.memref_slice %arg9[%dma_start3A_192, %dma_start3A_193] : memref<1024x8xf32, #tpu.memory_space<vmem>> -> memref<128x8xf32, #tpu.memory_space<vmem>>
      %dma_start3A_195 = arith.constant 0 : i32
      %dma_start3A_196 = tpu.memref_slice %arg7[%dma_start3A_191, %dma_start3A_195] : memref<8x128xi32, #tpu.memory_space<vmem>> -> memref<1x128xi32, #tpu.memory_space<vmem>>
      %dma_start3A_197 = tpu.memref_squeeze %dma_start3A_196 : memref<1x128xi32, #tpu.memory_space<vmem>> -> memref<128xi32, #tpu.memory_space<vmem>>
      %dma_start3A_198 = arith.constant 0 : i32
      %dma_start3A_199 = arith.constant 0 : i32
      %dma_start3A_200 = tpu.memref_slice %arg2[%dma_start3A_198, %dma_start3A_199] : memref<100000x8xf32, #tpu.memory_space<hbm>> -> memref<100000x8xf32, #tpu.memory_space<hbm>>
      tpu.enqueue_indirect_dma source(%dma_start3A_200 : memref<100000x8xf32, #tpu.memory_space<hbm>>) target(%dma_start3A_194 : memref<128x8xf32, #tpu.memory_space<vmem>>) offsets(%dma_start3A_197 : memref<128xi32, #tpu.memory_space<vmem>>) semaphore(%arg12 : memref<!tpu.dma_semaphore, #tpu.memory_space<semaphore_mem>>)
      %dma_start3A_201 = arith.constant 7 : i32
      %dma_start3A_202 = arith.constant 896 : i32
      %dma_start3A_203 = arith.constant 0 : i32
      %dma_start3A_204 = tpu.memref_slice %arg8[%dma_start3A_202, %dma_start3A_203] : memref<1024x8xf32, #tpu.memory_space<vmem>> -> memref<128x8xf32, #tpu.memory_space<vmem>>
      %dma_start3A_205 = arith.constant 0 : i32
      %dma_start3A_206 = tpu.memref_slice %arg6[%dma_start3A_201, %dma_start3A_205] : memref<8x128xi32, #tpu.memory_space<vmem>> -> memref<1x128xi32, #tpu.memory_space<vmem>>
      %dma_start3A_207 = tpu.memref_squeeze %dma_start3A_206 : memref<1x128xi32, #tpu.memory_space<vmem>> -> memref<128xi32, #tpu.memory_space<vmem>>
      %dma_start3A_208 = arith.constant 0 : i32
      %dma_start3A_209 = arith.constant 0 : i32
      %dma_start3A_210 = tpu.memref_slice %arg2[%dma_start3A_208, %dma_start3A_209] : memref<100000x8xf32, #tpu.memory_space<hbm>> -> memref<100000x8xf32, #tpu.memory_space<hbm>>
      tpu.enqueue_indirect_dma source(%dma_start3A_210 : memref<100000x8xf32, #tpu.memory_space<hbm>>) target(%dma_start3A_204 : memref<128x8xf32, #tpu.memory_space<vmem>>) offsets(%dma_start3A_207 : memref<128xi32, #tpu.memory_space<vmem>>) semaphore(%arg12 : memref<!tpu.dma_semaphore, #tpu.memory_space<semaphore_mem>>)
      %dma_start3A_211 = arith.constant 7 : i32
      %dma_start3A_212 = arith.constant 896 : i32
      %dma_start3A_213 = arith.constant 0 : i32
      %dma_start3A_214 = tpu.memref_slice %arg9[%dma_start3A_212, %dma_start3A_213] : memref<1024x8xf32, #tpu.memory_space<vmem>> -> memref<128x8xf32, #tpu.memory_space<vmem>>
      %dma_start3A_215 = arith.constant 0 : i32
      %dma_start3A_216 = tpu.memref_slice %arg7[%dma_start3A_211, %dma_start3A_215] : memref<8x128xi32, #tpu.memory_space<vmem>> -> memref<1x128xi32, #tpu.memory_space<vmem>>
      %dma_start3A_217 = tpu.memref_squeeze %dma_start3A_216 : memref<1x128xi32, #tpu.memory_space<vmem>> -> memref<128xi32, #tpu.memory_space<vmem>>
      %dma_start3A_218 = arith.constant 0 : i32
      %dma_start3A_219 = arith.constant 0 : i32
      %dma_start3A_220 = tpu.memref_slice %arg2[%dma_start3A_218, %dma_start3A_219] : memref<100000x8xf32, #tpu.memory_space<hbm>> -> memref<100000x8xf32, #tpu.memory_space<hbm>>
      tpu.enqueue_indirect_dma source(%dma_start3A_220 : memref<100000x8xf32, #tpu.memory_space<hbm>>) target(%dma_start3A_214 : memref<128x8xf32, #tpu.memory_space<vmem>>) offsets(%dma_start3A_217 : memref<128xi32, #tpu.memory_space<vmem>>) semaphore(%arg12 : memref<!tpu.dma_semaphore, #tpu.memory_space<semaphore_mem>>)
    } else {
    }
    %scan3A_33 = arith.constant 0 : i32
    %scan3A_34 = arith.constant 0 : i32
    %scan3A_35 = arith.constant 49 : i32
    %scan3A_36 = arith.addi %scan3A_34, %scan3A_35 : i32
    %scan3A_37 = arith.constant 1 : i32
    %scan3A_38 = scf.for %scan3A_41 = %scan3A_34 to %scan3A_36 step %scan3A_37 iter_args(%scan3A_42 = %scan3A_33) -> (i32)  : i32 {
      %mul3A_43 = arith.constant 2 : i32
      %mul3A_44 = arith.muli %mul3A_43, %scan3A_41 : i32
      %add3A_45 = arith.constant 1 : i32
      %add3A_46 = arith.addi %mul3A_44, %add3A_45 : i32
      %lt3A = arith.cmpi slt, %add3A_46, %min3A : i32
      %convert_element_type3A_47 = arith.extui %lt3A : i1 to i32
      %cond3A_48 = arith.constant 0 : i32
      %cond3A_49 = arith.cmpi ne, %convert_element_type3A_47, %cond3A_48 : i32
      scf.if %cond3A_49 {
        %add3A_69 = arith.constant 1 : i32
        %add3A_70 = arith.addi %mul3A_44, %add3A_69 : i32
        %mul3A_71 = arith.constant 8 : i32
        %mul3A_72 = arith.muli %add3A_70, %mul3A_71 : i32
        %add3A_73 = arith.addi %mul3A_10, %mul3A_72 : i32
        %dma_start3A = arith.constant 0 : i32
        %dma_start3A_74 = tpu.memref_slice %arg3[%add3A_73, %dma_start3A] : memref<25000x128xi32, #tpu.memory_space<hbm>> -> memref<8x128xi32, #tpu.memory_space<hbm>>
        %dma_start3A_75 = arith.constant 0 : i32
        %dma_start3A_76 = tpu.memref_slice %arg3[%add3A_73, %dma_start3A_75] : memref<25000x128xi32, #tpu.memory_space<hbm>> -> memref<8x128xi32, #tpu.memory_space<hbm>>
        tpu.enqueue_dma source(%dma_start3A_76 : memref<8x128xi32, #tpu.memory_space<hbm>>) target(%arg14 : memref<8x128xi32, #tpu.memory_space<vmem>>) target_semaphore(%arg19 : memref<!tpu.dma_semaphore, #tpu.memory_space<semaphore_mem>>)
        %dma_start3A_77 = arith.constant 0 : i32
        %dma_start3A_78 = tpu.memref_slice %arg4[%add3A_73, %dma_start3A_77] : memref<25000x128xi32, #tpu.memory_space<hbm>> -> memref<8x128xi32, #tpu.memory_space<hbm>>
        %dma_start3A_79 = arith.constant 0 : i32
        %dma_start3A_80 = tpu.memref_slice %arg4[%add3A_73, %dma_start3A_79] : memref<25000x128xi32, #tpu.memory_space<hbm>> -> memref<8x128xi32, #tpu.memory_space<hbm>>
        tpu.enqueue_dma source(%dma_start3A_80 : memref<8x128xi32, #tpu.memory_space<hbm>>) target(%arg15 : memref<8x128xi32, #tpu.memory_space<vmem>>) target_semaphore(%arg19 : memref<!tpu.dma_semaphore, #tpu.memory_space<semaphore_mem>>)
        %dma_wait3A = arith.constant 0 : i32
        %dma_wait3A_81 = arith.constant 0 : i32
        %dma_wait3A_82 = tpu.memref_slice %arg3[%dma_wait3A, %dma_wait3A_81] : memref<25000x128xi32, #tpu.memory_space<hbm>> -> memref<8x128xi32, #tpu.memory_space<hbm>>
        %dma_wait3A_83 = arith.constant 0 : i32
        %dma_wait3A_84 = arith.constant 0 : i32
        %dma_wait3A_85 = tpu.memref_slice %arg3[%dma_wait3A_83, %dma_wait3A_84] : memref<25000x128xi32, #tpu.memory_space<hbm>> -> memref<8x128xi32, #tpu.memory_space<hbm>>
        tpu.wait_dma2 semaphore(%arg19 : memref<!tpu.dma_semaphore, #tpu.memory_space<semaphore_mem>>) src(%dma_wait3A_85 : memref<8x128xi32, #tpu.memory_space<hbm>>) dst(%arg14 : memref<8x128xi32, #tpu.memory_space<vmem>>)
        %dma_wait3A_86 = arith.constant 0 : i32
        %dma_wait3A_87 = arith.constant 0 : i32
        %dma_wait3A_88 = tpu.memref_slice %arg4[%dma_wait3A_86, %dma_wait3A_87] : memref<25000x128xi32, #tpu.memory_space<hbm>> -> memref<8x128xi32, #tpu.memory_space<hbm>>
        %dma_wait3A_89 = arith.constant 0 : i32
        %dma_wait3A_90 = arith.constant 0 : i32
        %dma_wait3A_91 = tpu.memref_slice %arg4[%dma_wait3A_89, %dma_wait3A_90] : memref<25000x128xi32, #tpu.memory_space<hbm>> -> memref<8x128xi32, #tpu.memory_space<hbm>>
        tpu.wait_dma2 semaphore(%arg19 : memref<!tpu.dma_semaphore, #tpu.memory_space<semaphore_mem>>) src(%dma_wait3A_91 : memref<8x128xi32, #tpu.memory_space<hbm>>) dst(%arg15 : memref<8x128xi32, #tpu.memory_space<vmem>>)
        %dma_start3A_92 = arith.constant 0 : i32
        %dma_start3A_93 = arith.constant 0 : i32
        %dma_start3A_94 = arith.constant 0 : i32
        %dma_start3A_95 = tpu.memref_slice %arg16[%dma_start3A_93, %dma_start3A_94] : memref<1024x8xf32, #tpu.memory_space<vmem>> -> memref<128x8xf32, #tpu.memory_space<vmem>>
        %dma_start3A_96 = arith.constant 0 : i32
        %dma_start3A_97 = tpu.memref_slice %arg14[%dma_start3A_92, %dma_start3A_96] : memref<8x128xi32, #tpu.memory_space<vmem>> -> memref<1x128xi32, #tpu.memory_space<vmem>>
        %dma_start3A_98 = tpu.memref_squeeze %dma_start3A_97 : memref<1x128xi32, #tpu.memory_space<vmem>> -> memref<128xi32, #tpu.memory_space<vmem>>
        %dma_start3A_99 = arith.constant 0 : i32
        %dma_start3A_100 = arith.constant 0 : i32
        %dma_start3A_101 = tpu.memref_slice %arg2[%dma_start3A_99, %dma_start3A_100] : memref<100000x8xf32, #tpu.memory_space<hbm>> -> memref<100000x8xf32, #tpu.memory_space<hbm>>
        tpu.enqueue_indirect_dma source(%dma_start3A_101 : memref<100000x8xf32, #tpu.memory_space<hbm>>) target(%dma_start3A_95 : memref<128x8xf32, #tpu.memory_space<vmem>>) offsets(%dma_start3A_98 : memref<128xi32, #tpu.memory_space<vmem>>) semaphore(%arg20 : memref<!tpu.dma_semaphore, #tpu.memory_space<semaphore_mem>>)
        %dma_start3A_102 = arith.constant 0 : i32
        %dma_start3A_103 = arith.constant 0 : i32
        %dma_start3A_104 = arith.constant 0 : i32
        %dma_start3A_105 = tpu.memref_slice %arg17[%dma_start3A_103, %dma_start3A_104] : memref<1024x8xf32, #tpu.memory_space<vmem>> -> memref<128x8xf32, #tpu.memory_space<vmem>>
        %dma_start3A_106 = arith.constant 0 : i32
        %dma_start3A_107 = tpu.memref_slice %arg15[%dma_start3A_102, %dma_start3A_106] : memref<8x128xi32, #tpu.memory_space<vmem>> -> memref<1x128xi32, #tpu.memory_space<vmem>>
        %dma_start3A_108 = tpu.memref_squeeze %dma_start3A_107 : memref<1x128xi32, #tpu.memory_space<vmem>> -> memref<128xi32, #tpu.memory_space<vmem>>
        %dma_start3A_109 = arith.constant 0 : i32
        %dma_start3A_110 = arith.constant 0 : i32
        %dma_start3A_111 = tpu.memref_slice %arg2[%dma_start3A_109, %dma_start3A_110] : memref<100000x8xf32, #tpu.memory_space<hbm>> -> memref<100000x8xf32, #tpu.memory_space<hbm>>
        tpu.enqueue_indirect_dma source(%dma_start3A_111 : memref<100000x8xf32, #tpu.memory_space<hbm>>) target(%dma_start3A_105 : memref<128x8xf32, #tpu.memory_space<vmem>>) offsets(%dma_start3A_108 : memref<128xi32, #tpu.memory_space<vmem>>) semaphore(%arg20 : memref<!tpu.dma_semaphore, #tpu.memory_space<semaphore_mem>>)
        %dma_start3A_112 = arith.constant 1 : i32
        %dma_start3A_113 = arith.constant 128 : i32
        %dma_start3A_114 = arith.constant 0 : i32
        %dma_start3A_115 = tpu.memref_slice %arg16[%dma_start3A_113, %dma_start3A_114] : memref<1024x8xf32, #tpu.memory_space<vmem>> -> memref<128x8xf32, #tpu.memory_space<vmem>>
        %dma_start3A_116 = arith.constant 0 : i32
        %dma_start3A_117 = tpu.memref_slice %arg14[%dma_start3A_112, %dma_start3A_116] : memref<8x128xi32, #tpu.memory_space<vmem>> -> memref<1x128xi32, #tpu.memory_space<vmem>>
        %dma_start3A_118 = tpu.memref_squeeze %dma_start3A_117 : memref<1x128xi32, #tpu.memory_space<vmem>> -> memref<128xi32, #tpu.memory_space<vmem>>
        %dma_start3A_119 = arith.constant 0 : i32
        %dma_start3A_120 = arith.constant 0 : i32
        %dma_start3A_121 = tpu.memref_slice %arg2[%dma_start3A_119, %dma_start3A_120] : memref<100000x8xf32, #tpu.memory_space<hbm>> -> memref<100000x8xf32, #tpu.memory_space<hbm>>
        tpu.enqueue_indirect_dma source(%dma_start3A_121 : memref<100000x8xf32, #tpu.memory_space<hbm>>) target(%dma_start3A_115 : memref<128x8xf32, #tpu.memory_space<vmem>>) offsets(%dma_start3A_118 : memref<128xi32, #tpu.memory_space<vmem>>) semaphore(%arg20 : memref<!tpu.dma_semaphore, #tpu.memory_space<semaphore_mem>>)
        %dma_start3A_122 = arith.constant 1 : i32
        %dma_start3A_123 = arith.constant 128 : i32
        %dma_start3A_124 = arith.constant 0 : i32
        %dma_start3A_125 = tpu.memref_slice %arg17[%dma_start3A_123, %dma_start3A_124] : memref<1024x8xf32, #tpu.memory_space<vmem>> -> memref<128x8xf32, #tpu.memory_space<vmem>>
        %dma_start3A_126 = arith.constant 0 : i32
        %dma_start3A_127 = tpu.memref_slice %arg15[%dma_start3A_122, %dma_start3A_126] : memref<8x128xi32, #tpu.memory_space<vmem>> -> memref<1x128xi32, #tpu.memory_space<vmem>>
        %dma_start3A_128 = tpu.memref_squeeze %dma_start3A_127 : memref<1x128xi32, #tpu.memory_space<vmem>> -> memref<128xi32, #tpu.memory_space<vmem>>
        %dma_start3A_129 = arith.constant 0 : i32
        %dma_start3A_130 = arith.constant 0 : i32
        %dma_start3A_131 = tpu.memref_slice %arg2[%dma_start3A_129, %dma_start3A_130] : memref<100000x8xf32, #tpu.memory_space<hbm>> -> memref<100000x8xf32, #tpu.memory_space<hbm>>
        tpu.enqueue_indirect_dma source(%dma_start3A_131 : memref<100000x8xf32, #tpu.memory_space<hbm>>) target(%dma_start3A_125 : memref<128x8xf32, #tpu.memory_space<vmem>>) offsets(%dma_start3A_128 : memref<128xi32, #tpu.memory_space<vmem>>) semaphore(%arg20 : memref<!tpu.dma_semaphore, #tpu.memory_space<semaphore_mem>>)
        %dma_start3A_132 = arith.constant 2 : i32
        %dma_start3A_133 = arith.constant 256 : i32
        %dma_start3A_134 = arith.constant 0 : i32
        %dma_start3A_135 = tpu.memref_slice %arg16[%dma_start3A_133, %dma_start3A_134] : memref<1024x8xf32, #tpu.memory_space<vmem>> -> memref<128x8xf32, #tpu.memory_space<vmem>>
        %dma_start3A_136 = arith.constant 0 : i32
        %dma_start3A_137 = tpu.memref_slice %arg14[%dma_start3A_132, %dma_start3A_136] : memref<8x128xi32, #tpu.memory_space<vmem>> -> memref<1x128xi32, #tpu.memory_space<vmem>>
        %dma_start3A_138 = tpu.memref_squeeze %dma_start3A_137 : memref<1x128xi32, #tpu.memory_space<vmem>> -> memref<128xi32, #tpu.memory_space<vmem>>
        %dma_start3A_139 = arith.constant 0 : i32
        %dma_start3A_140 = arith.constant 0 : i32
        %dma_start3A_141 = tpu.memref_slice %arg2[%dma_start3A_139, %dma_start3A_140] : memref<100000x8xf32, #tpu.memory_space<hbm>> -> memref<100000x8xf32, #tpu.memory_space<hbm>>
        tpu.enqueue_indirect_dma source(%dma_start3A_141 : memref<100000x8xf32, #tpu.memory_space<hbm>>) target(%dma_start3A_135 : memref<128x8xf32, #tpu.memory_space<vmem>>) offsets(%dma_start3A_138 : memref<128xi32, #tpu.memory_space<vmem>>) semaphore(%arg20 : memref<!tpu.dma_semaphore, #tpu.memory_space<semaphore_mem>>)
        %dma_start3A_142 = arith.constant 2 : i32
        %dma_start3A_143 = arith.constant 256 : i32
        %dma_start3A_144 = arith.constant 0 : i32
        %dma_start3A_145 = tpu.memref_slice %arg17[%dma_start3A_143, %dma_start3A_144] : memref<1024x8xf32, #tpu.memory_space<vmem>> -> memref<128x8xf32, #tpu.memory_space<vmem>>
        %dma_start3A_146 = arith.constant 0 : i32
        %dma_start3A_147 = tpu.memref_slice %arg15[%dma_start3A_142, %dma_start3A_146] : memref<8x128xi32, #tpu.memory_space<vmem>> -> memref<1x128xi32, #tpu.memory_space<vmem>>
        %dma_start3A_148 = tpu.memref_squeeze %dma_start3A_147 : memref<1x128xi32, #tpu.memory_space<vmem>> -> memref<128xi32, #tpu.memory_space<vmem>>
        %dma_start3A_149 = arith.constant 0 : i32
        %dma_start3A_150 = arith.constant 0 : i32
        %dma_start3A_151 = tpu.memref_slice %arg2[%dma_start3A_149, %dma_start3A_150] : memref<100000x8xf32, #tpu.memory_space<hbm>> -> memref<100000x8xf32, #tpu.memory_space<hbm>>
        tpu.enqueue_indirect_dma source(%dma_start3A_151 : memref<100000x8xf32, #tpu.memory_space<hbm>>) target(%dma_start3A_145 : memref<128x8xf32, #tpu.memory_space<vmem>>) offsets(%dma_start3A_148 : memref<128xi32, #tpu.memory_space<vmem>>) semaphore(%arg20 : memref<!tpu.dma_semaphore, #tpu.memory_space<semaphore_mem>>)
        %dma_start3A_152 = arith.constant 3 : i32
        %dma_start3A_153 = arith.constant 384 : i32
        %dma_start3A_154 = arith.constant 0 : i32
        %dma_start3A_155 = tpu.memref_slice %arg16[%dma_start3A_153, %dma_start3A_154] : memref<1024x8xf32, #tpu.memory_space<vmem>> -> memref<128x8xf32, #tpu.memory_space<vmem>>
        %dma_start3A_156 = arith.constant 0 : i32
        %dma_start3A_157 = tpu.memref_slice %arg14[%dma_start3A_152, %dma_start3A_156] : memref<8x128xi32, #tpu.memory_space<vmem>> -> memref<1x128xi32, #tpu.memory_space<vmem>>
        %dma_start3A_158 = tpu.memref_squeeze %dma_start3A_157 : memref<1x128xi32, #tpu.memory_space<vmem>> -> memref<128xi32, #tpu.memory_space<vmem>>
        %dma_start3A_159 = arith.constant 0 : i32
        %dma_start3A_160 = arith.constant 0 : i32
        %dma_start3A_161 = tpu.memref_slice %arg2[%dma_start3A_159, %dma_start3A_160] : memref<100000x8xf32, #tpu.memory_space<hbm>> -> memref<100000x8xf32, #tpu.memory_space<hbm>>
        tpu.enqueue_indirect_dma source(%dma_start3A_161 : memref<100000x8xf32, #tpu.memory_space<hbm>>) target(%dma_start3A_155 : memref<128x8xf32, #tpu.memory_space<vmem>>) offsets(%dma_start3A_158 : memref<128xi32, #tpu.memory_space<vmem>>) semaphore(%arg20 : memref<!tpu.dma_semaphore, #tpu.memory_space<semaphore_mem>>)
        %dma_start3A_162 = arith.constant 3 : i32
        %dma_start3A_163 = arith.constant 384 : i32
        %dma_start3A_164 = arith.constant 0 : i32
        %dma_start3A_165 = tpu.memref_slice %arg17[%dma_start3A_163, %dma_start3A_164] : memref<1024x8xf32, #tpu.memory_space<vmem>> -> memref<128x8xf32, #tpu.memory_space<vmem>>
        %dma_start3A_166 = arith.constant 0 : i32
        %dma_start3A_167 = tpu.memref_slice %arg15[%dma_start3A_162, %dma_start3A_166] : memref<8x128xi32, #tpu.memory_space<vmem>> -> memref<1x128xi32, #tpu.memory_space<vmem>>
        %dma_start3A_168 = tpu.memref_squeeze %dma_start3A_167 : memref<1x128xi32, #tpu.memory_space<vmem>> -> memref<128xi32, #tpu.memory_space<vmem>>
        %dma_start3A_169 = arith.constant 0 : i32
        %dma_start3A_170 = arith.constant 0 : i32
        %dma_start3A_171 = tpu.memref_slice %arg2[%dma_start3A_169, %dma_start3A_170] : memref<100000x8xf32, #tpu.memory_space<hbm>> -> memref<100000x8xf32, #tpu.memory_space<hbm>>
        tpu.enqueue_indirect_dma source(%dma_start3A_171 : memref<100000x8xf32, #tpu.memory_space<hbm>>) target(%dma_start3A_165 : memref<128x8xf32, #tpu.memory_space<vmem>>) offsets(%dma_start3A_168 : memref<128xi32, #tpu.memory_space<vmem>>) semaphore(%arg20 : memref<!tpu.dma_semaphore, #tpu.memory_space<semaphore_mem>>)
        %dma_start3A_172 = arith.constant 4 : i32
        %dma_start3A_173 = arith.constant 512 : i32
        %dma_start3A_174 = arith.constant 0 : i32
        %dma_start3A_175 = tpu.memref_slice %arg16[%dma_start3A_173, %dma_start3A_174] : memref<1024x8xf32, #tpu.memory_space<vmem>> -> memref<128x8xf32, #tpu.memory_space<vmem>>
        %dma_start3A_176 = arith.constant 0 : i32
        %dma_start3A_177 = tpu.memref_slice %arg14[%dma_start3A_172, %dma_start3A_176] : memref<8x128xi32, #tpu.memory_space<vmem>> -> memref<1x128xi32, #tpu.memory_space<vmem>>
        %dma_start3A_178 = tpu.memref_squeeze %dma_start3A_177 : memref<1x128xi32, #tpu.memory_space<vmem>> -> memref<128xi32, #tpu.memory_space<vmem>>
        %dma_start3A_179 = arith.constant 0 : i32
        %dma_start3A_180 = arith.constant 0 : i32
        %dma_start3A_181 = tpu.memref_slice %arg2[%dma_start3A_179, %dma_start3A_180] : memref<100000x8xf32, #tpu.memory_space<hbm>> -> memref<100000x8xf32, #tpu.memory_space<hbm>>
        tpu.enqueue_indirect_dma source(%dma_start3A_181 : memref<100000x8xf32, #tpu.memory_space<hbm>>) target(%dma_start3A_175 : memref<128x8xf32, #tpu.memory_space<vmem>>) offsets(%dma_start3A_178 : memref<128xi32, #tpu.memory_space<vmem>>) semaphore(%arg20 : memref<!tpu.dma_semaphore, #tpu.memory_space<semaphore_mem>>)
        %dma_start3A_182 = arith.constant 4 : i32
        %dma_start3A_183 = arith.constant 512 : i32
        %dma_start3A_184 = arith.constant 0 : i32
        %dma_start3A_185 = tpu.memref_slice %arg17[%dma_start3A_183, %dma_start3A_184] : memref<1024x8xf32, #tpu.memory_space<vmem>> -> memref<128x8xf32, #tpu.memory_space<vmem>>
        %dma_start3A_186 = arith.constant 0 : i32
        %dma_start3A_187 = tpu.memref_slice %arg15[%dma_start3A_182, %dma_start3A_186] : memref<8x128xi32, #tpu.memory_space<vmem>> -> memref<1x128xi32, #tpu.memory_space<vmem>>
        %dma_start3A_188 = tpu.memref_squeeze %dma_start3A_187 : memref<1x128xi32, #tpu.memory_space<vmem>> -> memref<128xi32, #tpu.memory_space<vmem>>
        %dma_start3A_189 = arith.constant 0 : i32
        %dma_start3A_190 = arith.constant 0 : i32
        %dma_start3A_191 = tpu.memref_slice %arg2[%dma_start3A_189, %dma_start3A_190] : memref<100000x8xf32, #tpu.memory_space<hbm>> -> memref<100000x8xf32, #tpu.memory_space<hbm>>
        tpu.enqueue_indirect_dma source(%dma_start3A_191 : memref<100000x8xf32, #tpu.memory_space<hbm>>) target(%dma_start3A_185 : memref<128x8xf32, #tpu.memory_space<vmem>>) offsets(%dma_start3A_188 : memref<128xi32, #tpu.memory_space<vmem>>) semaphore(%arg20 : memref<!tpu.dma_semaphore, #tpu.memory_space<semaphore_mem>>)
        %dma_start3A_192 = arith.constant 5 : i32
        %dma_start3A_193 = arith.constant 640 : i32
        %dma_start3A_194 = arith.constant 0 : i32
        %dma_start3A_195 = tpu.memref_slice %arg16[%dma_start3A_193, %dma_start3A_194] : memref<1024x8xf32, #tpu.memory_space<vmem>> -> memref<128x8xf32, #tpu.memory_space<vmem>>
        %dma_start3A_196 = arith.constant 0 : i32
        %dma_start3A_197 = tpu.memref_slice %arg14[%dma_start3A_192, %dma_start3A_196] : memref<8x128xi32, #tpu.memory_space<vmem>> -> memref<1x128xi32, #tpu.memory_space<vmem>>
        %dma_start3A_198 = tpu.memref_squeeze %dma_start3A_197 : memref<1x128xi32, #tpu.memory_space<vmem>> -> memref<128xi32, #tpu.memory_space<vmem>>
        %dma_start3A_199 = arith.constant 0 : i32
        %dma_start3A_200 = arith.constant 0 : i32
        %dma_start3A_201 = tpu.memref_slice %arg2[%dma_start3A_199, %dma_start3A_200] : memref<100000x8xf32, #tpu.memory_space<hbm>> -> memref<100000x8xf32, #tpu.memory_space<hbm>>
        tpu.enqueue_indirect_dma source(%dma_start3A_201 : memref<100000x8xf32, #tpu.memory_space<hbm>>) target(%dma_start3A_195 : memref<128x8xf32, #tpu.memory_space<vmem>>) offsets(%dma_start3A_198 : memref<128xi32, #tpu.memory_space<vmem>>) semaphore(%arg20 : memref<!tpu.dma_semaphore, #tpu.memory_space<semaphore_mem>>)
        %dma_start3A_202 = arith.constant 5 : i32
        %dma_start3A_203 = arith.constant 640 : i32
        %dma_start3A_204 = arith.constant 0 : i32
        %dma_start3A_205 = tpu.memref_slice %arg17[%dma_start3A_203, %dma_start3A_204] : memref<1024x8xf32, #tpu.memory_space<vmem>> -> memref<128x8xf32, #tpu.memory_space<vmem>>
        %dma_start3A_206 = arith.constant 0 : i32
        %dma_start3A_207 = tpu.memref_slice %arg15[%dma_start3A_202, %dma_start3A_206] : memref<8x128xi32, #tpu.memory_space<vmem>> -> memref<1x128xi32, #tpu.memory_space<vmem>>
        %dma_start3A_208 = tpu.memref_squeeze %dma_start3A_207 : memref<1x128xi32, #tpu.memory_space<vmem>> -> memref<128xi32, #tpu.memory_space<vmem>>
        %dma_start3A_209 = arith.constant 0 : i32
        %dma_start3A_210 = arith.constant 0 : i32
        %dma_start3A_211 = tpu.memref_slice %arg2[%dma_start3A_209, %dma_start3A_210] : memref<100000x8xf32, #tpu.memory_space<hbm>> -> memref<100000x8xf32, #tpu.memory_space<hbm>>
        tpu.enqueue_indirect_dma source(%dma_start3A_211 : memref<100000x8xf32, #tpu.memory_space<hbm>>) target(%dma_start3A_205 : memref<128x8xf32, #tpu.memory_space<vmem>>) offsets(%dma_start3A_208 : memref<128xi32, #tpu.memory_space<vmem>>) semaphore(%arg20 : memref<!tpu.dma_semaphore, #tpu.memory_space<semaphore_mem>>)
        %dma_start3A_212 = arith.constant 6 : i32
        %dma_start3A_213 = arith.constant 768 : i32
        %dma_start3A_214 = arith.constant 0 : i32
        %dma_start3A_215 = tpu.memref_slice %arg16[%dma_start3A_213, %dma_start3A_214] : memref<1024x8xf32, #tpu.memory_space<vmem>> -> memref<128x8xf32, #tpu.memory_space<vmem>>
        %dma_start3A_216 = arith.constant 0 : i32
        %dma_start3A_217 = tpu.memref_slice %arg14[%dma_start3A_212, %dma_start3A_216] : memref<8x128xi32, #tpu.memory_space<vmem>> -> memref<1x128xi32, #tpu.memory_space<vmem>>
        %dma_start3A_218 = tpu.memref_squeeze %dma_start3A_217 : memref<1x128xi32, #tpu.memory_space<vmem>> -> memref<128xi32, #tpu.memory_space<vmem>>
        %dma_start3A_219 = arith.constant 0 : i32
        %dma_start3A_220 = arith.constant 0 : i32
        %dma_start3A_221 = tpu.memref_slice %arg2[%dma_start3A_219, %dma_start3A_220] : memref<100000x8xf32, #tpu.memory_space<hbm>> -> memref<100000x8xf32, #tpu.memory_space<hbm>>
        tpu.enqueue_indirect_dma source(%dma_start3A_221 : memref<100000x8xf32, #tpu.memory_space<hbm>>) target(%dma_start3A_215 : memref<128x8xf32, #tpu.memory_space<vmem>>) offsets(%dma_start3A_218 : memref<128xi32, #tpu.memory_space<vmem>>) semaphore(%arg20 : memref<!tpu.dma_semaphore, #tpu.memory_space<semaphore_mem>>)
        %dma_start3A_222 = arith.constant 6 : i32
        %dma_start3A_223 = arith.constant 768 : i32
        %dma_start3A_224 = arith.constant 0 : i32
        %dma_start3A_225 = tpu.memref_slice %arg17[%dma_start3A_223, %dma_start3A_224] : memref<1024x8xf32, #tpu.memory_space<vmem>> -> memref<128x8xf32, #tpu.memory_space<vmem>>
        %dma_start3A_226 = arith.constant 0 : i32
        %dma_start3A_227 = tpu.memref_slice %arg15[%dma_start3A_222, %dma_start3A_226] : memref<8x128xi32, #tpu.memory_space<vmem>> -> memref<1x128xi32, #tpu.memory_space<vmem>>
        %dma_start3A_228 = tpu.memref_squeeze %dma_start3A_227 : memref<1x128xi32, #tpu.memory_space<vmem>> -> memref<128xi32, #tpu.memory_space<vmem>>
        %dma_start3A_229 = arith.constant 0 : i32
        %dma_start3A_230 = arith.constant 0 : i32
        %dma_start3A_231 = tpu.memref_slice %arg2[%dma_start3A_229, %dma_start3A_230] : memref<100000x8xf32, #tpu.memory_space<hbm>> -> memref<100000x8xf32, #tpu.memory_space<hbm>>
        tpu.enqueue_indirect_dma source(%dma_start3A_231 : memref<100000x8xf32, #tpu.memory_space<hbm>>) target(%dma_start3A_225 : memref<128x8xf32, #tpu.memory_space<vmem>>) offsets(%dma_start3A_228 : memref<128xi32, #tpu.memory_space<vmem>>) semaphore(%arg20 : memref<!tpu.dma_semaphore, #tpu.memory_space<semaphore_mem>>)
        %dma_start3A_232 = arith.constant 7 : i32
        %dma_start3A_233 = arith.constant 896 : i32
        %dma_start3A_234 = arith.constant 0 : i32
        %dma_start3A_235 = tpu.memref_slice %arg16[%dma_start3A_233, %dma_start3A_234] : memref<1024x8xf32, #tpu.memory_space<vmem>> -> memref<128x8xf32, #tpu.memory_space<vmem>>
        %dma_start3A_236 = arith.constant 0 : i32
        %dma_start3A_237 = tpu.memref_slice %arg14[%dma_start3A_232, %dma_start3A_236] : memref<8x128xi32, #tpu.memory_space<vmem>> -> memref<1x128xi32, #tpu.memory_space<vmem>>
        %dma_start3A_238 = tpu.memref_squeeze %dma_start3A_237 : memref<1x128xi32, #tpu.memory_space<vmem>> -> memref<128xi32, #tpu.memory_space<vmem>>
        %dma_start3A_239 = arith.constant 0 : i32
        %dma_start3A_240 = arith.constant 0 : i32
        %dma_start3A_241 = tpu.memref_slice %arg2[%dma_start3A_239, %dma_start3A_240] : memref<100000x8xf32, #tpu.memory_space<hbm>> -> memref<100000x8xf32, #tpu.memory_space<hbm>>
        tpu.enqueue_indirect_dma source(%dma_start3A_241 : memref<100000x8xf32, #tpu.memory_space<hbm>>) target(%dma_start3A_235 : memref<128x8xf32, #tpu.memory_space<vmem>>) offsets(%dma_start3A_238 : memref<128xi32, #tpu.memory_space<vmem>>) semaphore(%arg20 : memref<!tpu.dma_semaphore, #tpu.memory_space<semaphore_mem>>)
        %dma_start3A_242 = arith.constant 7 : i32
        %dma_start3A_243 = arith.constant 896 : i32
        %dma_start3A_244 = arith.constant 0 : i32
        %dma_start3A_245 = tpu.memref_slice %arg17[%dma_start3A_243, %dma_start3A_244] : memref<1024x8xf32, #tpu.memory_space<vmem>> -> memref<128x8xf32, #tpu.memory_space<vmem>>
        %dma_start3A_246 = arith.constant 0 : i32
        %dma_start3A_247 = tpu.memref_slice %arg15[%dma_start3A_242, %dma_start3A_246] : memref<8x128xi32, #tpu.memory_space<vmem>> -> memref<1x128xi32, #tpu.memory_space<vmem>>
        %dma_start3A_248 = tpu.memref_squeeze %dma_start3A_247 : memref<1x128xi32, #tpu.memory_space<vmem>> -> memref<128xi32, #tpu.memory_space<vmem>>
        %dma_start3A_249 = arith.constant 0 : i32
        %dma_start3A_250 = arith.constant 0 : i32
        %dma_start3A_251 = tpu.memref_slice %arg2[%dma_start3A_249, %dma_start3A_250] : memref<100000x8xf32, #tpu.memory_space<hbm>> -> memref<100000x8xf32, #tpu.memory_space<hbm>>
        tpu.enqueue_indirect_dma source(%dma_start3A_251 : memref<100000x8xf32, #tpu.memory_space<hbm>>) target(%dma_start3A_245 : memref<128x8xf32, #tpu.memory_space<vmem>>) offsets(%dma_start3A_248 : memref<128xi32, #tpu.memory_space<vmem>>) semaphore(%arg20 : memref<!tpu.dma_semaphore, #tpu.memory_space<semaphore_mem>>)
      } else {
      }
      %lt3A_50 = arith.cmpi slt, %mul3A_44, %min3A : i32
      %convert_element_type3A_51 = arith.extui %lt3A_50 : i1 to i32
      %cond3A_52 = arith.constant 0 : i32
      %cond3A_53 = arith.cmpi ne, %convert_element_type3A_51, %cond3A_52 : i32
      scf.if %cond3A_53 {
        %dma_wait3A = arith.constant 0 : i32
        %dma_wait3A_69 = arith.constant 0 : i32
        %dma_wait3A_70 = arith.constant 0 : i32
        %dma_wait3A_71 = tpu.memref_slice %arg8[%dma_wait3A_69, %dma_wait3A_70] : memref<1024x8xf32, #tpu.memory_space<vmem>> -> memref<128x8xf32, #tpu.memory_space<vmem>>
        %dma_wait3A_72 = arith.constant 0 : i32
        %dma_wait3A_73 = tpu.memref_slice %arg6[%dma_wait3A, %dma_wait3A_72] : memref<8x128xi32, #tpu.memory_space<vmem>> -> memref<1x128xi32, #tpu.memory_space<vmem>>
        %dma_wait3A_74 = tpu.memref_squeeze %dma_wait3A_73 : memref<1x128xi32, #tpu.memory_space<vmem>> -> memref<128xi32, #tpu.memory_space<vmem>>
        %dma_wait3A_75 = arith.constant 0 : i32
        %dma_wait3A_76 = arith.constant 0 : i32
        %dma_wait3A_77 = tpu.memref_slice %arg2[%dma_wait3A_75, %dma_wait3A_76] : memref<100000x8xf32, #tpu.memory_space<hbm>> -> memref<100000x8xf32, #tpu.memory_space<hbm>>
        tpu.wait_indirect_dma semaphore(%arg12 : memref<!tpu.dma_semaphore, #tpu.memory_space<semaphore_mem>>) src(%dma_wait3A_77 : memref<100000x8xf32, #tpu.memory_space<hbm>>) dst(%dma_wait3A_71 : memref<128x8xf32, #tpu.memory_space<vmem>>)
        %dma_wait3A_78 = arith.constant 0 : i32
        %dma_wait3A_79 = arith.constant 0 : i32
        %dma_wait3A_80 = arith.constant 0 : i32
        %dma_wait3A_81 = tpu.memref_slice %arg9[%dma_wait3A_79, %dma_wait3A_80] : memref<1024x8xf32, #tpu.memory_space<vmem>> -> memref<128x8xf32, #tpu.memory_space<vmem>>
        %dma_wait3A_82 = arith.constant 0 : i32
        %dma_wait3A_83 = tpu.memref_slice %arg7[%dma_wait3A_78, %dma_wait3A_82] : memref<8x128xi32, #tpu.memory_space<vmem>> -> memref<1x128xi32, #tpu.memory_space<vmem>>
        %dma_wait3A_84 = tpu.memref_squeeze %dma_wait3A_83 : memref<1x128xi32, #tpu.memory_space<vmem>> -> memref<128xi32, #tpu.memory_space<vmem>>
        %dma_wait3A_85 = arith.constant 0 : i32
        %dma_wait3A_86 = arith.constant 0 : i32
        %dma_wait3A_87 = tpu.memref_slice %arg2[%dma_wait3A_85, %dma_wait3A_86] : memref<100000x8xf32, #tpu.memory_space<hbm>> -> memref<100000x8xf32, #tpu.memory_space<hbm>>
        tpu.wait_indirect_dma semaphore(%arg12 : memref<!tpu.dma_semaphore, #tpu.memory_space<semaphore_mem>>) src(%dma_wait3A_87 : memref<100000x8xf32, #tpu.memory_space<hbm>>) dst(%dma_wait3A_81 : memref<128x8xf32, #tpu.memory_space<vmem>>)
        %dma_wait3A_88 = arith.constant 1 : i32
        %dma_wait3A_89 = arith.constant 128 : i32
        %dma_wait3A_90 = arith.constant 0 : i32
        %dma_wait3A_91 = tpu.memref_slice %arg8[%dma_wait3A_89, %dma_wait3A_90] : memref<1024x8xf32, #tpu.memory_space<vmem>> -> memref<128x8xf32, #tpu.memory_space<vmem>>
        %dma_wait3A_92 = arith.constant 0 : i32
        %dma_wait3A_93 = tpu.memref_slice %arg6[%dma_wait3A_88, %dma_wait3A_92] : memref<8x128xi32, #tpu.memory_space<vmem>> -> memref<1x128xi32, #tpu.memory_space<vmem>>
        %dma_wait3A_94 = tpu.memref_squeeze %dma_wait3A_93 : memref<1x128xi32, #tpu.memory_space<vmem>> -> memref<128xi32, #tpu.memory_space<vmem>>
        %dma_wait3A_95 = arith.constant 0 : i32
        %dma_wait3A_96 = arith.constant 0 : i32
        %dma_wait3A_97 = tpu.memref_slice %arg2[%dma_wait3A_95, %dma_wait3A_96] : memref<100000x8xf32, #tpu.memory_space<hbm>> -> memref<100000x8xf32, #tpu.memory_space<hbm>>
        tpu.wait_indirect_dma semaphore(%arg12 : memref<!tpu.dma_semaphore, #tpu.memory_space<semaphore_mem>>) src(%dma_wait3A_97 : memref<100000x8xf32, #tpu.memory_space<hbm>>) dst(%dma_wait3A_91 : memref<128x8xf32, #tpu.memory_space<vmem>>)
        %dma_wait3A_98 = arith.constant 1 : i32
        %dma_wait3A_99 = arith.constant 128 : i32
        %dma_wait3A_100 = arith.constant 0 : i32
        %dma_wait3A_101 = tpu.memref_slice %arg9[%dma_wait3A_99, %dma_wait3A_100] : memref<1024x8xf32, #tpu.memory_space<vmem>> -> memref<128x8xf32, #tpu.memory_space<vmem>>
        %dma_wait3A_102 = arith.constant 0 : i32
        %dma_wait3A_103 = tpu.memref_slice %arg7[%dma_wait3A_98, %dma_wait3A_102] : memref<8x128xi32, #tpu.memory_space<vmem>> -> memref<1x128xi32, #tpu.memory_space<vmem>>
        %dma_wait3A_104 = tpu.memref_squeeze %dma_wait3A_103 : memref<1x128xi32, #tpu.memory_space<vmem>> -> memref<128xi32, #tpu.memory_space<vmem>>
        %dma_wait3A_105 = arith.constant 0 : i32
        %dma_wait3A_106 = arith.constant 0 : i32
        %dma_wait3A_107 = tpu.memref_slice %arg2[%dma_wait3A_105, %dma_wait3A_106] : memref<100000x8xf32, #tpu.memory_space<hbm>> -> memref<100000x8xf32, #tpu.memory_space<hbm>>
        tpu.wait_indirect_dma semaphore(%arg12 : memref<!tpu.dma_semaphore, #tpu.memory_space<semaphore_mem>>) src(%dma_wait3A_107 : memref<100000x8xf32, #tpu.memory_space<hbm>>) dst(%dma_wait3A_101 : memref<128x8xf32, #tpu.memory_space<vmem>>)
        %dma_wait3A_108 = arith.constant 2 : i32
        %dma_wait3A_109 = arith.constant 256 : i32
        %dma_wait3A_110 = arith.constant 0 : i32
        %dma_wait3A_111 = tpu.memref_slice %arg8[%dma_wait3A_109, %dma_wait3A_110] : memref<1024x8xf32, #tpu.memory_space<vmem>> -> memref<128x8xf32, #tpu.memory_space<vmem>>
        %dma_wait3A_112 = arith.constant 0 : i32
        %dma_wait3A_113 = tpu.memref_slice %arg6[%dma_wait3A_108, %dma_wait3A_112] : memref<8x128xi32, #tpu.memory_space<vmem>> -> memref<1x128xi32, #tpu.memory_space<vmem>>
        %dma_wait3A_114 = tpu.memref_squeeze %dma_wait3A_113 : memref<1x128xi32, #tpu.memory_space<vmem>> -> memref<128xi32, #tpu.memory_space<vmem>>
        %dma_wait3A_115 = arith.constant 0 : i32
        %dma_wait3A_116 = arith.constant 0 : i32
        %dma_wait3A_117 = tpu.memref_slice %arg2[%dma_wait3A_115, %dma_wait3A_116] : memref<100000x8xf32, #tpu.memory_space<hbm>> -> memref<100000x8xf32, #tpu.memory_space<hbm>>
        tpu.wait_indirect_dma semaphore(%arg12 : memref<!tpu.dma_semaphore, #tpu.memory_space<semaphore_mem>>) src(%dma_wait3A_117 : memref<100000x8xf32, #tpu.memory_space<hbm>>) dst(%dma_wait3A_111 : memref<128x8xf32, #tpu.memory_space<vmem>>)
        %dma_wait3A_118 = arith.constant 2 : i32
        %dma_wait3A_119 = arith.constant 256 : i32
        %dma_wait3A_120 = arith.constant 0 : i32
        %dma_wait3A_121 = tpu.memref_slice %arg9[%dma_wait3A_119, %dma_wait3A_120] : memref<1024x8xf32, #tpu.memory_space<vmem>> -> memref<128x8xf32, #tpu.memory_space<vmem>>
        %dma_wait3A_122 = arith.constant 0 : i32
        %dma_wait3A_123 = tpu.memref_slice %arg7[%dma_wait3A_118, %dma_wait3A_122] : memref<8x128xi32, #tpu.memory_space<vmem>> -> memref<1x128xi32, #tpu.memory_space<vmem>>
        %dma_wait3A_124 = tpu.memref_squeeze %dma_wait3A_123 : memref<1x128xi32, #tpu.memory_space<vmem>> -> memref<128xi32, #tpu.memory_space<vmem>>
        %dma_wait3A_125 = arith.constant 0 : i32
        %dma_wait3A_126 = arith.constant 0 : i32
        %dma_wait3A_127 = tpu.memref_slice %arg2[%dma_wait3A_125, %dma_wait3A_126] : memref<100000x8xf32, #tpu.memory_space<hbm>> -> memref<100000x8xf32, #tpu.memory_space<hbm>>
        tpu.wait_indirect_dma semaphore(%arg12 : memref<!tpu.dma_semaphore, #tpu.memory_space<semaphore_mem>>) src(%dma_wait3A_127 : memref<100000x8xf32, #tpu.memory_space<hbm>>) dst(%dma_wait3A_121 : memref<128x8xf32, #tpu.memory_space<vmem>>)
        %dma_wait3A_128 = arith.constant 3 : i32
        %dma_wait3A_129 = arith.constant 384 : i32
        %dma_wait3A_130 = arith.constant 0 : i32
        %dma_wait3A_131 = tpu.memref_slice %arg8[%dma_wait3A_129, %dma_wait3A_130] : memref<1024x8xf32, #tpu.memory_space<vmem>> -> memref<128x8xf32, #tpu.memory_space<vmem>>
        %dma_wait3A_132 = arith.constant 0 : i32
        %dma_wait3A_133 = tpu.memref_slice %arg6[%dma_wait3A_128, %dma_wait3A_132] : memref<8x128xi32, #tpu.memory_space<vmem>> -> memref<1x128xi32, #tpu.memory_space<vmem>>
        %dma_wait3A_134 = tpu.memref_squeeze %dma_wait3A_133 : memref<1x128xi32, #tpu.memory_space<vmem>> -> memref<128xi32, #tpu.memory_space<vmem>>
        %dma_wait3A_135 = arith.constant 0 : i32
        %dma_wait3A_136 = arith.constant 0 : i32
        %dma_wait3A_137 = tpu.memref_slice %arg2[%dma_wait3A_135, %dma_wait3A_136] : memref<100000x8xf32, #tpu.memory_space<hbm>> -> memref<100000x8xf32, #tpu.memory_space<hbm>>
        tpu.wait_indirect_dma semaphore(%arg12 : memref<!tpu.dma_semaphore, #tpu.memory_space<semaphore_mem>>) src(%dma_wait3A_137 : memref<100000x8xf32, #tpu.memory_space<hbm>>) dst(%dma_wait3A_131 : memref<128x8xf32, #tpu.memory_space<vmem>>)
        %dma_wait3A_138 = arith.constant 3 : i32
        %dma_wait3A_139 = arith.constant 384 : i32
        %dma_wait3A_140 = arith.constant 0 : i32
        %dma_wait3A_141 = tpu.memref_slice %arg9[%dma_wait3A_139, %dma_wait3A_140] : memref<1024x8xf32, #tpu.memory_space<vmem>> -> memref<128x8xf32, #tpu.memory_space<vmem>>
        %dma_wait3A_142 = arith.constant 0 : i32
        %dma_wait3A_143 = tpu.memref_slice %arg7[%dma_wait3A_138, %dma_wait3A_142] : memref<8x128xi32, #tpu.memory_space<vmem>> -> memref<1x128xi32, #tpu.memory_space<vmem>>
        %dma_wait3A_144 = tpu.memref_squeeze %dma_wait3A_143 : memref<1x128xi32, #tpu.memory_space<vmem>> -> memref<128xi32, #tpu.memory_space<vmem>>
        %dma_wait3A_145 = arith.constant 0 : i32
        %dma_wait3A_146 = arith.constant 0 : i32
        %dma_wait3A_147 = tpu.memref_slice %arg2[%dma_wait3A_145, %dma_wait3A_146] : memref<100000x8xf32, #tpu.memory_space<hbm>> -> memref<100000x8xf32, #tpu.memory_space<hbm>>
        tpu.wait_indirect_dma semaphore(%arg12 : memref<!tpu.dma_semaphore, #tpu.memory_space<semaphore_mem>>) src(%dma_wait3A_147 : memref<100000x8xf32, #tpu.memory_space<hbm>>) dst(%dma_wait3A_141 : memref<128x8xf32, #tpu.memory_space<vmem>>)
        %dma_wait3A_148 = arith.constant 4 : i32
        %dma_wait3A_149 = arith.constant 512 : i32
        %dma_wait3A_150 = arith.constant 0 : i32
        %dma_wait3A_151 = tpu.memref_slice %arg8[%dma_wait3A_149, %dma_wait3A_150] : memref<1024x8xf32, #tpu.memory_space<vmem>> -> memref<128x8xf32, #tpu.memory_space<vmem>>
        %dma_wait3A_152 = arith.constant 0 : i32
        %dma_wait3A_153 = tpu.memref_slice %arg6[%dma_wait3A_148, %dma_wait3A_152] : memref<8x128xi32, #tpu.memory_space<vmem>> -> memref<1x128xi32, #tpu.memory_space<vmem>>
        %dma_wait3A_154 = tpu.memref_squeeze %dma_wait3A_153 : memref<1x128xi32, #tpu.memory_space<vmem>> -> memref<128xi32, #tpu.memory_space<vmem>>
        %dma_wait3A_155 = arith.constant 0 : i32
        %dma_wait3A_156 = arith.constant 0 : i32
        %dma_wait3A_157 = tpu.memref_slice %arg2[%dma_wait3A_155, %dma_wait3A_156] : memref<100000x8xf32, #tpu.memory_space<hbm>> -> memref<100000x8xf32, #tpu.memory_space<hbm>>
        tpu.wait_indirect_dma semaphore(%arg12 : memref<!tpu.dma_semaphore, #tpu.memory_space<semaphore_mem>>) src(%dma_wait3A_157 : memref<100000x8xf32, #tpu.memory_space<hbm>>) dst(%dma_wait3A_151 : memref<128x8xf32, #tpu.memory_space<vmem>>)
        %dma_wait3A_158 = arith.constant 4 : i32
        %dma_wait3A_159 = arith.constant 512 : i32
        %dma_wait3A_160 = arith.constant 0 : i32
        %dma_wait3A_161 = tpu.memref_slice %arg9[%dma_wait3A_159, %dma_wait3A_160] : memref<1024x8xf32, #tpu.memory_space<vmem>> -> memref<128x8xf32, #tpu.memory_space<vmem>>
        %dma_wait3A_162 = arith.constant 0 : i32
        %dma_wait3A_163 = tpu.memref_slice %arg7[%dma_wait3A_158, %dma_wait3A_162] : memref<8x128xi32, #tpu.memory_space<vmem>> -> memref<1x128xi32, #tpu.memory_space<vmem>>
        %dma_wait3A_164 = tpu.memref_squeeze %dma_wait3A_163 : memref<1x128xi32, #tpu.memory_space<vmem>> -> memref<128xi32, #tpu.memory_space<vmem>>
        %dma_wait3A_165 = arith.constant 0 : i32
        %dma_wait3A_166 = arith.constant 0 : i32
        %dma_wait3A_167 = tpu.memref_slice %arg2[%dma_wait3A_165, %dma_wait3A_166] : memref<100000x8xf32, #tpu.memory_space<hbm>> -> memref<100000x8xf32, #tpu.memory_space<hbm>>
        tpu.wait_indirect_dma semaphore(%arg12 : memref<!tpu.dma_semaphore, #tpu.memory_space<semaphore_mem>>) src(%dma_wait3A_167 : memref<100000x8xf32, #tpu.memory_space<hbm>>) dst(%dma_wait3A_161 : memref<128x8xf32, #tpu.memory_space<vmem>>)
        %dma_wait3A_168 = arith.constant 5 : i32
        %dma_wait3A_169 = arith.constant 640 : i32
        %dma_wait3A_170 = arith.constant 0 : i32
        %dma_wait3A_171 = tpu.memref_slice %arg8[%dma_wait3A_169, %dma_wait3A_170] : memref<1024x8xf32, #tpu.memory_space<vmem>> -> memref<128x8xf32, #tpu.memory_space<vmem>>
        %dma_wait3A_172 = arith.constant 0 : i32
        %dma_wait3A_173 = tpu.memref_slice %arg6[%dma_wait3A_168, %dma_wait3A_172] : memref<8x128xi32, #tpu.memory_space<vmem>> -> memref<1x128xi32, #tpu.memory_space<vmem>>
        %dma_wait3A_174 = tpu.memref_squeeze %dma_wait3A_173 : memref<1x128xi32, #tpu.memory_space<vmem>> -> memref<128xi32, #tpu.memory_space<vmem>>
        %dma_wait3A_175 = arith.constant 0 : i32
        %dma_wait3A_176 = arith.constant 0 : i32
        %dma_wait3A_177 = tpu.memref_slice %arg2[%dma_wait3A_175, %dma_wait3A_176] : memref<100000x8xf32, #tpu.memory_space<hbm>> -> memref<100000x8xf32, #tpu.memory_space<hbm>>
        tpu.wait_indirect_dma semaphore(%arg12 : memref<!tpu.dma_semaphore, #tpu.memory_space<semaphore_mem>>) src(%dma_wait3A_177 : memref<100000x8xf32, #tpu.memory_space<hbm>>) dst(%dma_wait3A_171 : memref<128x8xf32, #tpu.memory_space<vmem>>)
        %dma_wait3A_178 = arith.constant 5 : i32
        %dma_wait3A_179 = arith.constant 640 : i32
        %dma_wait3A_180 = arith.constant 0 : i32
        %dma_wait3A_181 = tpu.memref_slice %arg9[%dma_wait3A_179, %dma_wait3A_180] : memref<1024x8xf32, #tpu.memory_space<vmem>> -> memref<128x8xf32, #tpu.memory_space<vmem>>
        %dma_wait3A_182 = arith.constant 0 : i32
        %dma_wait3A_183 = tpu.memref_slice %arg7[%dma_wait3A_178, %dma_wait3A_182] : memref<8x128xi32, #tpu.memory_space<vmem>> -> memref<1x128xi32, #tpu.memory_space<vmem>>
        %dma_wait3A_184 = tpu.memref_squeeze %dma_wait3A_183 : memref<1x128xi32, #tpu.memory_space<vmem>> -> memref<128xi32, #tpu.memory_space<vmem>>
        %dma_wait3A_185 = arith.constant 0 : i32
        %dma_wait3A_186 = arith.constant 0 : i32
        %dma_wait3A_187 = tpu.memref_slice %arg2[%dma_wait3A_185, %dma_wait3A_186] : memref<100000x8xf32, #tpu.memory_space<hbm>> -> memref<100000x8xf32, #tpu.memory_space<hbm>>
        tpu.wait_indirect_dma semaphore(%arg12 : memref<!tpu.dma_semaphore, #tpu.memory_space<semaphore_mem>>) src(%dma_wait3A_187 : memref<100000x8xf32, #tpu.memory_space<hbm>>) dst(%dma_wait3A_181 : memref<128x8xf32, #tpu.memory_space<vmem>>)
        %dma_wait3A_188 = arith.constant 6 : i32
        %dma_wait3A_189 = arith.constant 768 : i32
        %dma_wait3A_190 = arith.constant 0 : i32
        %dma_wait3A_191 = tpu.memref_slice %arg8[%dma_wait3A_189, %dma_wait3A_190] : memref<1024x8xf32, #tpu.memory_space<vmem>> -> memref<128x8xf32, #tpu.memory_space<vmem>>
        %dma_wait3A_192 = arith.constant 0 : i32
        %dma_wait3A_193 = tpu.memref_slice %arg6[%dma_wait3A_188, %dma_wait3A_192] : memref<8x128xi32, #tpu.memory_space<vmem>> -> memref<1x128xi32, #tpu.memory_space<vmem>>
        %dma_wait3A_194 = tpu.memref_squeeze %dma_wait3A_193 : memref<1x128xi32, #tpu.memory_space<vmem>> -> memref<128xi32, #tpu.memory_space<vmem>>
        %dma_wait3A_195 = arith.constant 0 : i32
        %dma_wait3A_196 = arith.constant 0 : i32
        %dma_wait3A_197 = tpu.memref_slice %arg2[%dma_wait3A_195, %dma_wait3A_196] : memref<100000x8xf32, #tpu.memory_space<hbm>> -> memref<100000x8xf32, #tpu.memory_space<hbm>>
        tpu.wait_indirect_dma semaphore(%arg12 : memref<!tpu.dma_semaphore, #tpu.memory_space<semaphore_mem>>) src(%dma_wait3A_197 : memref<100000x8xf32, #tpu.memory_space<hbm>>) dst(%dma_wait3A_191 : memref<128x8xf32, #tpu.memory_space<vmem>>)
        %dma_wait3A_198 = arith.constant 6 : i32
        %dma_wait3A_199 = arith.constant 768 : i32
        %dma_wait3A_200 = arith.constant 0 : i32
        %dma_wait3A_201 = tpu.memref_slice %arg9[%dma_wait3A_199, %dma_wait3A_200] : memref<1024x8xf32, #tpu.memory_space<vmem>> -> memref<128x8xf32, #tpu.memory_space<vmem>>
        %dma_wait3A_202 = arith.constant 0 : i32
        %dma_wait3A_203 = tpu.memref_slice %arg7[%dma_wait3A_198, %dma_wait3A_202] : memref<8x128xi32, #tpu.memory_space<vmem>> -> memref<1x128xi32, #tpu.memory_space<vmem>>
        %dma_wait3A_204 = tpu.memref_squeeze %dma_wait3A_203 : memref<1x128xi32, #tpu.memory_space<vmem>> -> memref<128xi32, #tpu.memory_space<vmem>>
        %dma_wait3A_205 = arith.constant 0 : i32
        %dma_wait3A_206 = arith.constant 0 : i32
        %dma_wait3A_207 = tpu.memref_slice %arg2[%dma_wait3A_205, %dma_wait3A_206] : memref<100000x8xf32, #tpu.memory_space<hbm>> -> memref<100000x8xf32, #tpu.memory_space<hbm>>
        tpu.wait_indirect_dma semaphore(%arg12 : memref<!tpu.dma_semaphore, #tpu.memory_space<semaphore_mem>>) src(%dma_wait3A_207 : memref<100000x8xf32, #tpu.memory_space<hbm>>) dst(%dma_wait3A_201 : memref<128x8xf32, #tpu.memory_space<vmem>>)
        %dma_wait3A_208 = arith.constant 7 : i32
        %dma_wait3A_209 = arith.constant 896 : i32
        %dma_wait3A_210 = arith.constant 0 : i32
        %dma_wait3A_211 = tpu.memref_slice %arg8[%dma_wait3A_209, %dma_wait3A_210] : memref<1024x8xf32, #tpu.memory_space<vmem>> -> memref<128x8xf32, #tpu.memory_space<vmem>>
        %dma_wait3A_212 = arith.constant 0 : i32
        %dma_wait3A_213 = tpu.memref_slice %arg6[%dma_wait3A_208, %dma_wait3A_212] : memref<8x128xi32, #tpu.memory_space<vmem>> -> memref<1x128xi32, #tpu.memory_space<vmem>>
        %dma_wait3A_214 = tpu.memref_squeeze %dma_wait3A_213 : memref<1x128xi32, #tpu.memory_space<vmem>> -> memref<128xi32, #tpu.memory_space<vmem>>
        %dma_wait3A_215 = arith.constant 0 : i32
        %dma_wait3A_216 = arith.constant 0 : i32
        %dma_wait3A_217 = tpu.memref_slice %arg2[%dma_wait3A_215, %dma_wait3A_216] : memref<100000x8xf32, #tpu.memory_space<hbm>> -> memref<100000x8xf32, #tpu.memory_space<hbm>>
        tpu.wait_indirect_dma semaphore(%arg12 : memref<!tpu.dma_semaphore, #tpu.memory_space<semaphore_mem>>) src(%dma_wait3A_217 : memref<100000x8xf32, #tpu.memory_space<hbm>>) dst(%dma_wait3A_211 : memref<128x8xf32, #tpu.memory_space<vmem>>)
        %dma_wait3A_218 = arith.constant 7 : i32
        %dma_wait3A_219 = arith.constant 896 : i32
        %dma_wait3A_220 = arith.constant 0 : i32
        %dma_wait3A_221 = tpu.memref_slice %arg9[%dma_wait3A_219, %dma_wait3A_220] : memref<1024x8xf32, #tpu.memory_space<vmem>> -> memref<128x8xf32, #tpu.memory_space<vmem>>
        %dma_wait3A_222 = arith.constant 0 : i32
        %dma_wait3A_223 = tpu.memref_slice %arg7[%dma_wait3A_218, %dma_wait3A_222] : memref<8x128xi32, #tpu.memory_space<vmem>> -> memref<1x128xi32, #tpu.memory_space<vmem>>
        %dma_wait3A_224 = tpu.memref_squeeze %dma_wait3A_223 : memref<1x128xi32, #tpu.memory_space<vmem>> -> memref<128xi32, #tpu.memory_space<vmem>>
        %dma_wait3A_225 = arith.constant 0 : i32
        %dma_wait3A_226 = arith.constant 0 : i32
        %dma_wait3A_227 = tpu.memref_slice %arg2[%dma_wait3A_225, %dma_wait3A_226] : memref<100000x8xf32, #tpu.memory_space<hbm>> -> memref<100000x8xf32, #tpu.memory_space<hbm>>
        tpu.wait_indirect_dma semaphore(%arg12 : memref<!tpu.dma_semaphore, #tpu.memory_space<semaphore_mem>>) src(%dma_wait3A_227 : memref<100000x8xf32, #tpu.memory_space<hbm>>) dst(%dma_wait3A_221 : memref<128x8xf32, #tpu.memory_space<vmem>>)
        %scan3A_228 = arith.constant 0 : i32
        %scan3A_229 = arith.constant 0 : i32
        %scan3A_230 = arith.constant 64 : i32
        %scan3A_231 = arith.addi %scan3A_229, %scan3A_230 : i32
        %scan3A_232 = arith.constant 1 : i32
        %scan3A_233 = scf.for %scan3A_362 = %scan3A_229 to %scan3A_231 step %scan3A_232 iter_args(%scan3A_363 = %scan3A_228) -> (i32)  : i32 {
          %mul3A_364 = arith.constant 16 : i32
          %mul3A_365 = arith.muli %scan3A_362, %mul3A_364 : i32
          %add3A_366 = vector.broadcast %mul3A_365 : i32 to vector<16xi32>
          %add3A_367 = arith.addi %add3A_366, %iota3A : vector<16xi32>
          %broadcast_in_dim3A = arith.constant 0 : i32
          %broadcast_in_dim3A_368 = vector.broadcast %broadcast_in_dim3A : i32 to vector<16xi32>
          %gather3A = tpu.vector_load_idx %arg8[%add3A_367, %broadcast_in_dim3A_368] : memref<1024x8xf32, #tpu.memory_space<vmem>>[vector<16xi32>, vector<16xi32>], vector<16xf32>,
          %broadcast_in_dim3A_369 = arith.constant 1 : i32
          %broadcast_in_dim3A_370 = vector.broadcast %broadcast_in_dim3A_369 : i32 to vector<16xi32>
          %gather3A_371 = tpu.vector_load_idx %arg8[%add3A_367, %broadcast_in_dim3A_370] : memref<1024x8xf32, #tpu.memory_space<vmem>>[vector<16xi32>, vector<16xi32>], vector<16xf32>,
          %broadcast_in_dim3A_372 = arith.constant 2 : i32
          %broadcast_in_dim3A_373 = vector.broadcast %broadcast_in_dim3A_372 : i32 to vector<16xi32>
          %gather3A_374 = tpu.vector_load_idx %arg8[%add3A_367, %broadcast_in_dim3A_373] : memref<1024x8xf32, #tpu.memory_space<vmem>>[vector<16xi32>, vector<16xi32>], vector<16xf32>,
          %broadcast_in_dim3A_375 = arith.constant 3 : i32
          %broadcast_in_dim3A_376 = vector.broadcast %broadcast_in_dim3A_375 : i32 to vector<16xi32>
          %gather3A_377 = tpu.vector_load_idx %arg8[%add3A_367, %broadcast_in_dim3A_376] : memref<1024x8xf32, #tpu.memory_space<vmem>>[vector<16xi32>, vector<16xi32>], vector<16xf32>,
          %broadcast_in_dim3A_378 = arith.constant 4 : i32
          %broadcast_in_dim3A_379 = vector.broadcast %broadcast_in_dim3A_378 : i32 to vector<16xi32>
          %gather3A_380 = tpu.vector_load_idx %arg8[%add3A_367, %broadcast_in_dim3A_379] : memref<1024x8xf32, #tpu.memory_space<vmem>>[vector<16xi32>, vector<16xi32>], vector<16xf32>,
          %broadcast_in_dim3A_381 = arith.constant 5 : i32
          %broadcast_in_dim3A_382 = vector.broadcast %broadcast_in_dim3A_381 : i32 to vector<16xi32>
          %gather3A_383 = tpu.vector_load_idx %arg8[%add3A_367, %broadcast_in_dim3A_382] : memref<1024x8xf32, #tpu.memory_space<vmem>>[vector<16xi32>, vector<16xi32>], vector<16xf32>,
          %broadcast_in_dim3A_384 = arith.constant 6 : i32
          %broadcast_in_dim3A_385 = vector.broadcast %broadcast_in_dim3A_384 : i32 to vector<16xi32>
          %gather3A_386 = tpu.vector_load_idx %arg8[%add3A_367, %broadcast_in_dim3A_385] : memref<1024x8xf32, #tpu.memory_space<vmem>>[vector<16xi32>, vector<16xi32>], vector<16xf32>,
          %broadcast_in_dim3A_387 = arith.constant 0 : i32
          %broadcast_in_dim3A_388 = vector.broadcast %broadcast_in_dim3A_387 : i32 to vector<16xi32>
          %gather3A_389 = tpu.vector_load_idx %arg9[%add3A_367, %broadcast_in_dim3A_388] : memref<1024x8xf32, #tpu.memory_space<vmem>>[vector<16xi32>, vector<16xi32>], vector<16xf32>,
          %broadcast_in_dim3A_390 = arith.constant 1 : i32
          %broadcast_in_dim3A_391 = vector.broadcast %broadcast_in_dim3A_390 : i32 to vector<16xi32>
          %gather3A_392 = tpu.vector_load_idx %arg9[%add3A_367, %broadcast_in_dim3A_391] : memref<1024x8xf32, #tpu.memory_space<vmem>>[vector<16xi32>, vector<16xi32>], vector<16xf32>,
          %broadcast_in_dim3A_393 = arith.constant 2 : i32
          %broadcast_in_dim3A_394 = vector.broadcast %broadcast_in_dim3A_393 : i32 to vector<16xi32>
          %gather3A_395 = tpu.vector_load_idx %arg9[%add3A_367, %broadcast_in_dim3A_394] : memref<1024x8xf32, #tpu.memory_space<vmem>>[vector<16xi32>, vector<16xi32>], vector<16xf32>,
          %broadcast_in_dim3A_396 = arith.constant 3 : i32
          %broadcast_in_dim3A_397 = vector.broadcast %broadcast_in_dim3A_396 : i32 to vector<16xi32>
          %gather3A_398 = tpu.vector_load_idx %arg9[%add3A_367, %broadcast_in_dim3A_397] : memref<1024x8xf32, #tpu.memory_space<vmem>>[vector<16xi32>, vector<16xi32>], vector<16xf32>,
          %broadcast_in_dim3A_399 = arith.constant 4 : i32
          %broadcast_in_dim3A_400 = vector.broadcast %broadcast_in_dim3A_399 : i32 to vector<16xi32>
          %gather3A_401 = tpu.vector_load_idx %arg9[%add3A_367, %broadcast_in_dim3A_400] : memref<1024x8xf32, #tpu.memory_space<vmem>>[vector<16xi32>, vector<16xi32>], vector<16xf32>,
          %broadcast_in_dim3A_402 = arith.constant 5 : i32
          %broadcast_in_dim3A_403 = vector.broadcast %broadcast_in_dim3A_402 : i32 to vector<16xi32>
          %gather3A_404 = tpu.vector_load_idx %arg9[%add3A_367, %broadcast_in_dim3A_403] : memref<1024x8xf32, #tpu.memory_space<vmem>>[vector<16xi32>, vector<16xi32>], vector<16xf32>,
          %broadcast_in_dim3A_405 = arith.constant 6 : i32
          %broadcast_in_dim3A_406 = vector.broadcast %broadcast_in_dim3A_405 : i32 to vector<16xi32>
          %gather3A_407 = tpu.vector_load_idx %arg9[%add3A_367, %broadcast_in_dim3A_406] : memref<1024x8xf32, #tpu.memory_space<vmem>>[vector<16xi32>, vector<16xi32>], vector<16xf32>,
          %sub3A_408 = arith.subf %gather3A_389, %gather3A : vector<16xf32>
          %sub3A_409 = arith.subf %gather3A_392, %gather3A_371 : vector<16xf32>
          %sub3A_410 = arith.subf %gather3A_395, %gather3A_374 : vector<16xf32>
          %mul3A_411 = arith.mulf %sub3A_408, %sub3A_408 : vector<16xf32>
          %mul3A_412 = arith.mulf %sub3A_409, %sub3A_409 : vector<16xf32>
          %add3A_413 = arith.addf %mul3A_411, %mul3A_412 : vector<16xf32>
          %mul3A_414 = arith.mulf %sub3A_410, %sub3A_410 : vector<16xf32>
          %add3A_415 = arith.addf %add3A_413, %mul3A_414 : vector<16xf32>
          %bitcast_convert_type3A = tpu.bitcast %add3A_415 : vector<16xf32> -> vector<16xi32>
          %shift_right_logical3A = arith.constant 1 : i32
          %shift_right_logical3A_416 = vector.broadcast %shift_right_logical3A : i32 to vector<16xi32>
          %shift_right_logical3A_417 = arith.shrui %bitcast_convert_type3A, %shift_right_logical3A_416 : vector<16xi32>
          %sub3A_418 = arith.constant 1597463007 : i32
          %sub3A_419 = vector.broadcast %sub3A_418 : i32 to vector<16xi32>
          %sub3A_420 = arith.subi %sub3A_419, %shift_right_logical3A_417 : vector<16xi32>
          %bitcast_convert_type3A_421 = tpu.bitcast %sub3A_420 : vector<16xi32> -> vector<16xf32>
          %mul3A_422 = arith.constant 5.000000e-01 : f32
          %mul3A_423 = vector.broadcast %mul3A_422 : f32 to vector<16xf32>
          %mul3A_424 = arith.mulf %mul3A_423, %add3A_415 : vector<16xf32>
          %mul3A_425 = arith.mulf %mul3A_424, %bitcast_convert_type3A_421 : vector<16xf32>
          %mul3A_426 = arith.mulf %mul3A_425, %bitcast_convert_type3A_421 : vector<16xf32>
          %sub3A_427 = arith.constant 1.500000e+00 : f32
          %sub3A_428 = vector.broadcast %sub3A_427 : f32 to vector<16xf32>
          %sub3A_429 = arith.subf %sub3A_428, %mul3A_426 : vector<16xf32>
          %mul3A_430 = arith.mulf %bitcast_convert_type3A_421, %sub3A_429 : vector<16xf32>
          %mul3A_431 = arith.mulf %mul3A_424, %mul3A_430 : vector<16xf32>
          %mul3A_432 = arith.mulf %mul3A_431, %mul3A_430 : vector<16xf32>
          %sub3A_433 = arith.constant 1.500000e+00 : f32
          %sub3A_434 = vector.broadcast %sub3A_433 : f32 to vector<16xf32>
          %sub3A_435 = arith.subf %sub3A_434, %mul3A_432 : vector<16xf32>
          %mul3A_436 = arith.mulf %mul3A_430, %sub3A_435 : vector<16xf32>
          %mul3A_437 = arith.mulf %add3A_415, %mul3A_436 : vector<16xf32>
          %add3A_438 = arith.constant 1.000000e+00 : f32
          %add3A_439 = vector.broadcast %add3A_438 : f32 to vector<16xf32>
          %add3A_440 = arith.addf %add3A_415, %add3A_439 : vector<16xf32>
          %bitcast_convert_type3A_441 = tpu.bitcast %add3A_440 : vector<16xf32> -> vector<16xi32>
          %shift_right_logical3A_442 = arith.constant 1 : i32
          %shift_right_logical3A_443 = vector.broadcast %shift_right_logical3A_442 : i32 to vector<16xi32>
          %shift_right_logical3A_444 = arith.shrui %bitcast_convert_type3A_441, %shift_right_logical3A_443 : vector<16xi32>
          %sub3A_445 = arith.constant 1597463007 : i32
          %sub3A_446 = vector.broadcast %sub3A_445 : i32 to vector<16xi32>
          %sub3A_447 = arith.subi %sub3A_446, %shift_right_logical3A_444 : vector<16xi32>
          %bitcast_convert_type3A_448 = tpu.bitcast %sub3A_447 : vector<16xi32> -> vector<16xf32>
          %mul3A_449 = arith.constant 5.000000e-01 : f32
          %mul3A_450 = vector.broadcast %mul3A_449 : f32 to vector<16xf32>
          %mul3A_451 = arith.mulf %mul3A_450, %add3A_440 : vector<16xf32>
          %mul3A_452 = arith.mulf %mul3A_451, %bitcast_convert_type3A_448 : vector<16xf32>
          %mul3A_453 = arith.mulf %mul3A_452, %bitcast_convert_type3A_448 : vector<16xf32>
          %sub3A_454 = arith.constant 1.500000e+00 : f32
          %sub3A_455 = vector.broadcast %sub3A_454 : f32 to vector<16xf32>
          %sub3A_456 = arith.subf %sub3A_455, %mul3A_453 : vector<16xf32>
          %mul3A_457 = arith.mulf %bitcast_convert_type3A_448, %sub3A_456 : vector<16xf32>
          %mul3A_458 = arith.mulf %mul3A_451, %mul3A_457 : vector<16xf32>
          %mul3A_459 = arith.mulf %mul3A_458, %mul3A_457 : vector<16xf32>
          %sub3A_460 = arith.constant 1.500000e+00 : f32
          %sub3A_461 = vector.broadcast %sub3A_460 : f32 to vector<16xf32>
          %sub3A_462 = arith.subf %sub3A_461, %mul3A_459 : vector<16xf32>
          %mul3A_463 = arith.mulf %mul3A_457, %sub3A_462 : vector<16xf32>
          %sub3A_464 = arith.constant 2.500000e+00 : f32
          %sub3A_465 = vector.broadcast %sub3A_464 : f32 to vector<16xf32>
          %sub3A_466 = arith.subf %mul3A_437, %sub3A_465 : vector<16xf32>
          %mul3A_467 = arith.constant 2.000000e-01 : f32
          %mul3A_468 = vector.broadcast %mul3A_467 : f32 to vector<16xf32>
          %mul3A_469 = arith.mulf %sub3A_466, %mul3A_468 : vector<16xf32>
          %jit3A_470 = arith.constant 0.000000e+00 : f32
          %jit3A_471 = arith.constant 1.000000e+00 : f32
          %max3A_472 = vector.broadcast %jit3A_470 : f32 to vector<16xf32>
          %max3A_473 = arith.maximumf %max3A_472, %mul3A_469 : vector<16xf32>
          %min3A_474 = vector.broadcast %jit3A_471 : f32 to vector<16xf32>
          %min3A_475 = arith.minimumf %min3A_474, %max3A_473 : vector<16xf32>
          %mul3A_476 = arith.mulf %min3A_475, %min3A_475 : vector<16xf32>
          %mul3A_477 = arith.mulf %mul3A_476, %min3A_475 : vector<16xf32>
          %mul3A_478 = arith.constant 6.000000e+00 : f32
          %mul3A_479 = vector.broadcast %mul3A_478 : f32 to vector<16xf32>
          %mul3A_480 = arith.mulf %mul3A_479, %min3A_475 : vector<16xf32>
          %sub3A_481 = arith.constant 1.500000e+01 : f32
          %sub3A_482 = vector.broadcast %sub3A_481 : f32 to vector<16xf32>
          %sub3A_483 = arith.subf %mul3A_480, %sub3A_482 : vector<16xf32>
          %mul3A_484 = arith.mulf %min3A_475, %sub3A_483 : vector<16xf32>
          %add3A_485 = arith.constant 1.000000e+01 : f32
          %add3A_486 = vector.broadcast %add3A_485 : f32 to vector<16xf32>
          %add3A_487 = arith.addf %mul3A_484, %add3A_486 : vector<16xf32>
          %mul3A_488 = arith.mulf %mul3A_477, %add3A_487 : vector<16xf32>
          %sub3A_489 = arith.subf %mul3A_436, %mul3A_463 : vector<16xf32>
          %mul3A_490 = arith.mulf %mul3A_488, %sub3A_489 : vector<16xf32>
          %add3A_491 = arith.addf %mul3A_463, %mul3A_490 : vector<16xf32>
          %lt3A_492 = arith.constant 1.000000e+01 : f32
          %lt3A_493 = vector.broadcast %lt3A_492 : f32 to vector<16xf32>
          %lt3A_494 = arith.cmpf olt, %mul3A_437, %lt3A_493 : vector<16xf32>
          %mul3A_495 = arith.constant 0.00999999977 : f32
          %mul3A_496 = vector.broadcast %mul3A_495 : f32 to vector<16xf32>
          %mul3A_497 = arith.mulf %mul3A_437, %mul3A_496 : vector<16xf32>
          %add3A_498 = arith.addf %add3A_491, %mul3A_497 : vector<16xf32>
          %sub3A_499 = arith.constant 2.000000e-01 : f32
          %sub3A_500 = vector.broadcast %sub3A_499 : f32 to vector<16xf32>
          %sub3A_501 = arith.subf %add3A_498, %sub3A_500 : vector<16xf32>
          %jit3A_502 = arith.constant 0.000000e+00 : f32
          %broadcast_in_dim3A_503 = vector.broadcast %jit3A_502 : f32 to vector<16xf32>
          %select_n3A_504 = arith.select %lt3A_494, %sub3A_501, %broadcast_in_dim3A_503 : vector<16xi1>, vector<16xf32>
          %mul3A_505 = arith.mulf %gather3A_377, %gather3A_398 : vector<16xf32>
          %mul3A_506 = arith.mulf %mul3A_505, %select_n3A_504 : vector<16xf32>
          %mul3A_507 = arith.constant 1.000000e-01 : f32
          %mul3A_508 = vector.broadcast %mul3A_507 : f32 to vector<16xf32>
          %mul3A_509 = arith.mulf %mul3A_437, %mul3A_508 : vector<16xf32>
          %mul3A_510 = arith.mulf %mul3A_509, %mul3A_509 : vector<16xf32>
          %mul3A_511 = arith.mulf %mul3A_510, %mul3A_509 : vector<16xf32>
          %mul3A_512 = arith.constant 6.000000e+00 : f32
          %mul3A_513 = vector.broadcast %mul3A_512 : f32 to vector<16xf32>
          %mul3A_514 = arith.mulf %mul3A_513, %mul3A_509 : vector<16xf32>
          %sub3A_515 = arith.constant 1.500000e+01 : f32
          %sub3A_516 = vector.broadcast %sub3A_515 : f32 to vector<16xf32>
          %sub3A_517 = arith.subf %mul3A_514, %sub3A_516 : vector<16xf32>
          %mul3A_518 = arith.mulf %mul3A_509, %sub3A_517 : vector<16xf32>
          %add3A_519 = arith.constant 1.000000e+01 : f32
          %add3A_520 = vector.broadcast %add3A_519 : f32 to vector<16xf32>
          %add3A_521 = arith.addf %mul3A_518, %add3A_520 : vector<16xf32>
          %mul3A_522 = arith.mulf %mul3A_511, %add3A_521 : vector<16xf32>
          %sub3A_523 = arith.constant 1.000000e+00 : f32
          %sub3A_524 = vector.broadcast %sub3A_523 : f32 to vector<16xf32>
          %sub3A_525 = arith.subf %sub3A_524, %mul3A_522 : vector<16xf32>
          %jit3A_526 = arith.constant 0.000000e+00 : f32
          %broadcast_in_dim3A_527 = vector.broadcast %jit3A_526 : f32 to vector<16xf32>
          %select_n3A_528 = arith.select %lt3A_494, %sub3A_525, %broadcast_in_dim3A_527 : vector<16xi1>, vector<16xf32>
          %mul3A_529 = arith.mulf %gather3A_380, %gather3A_401 : vector<16xf32>
          %mul3A_530 = arith.mulf %add3A_415, %add3A_415 : vector<16xf32>
          %mul3A_531 = arith.mulf %mul3A_530, %add3A_415 : vector<16xf32>
          %mul3A_532 = arith.constant -5.000000e-01 : f32
          %mul3A_533 = vector.broadcast %mul3A_532 : f32 to vector<16xf32>
          %mul3A_534 = arith.mulf %mul3A_533, %mul3A_529 : vector<16xf32>
          %add3A_535 = arith.constant 1.000000e+00 : f32
          %add3A_536 = vector.broadcast %add3A_535 : f32 to vector<16xf32>
          %add3A_537 = arith.addf %mul3A_531, %add3A_536 : vector<16xf32>
          %bitcast_convert_type3A_538 = tpu.bitcast %add3A_537 : vector<16xf32> -> vector<16xi32>
          %sub3A_539 = arith.constant 2129859011 : i32
          %sub3A_540 = vector.broadcast %sub3A_539 : i32 to vector<16xi32>
          %sub3A_541 = arith.subi %sub3A_540, %bitcast_convert_type3A_538 : vector<16xi32>
          %bitcast_convert_type3A_542 = tpu.bitcast %sub3A_541 : vector<16xi32> -> vector<16xf32>
          %mul3A_543 = arith.mulf %add3A_537, %bitcast_convert_type3A_542 : vector<16xf32>
          %sub3A_544 = arith.constant 2.000000e+00 : f32
          %sub3A_545 = vector.broadcast %sub3A_544 : f32 to vector<16xf32>
          %sub3A_546 = arith.subf %sub3A_545, %mul3A_543 : vector<16xf32>
          %mul3A_547 = arith.mulf %bitcast_convert_type3A_542, %sub3A_546 : vector<16xf32>
          %mul3A_548 = arith.mulf %add3A_537, %mul3A_547 : vector<16xf32>
          %sub3A_549 = arith.constant 2.000000e+00 : f32
          %sub3A_550 = vector.broadcast %sub3A_549 : f32 to vector<16xf32>
          %sub3A_551 = arith.subf %sub3A_550, %mul3A_548 : vector<16xf32>
          %mul3A_552 = arith.mulf %mul3A_547, %sub3A_551 : vector<16xf32>
          %mul3A_553 = arith.mulf %mul3A_534, %mul3A_552 : vector<16xf32>
          %mul3A_554 = arith.mulf %mul3A_553, %select_n3A_528 : vector<16xf32>
          %add3A_555 = arith.addf %gather3A_386, %gather3A_407 : vector<16xf32>
          %add3A_556 = arith.constant 9.99999971E-10 : f32
          %add3A_557 = vector.broadcast %add3A_556 : f32 to vector<16xf32>
          %add3A_558 = arith.addf %add3A_555, %add3A_557 : vector<16xf32>
          %mul3A_559 = arith.constant 2.134320e+00 : f32
          %mul3A_560 = vector.broadcast %mul3A_559 : f32 to vector<16xf32>
          %mul3A_561 = arith.mulf %add3A_558, %mul3A_560 : vector<16xf32>
          %mul3A_562 = arith.mulf %mul3A_437, %mul3A_561 : vector<16xf32>
          %mul3A_563 = arith.constant -3.199800e+00 : f32
          %mul3A_564 = vector.broadcast %mul3A_563 : f32 to vector<16xf32>
          %mul3A_565 = arith.mulf %mul3A_564, %mul3A_562 : vector<16xf32>
          %exp3A = math.exp %mul3A_565 : vector<16xf32>
          %mul3A_566 = arith.constant 1.817500e-01 : f32
          %mul3A_567 = vector.broadcast %mul3A_566 : f32 to vector<16xf32>
          %mul3A_568 = arith.mulf %mul3A_567, %exp3A : vector<16xf32>
          %mul3A_569 = arith.constant -9.422900e-01 : f32
          %mul3A_570 = vector.broadcast %mul3A_569 : f32 to vector<16xf32>
          %mul3A_571 = arith.mulf %mul3A_570, %mul3A_562 : vector<16xf32>
          %exp3A_572 = math.exp %mul3A_571 : vector<16xf32>
          %mul3A_573 = arith.constant 5.098600e-01 : f32
          %mul3A_574 = vector.broadcast %mul3A_573 : f32 to vector<16xf32>
          %mul3A_575 = arith.mulf %mul3A_574, %exp3A_572 : vector<16xf32>
          %add3A_576 = arith.addf %mul3A_568, %mul3A_575 : vector<16xf32>
          %mul3A_577 = arith.constant -4.029000e-01 : f32
          %mul3A_578 = vector.broadcast %mul3A_577 : f32 to vector<16xf32>
          %mul3A_579 = arith.mulf %mul3A_578, %mul3A_562 : vector<16xf32>
          %exp3A_580 = math.exp %mul3A_579 : vector<16xf32>
          %mul3A_581 = arith.constant 2.802200e-01 : f32
          %mul3A_582 = vector.broadcast %mul3A_581 : f32 to vector<16xf32>
          %mul3A_583 = arith.mulf %mul3A_582, %exp3A_580 : vector<16xf32>
          %add3A_584 = arith.addf %add3A_576, %mul3A_583 : vector<16xf32>
          %mul3A_585 = arith.constant -2.016200e-01 : f32
          %mul3A_586 = vector.broadcast %mul3A_585 : f32 to vector<16xf32>
          %mul3A_587 = arith.mulf %mul3A_586, %mul3A_562 : vector<16xf32>
          %exp3A_588 = math.exp %mul3A_587 : vector<16xf32>
          %mul3A_589 = arith.constant 2.817000e-02 : f32
          %mul3A_590 = vector.broadcast %mul3A_589 : f32 to vector<16xf32>
          %mul3A_591 = arith.mulf %mul3A_590, %exp3A_588 : vector<16xf32>
          %add3A_592 = arith.addf %add3A_584, %mul3A_591 : vector<16xf32>
          %mul3A_593 = arith.mulf %gather3A_383, %gather3A_404 : vector<16xf32>
          %mul3A_594 = arith.mulf %mul3A_593, %mul3A_436 : vector<16xf32>
          %mul3A_595 = arith.mulf %mul3A_594, %add3A_592 : vector<16xf32>
          %mul3A_596 = arith.mulf %mul3A_595, %select_n3A_528 : vector<16xf32>
          %add3A_597 = arith.addf %mul3A_506, %mul3A_596 : vector<16xf32>
          %add3A_598 = arith.addf %add3A_597, %mul3A_554 : vector<16xf32>
          %mul3A_599 = arith.constant 16 : i32
          %mul3A_600 = arith.muli %scan3A_362, %mul3A_599 : i32
          %swap3A = arith.index_cast %mul3A_600 : i32 to index
          %swap3A_601 = tpu.vector_load %arg10[%swap3A] {strides = array<i32>} : memref<1024xf32, #tpu.memory_space<vmem>>, vector<16xf32>,
          tpu.vector_store %arg10[%swap3A], %add3A_598 {strides = array<i32>} : memref<1024xf32, #tpu.memory_space<vmem>>, vector<16xf32>,
          %scan3A_602 = arith.constant 0 : i32
          scf.yield %scan3A_602 : i32
        }
        %scan3A_234 = arith.constant 64 : i32
        %dma_start3A = arith.constant 0 : i32
        %dma_start3A_235 = arith.constant 0 : i32
        %dma_start3A_236 = tpu.memref_slice %arg10[%dma_start3A_235] : memref<1024xf32, #tpu.memory_space<vmem>> -> memref<128xf32, #tpu.memory_space<vmem>>
        %dma_start3A_237 = arith.constant 0 : i32
        %dma_start3A_238 = tpu.memref_slice %arg6[%dma_start3A, %dma_start3A_237] : memref<8x128xi32, #tpu.memory_space<vmem>> -> memref<1x128xi32, #tpu.memory_space<vmem>>
        %dma_start3A_239 = tpu.memref_squeeze %dma_start3A_238 : memref<1x128xi32, #tpu.memory_space<vmem>> -> memref<128xi32, #tpu.memory_space<vmem>>
        %dma_start3A_240 = arith.constant 0 : i32
        %dma_start3A_241 = tpu.memref_slice %arg23[%dma_start3A_240] : memref<100352xf32, #tpu.memory_space<vmem_shared>> -> memref<100352xf32, #tpu.memory_space<vmem_shared>>
        tpu.enqueue_indirect_dma source(%dma_start3A_236 : memref<128xf32, #tpu.memory_space<vmem>>) target(%dma_start3A_241 : memref<100352xf32, #tpu.memory_space<vmem_shared>>) offsets(%dma_start3A_239 : memref<128xi32, #tpu.memory_space<vmem>>) semaphore(%arg13 : memref<!tpu.dma_semaphore, #tpu.memory_space<semaphore_mem>>) {add = true}
        %dma_start3A_242 = arith.constant 1 : i32
        %dma_start3A_243 = arith.constant 128 : i32
        %dma_start3A_244 = tpu.memref_slice %arg10[%dma_start3A_243] : memref<1024xf32, #tpu.memory_space<vmem>> -> memref<128xf32, #tpu.memory_space<vmem>>
        %dma_start3A_245 = arith.constant 0 : i32
        %dma_start3A_246 = tpu.memref_slice %arg6[%dma_start3A_242, %dma_start3A_245] : memref<8x128xi32, #tpu.memory_space<vmem>> -> memref<1x128xi32, #tpu.memory_space<vmem>>
        %dma_start3A_247 = tpu.memref_squeeze %dma_start3A_246 : memref<1x128xi32, #tpu.memory_space<vmem>> -> memref<128xi32, #tpu.memory_space<vmem>>
        %dma_start3A_248 = arith.constant 0 : i32
        %dma_start3A_249 = tpu.memref_slice %arg23[%dma_start3A_248] : memref<100352xf32, #tpu.memory_space<vmem_shared>> -> memref<100352xf32, #tpu.memory_space<vmem_shared>>
        tpu.enqueue_indirect_dma source(%dma_start3A_244 : memref<128xf32, #tpu.memory_space<vmem>>) target(%dma_start3A_249 : memref<100352xf32, #tpu.memory_space<vmem_shared>>) offsets(%dma_start3A_247 : memref<128xi32, #tpu.memory_space<vmem>>) semaphore(%arg13 : memref<!tpu.dma_semaphore, #tpu.memory_space<semaphore_mem>>) {add = true}
        %dma_start3A_250 = arith.constant 2 : i32
        %dma_start3A_251 = arith.constant 256 : i32
        %dma_start3A_252 = tpu.memref_slice %arg10[%dma_start3A_251] : memref<1024xf32, #tpu.memory_space<vmem>> -> memref<128xf32, #tpu.memory_space<vmem>>
        %dma_start3A_253 = arith.constant 0 : i32
        %dma_start3A_254 = tpu.memref_slice %arg6[%dma_start3A_250, %dma_start3A_253] : memref<8x128xi32, #tpu.memory_space<vmem>> -> memref<1x128xi32, #tpu.memory_space<vmem>>
        %dma_start3A_255 = tpu.memref_squeeze %dma_start3A_254 : memref<1x128xi32, #tpu.memory_space<vmem>> -> memref<128xi32, #tpu.memory_space<vmem>>
        %dma_start3A_256 = arith.constant 0 : i32
        %dma_start3A_257 = tpu.memref_slice %arg23[%dma_start3A_256] : memref<100352xf32, #tpu.memory_space<vmem_shared>> -> memref<100352xf32, #tpu.memory_space<vmem_shared>>
        tpu.enqueue_indirect_dma source(%dma_start3A_252 : memref<128xf32, #tpu.memory_space<vmem>>) target(%dma_start3A_257 : memref<100352xf32, #tpu.memory_space<vmem_shared>>) offsets(%dma_start3A_255 : memref<128xi32, #tpu.memory_space<vmem>>) semaphore(%arg13 : memref<!tpu.dma_semaphore, #tpu.memory_space<semaphore_mem>>) {add = true}
        %dma_start3A_258 = arith.constant 3 : i32
        %dma_start3A_259 = arith.constant 384 : i32
        %dma_start3A_260 = tpu.memref_slice %arg10[%dma_start3A_259] : memref<1024xf32, #tpu.memory_space<vmem>> -> memref<128xf32, #tpu.memory_space<vmem>>
        %dma_start3A_261 = arith.constant 0 : i32
        %dma_start3A_262 = tpu.memref_slice %arg6[%dma_start3A_258, %dma_start3A_261] : memref<8x128xi32, #tpu.memory_space<vmem>> -> memref<1x128xi32, #tpu.memory_space<vmem>>
        %dma_start3A_263 = tpu.memref_squeeze %dma_start3A_262 : memref<1x128xi32, #tpu.memory_space<vmem>> -> memref<128xi32, #tpu.memory_space<vmem>>
        %dma_start3A_264 = arith.constant 0 : i32
        %dma_start3A_265 = tpu.memref_slice %arg23[%dma_start3A_264] : memref<100352xf32, #tpu.memory_space<vmem_shared>> -> memref<100352xf32, #tpu.memory_space<vmem_shared>>
        tpu.enqueue_indirect_dma source(%dma_start3A_260 : memref<128xf32, #tpu.memory_space<vmem>>) target(%dma_start3A_265 : memref<100352xf32, #tpu.memory_space<vmem_shared>>) offsets(%dma_start3A_263 : memref<128xi32, #tpu.memory_space<vmem>>) semaphore(%arg13 : memref<!tpu.dma_semaphore, #tpu.memory_space<semaphore_mem>>) {add = true}
        %dma_start3A_266 = arith.constant 4 : i32
        %dma_start3A_267 = arith.constant 512 : i32
        %dma_start3A_268 = tpu.memref_slice %arg10[%dma_start3A_267] : memref<1024xf32, #tpu.memory_space<vmem>> -> memref<128xf32, #tpu.memory_space<vmem>>
        %dma_start3A_269 = arith.constant 0 : i32
        %dma_start3A_270 = tpu.memref_slice %arg6[%dma_start3A_266, %dma_start3A_269] : memref<8x128xi32, #tpu.memory_space<vmem>> -> memref<1x128xi32, #tpu.memory_space<vmem>>
        %dma_start3A_271 = tpu.memref_squeeze %dma_start3A_270 : memref<1x128xi32, #tpu.memory_space<vmem>> -> memref<128xi32, #tpu.memory_space<vmem>>
        %dma_start3A_272 = arith.constant 0 : i32
        %dma_start3A_273 = tpu.memref_slice %arg23[%dma_start3A_272] : memref<100352xf32, #tpu.memory_space<vmem_shared>> -> memref<100352xf32, #tpu.memory_space<vmem_shared>>
        tpu.enqueue_indirect_dma source(%dma_start3A_268 : memref<128xf32, #tpu.memory_space<vmem>>) target(%dma_start3A_273 : memref<100352xf32, #tpu.memory_space<vmem_shared>>) offsets(%dma_start3A_271 : memref<128xi32, #tpu.memory_space<vmem>>) semaphore(%arg13 : memref<!tpu.dma_semaphore, #tpu.memory_space<semaphore_mem>>) {add = true}
        %dma_start3A_274 = arith.constant 5 : i32
        %dma_start3A_275 = arith.constant 640 : i32
        %dma_start3A_276 = tpu.memref_slice %arg10[%dma_start3A_275] : memref<1024xf32, #tpu.memory_space<vmem>> -> memref<128xf32, #tpu.memory_space<vmem>>
        %dma_start3A_277 = arith.constant 0 : i32
        %dma_start3A_278 = tpu.memref_slice %arg6[%dma_start3A_274, %dma_start3A_277] : memref<8x128xi32, #tpu.memory_space<vmem>> -> memref<1x128xi32, #tpu.memory_space<vmem>>
        %dma_start3A_279 = tpu.memref_squeeze %dma_start3A_278 : memref<1x128xi32, #tpu.memory_space<vmem>> -> memref<128xi32, #tpu.memory_space<vmem>>
        %dma_start3A_280 = arith.constant 0 : i32
        %dma_start3A_281 = tpu.memref_slice %arg23[%dma_start3A_280] : memref<100352xf32, #tpu.memory_space<vmem_shared>> -> memref<100352xf32, #tpu.memory_space<vmem_shared>>
        tpu.enqueue_indirect_dma source(%dma_start3A_276 : memref<128xf32, #tpu.memory_space<vmem>>) target(%dma_start3A_281 : memref<100352xf32, #tpu.memory_space<vmem_shared>>) offsets(%dma_start3A_279 : memref<128xi32, #tpu.memory_space<vmem>>) semaphore(%arg13 : memref<!tpu.dma_semaphore, #tpu.memory_space<semaphore_mem>>) {add = true}
        %dma_start3A_282 = arith.constant 6 : i32
        %dma_start3A_283 = arith.constant 768 : i32
        %dma_start3A_284 = tpu.memref_slice %arg10[%dma_start3A_283] : memref<1024xf32, #tpu.memory_space<vmem>> -> memref<128xf32, #tpu.memory_space<vmem>>
        %dma_start3A_285 = arith.constant 0 : i32
        %dma_start3A_286 = tpu.memref_slice %arg6[%dma_start3A_282, %dma_start3A_285] : memref<8x128xi32, #tpu.memory_space<vmem>> -> memref<1x128xi32, #tpu.memory_space<vmem>>
        %dma_start3A_287 = tpu.memref_squeeze %dma_start3A_286 : memref<1x128xi32, #tpu.memory_space<vmem>> -> memref<128xi32, #tpu.memory_space<vmem>>
        %dma_start3A_288 = arith.constant 0 : i32
        %dma_start3A_289 = tpu.memref_slice %arg23[%dma_start3A_288] : memref<100352xf32, #tpu.memory_space<vmem_shared>> -> memref<100352xf32, #tpu.memory_space<vmem_shared>>
        tpu.enqueue_indirect_dma source(%dma_start3A_284 : memref<128xf32, #tpu.memory_space<vmem>>) target(%dma_start3A_289 : memref<100352xf32, #tpu.memory_space<vmem_shared>>) offsets(%dma_start3A_287 : memref<128xi32, #tpu.memory_space<vmem>>) semaphore(%arg13 : memref<!tpu.dma_semaphore, #tpu.memory_space<semaphore_mem>>) {add = true}
        %dma_start3A_290 = arith.constant 7 : i32
        %dma_start3A_291 = arith.constant 896 : i32
        %dma_start3A_292 = tpu.memref_slice %arg10[%dma_start3A_291] : memref<1024xf32, #tpu.memory_space<vmem>> -> memref<128xf32, #tpu.memory_space<vmem>>
        %dma_start3A_293 = arith.constant 0 : i32
        %dma_start3A_294 = tpu.memref_slice %arg6[%dma_start3A_290, %dma_start3A_293] : memref<8x128xi32, #tpu.memory_space<vmem>> -> memref<1x128xi32, #tpu.memory_space<vmem>>
        %dma_start3A_295 = tpu.memref_squeeze %dma_start3A_294 : memref<1x128xi32, #tpu.memory_space<vmem>> -> memref<128xi32, #tpu.memory_space<vmem>>
        %dma_start3A_296 = arith.constant 0 : i32
        %dma_start3A_297 = tpu.memref_slice %arg23[%dma_start3A_296] : memref<100352xf32, #tpu.memory_space<vmem_shared>> -> memref<100352xf32, #tpu.memory_space<vmem_shared>>
        tpu.enqueue_indirect_dma source(%dma_start3A_292 : memref<128xf32, #tpu.memory_space<vmem>>) target(%dma_start3A_297 : memref<100352xf32, #tpu.memory_space<vmem_shared>>) offsets(%dma_start3A_295 : memref<128xi32, #tpu.memory_space<vmem>>) semaphore(%arg13 : memref<!tpu.dma_semaphore, #tpu.memory_space<semaphore_mem>>) {add = true}
        %dma_wait3A_298 = arith.constant 0 : i32
        %dma_wait3A_299 = arith.constant 0 : i32
        %dma_wait3A_300 = tpu.memref_slice %arg10[%dma_wait3A_299] : memref<1024xf32, #tpu.memory_space<vmem>> -> memref<128xf32, #tpu.memory_space<vmem>>
        %dma_wait3A_301 = arith.constant 0 : i32
        %dma_wait3A_302 = tpu.memref_slice %arg6[%dma_wait3A_298, %dma_wait3A_301] : memref<8x128xi32, #tpu.memory_space<vmem>> -> memref<1x128xi32, #tpu.memory_space<vmem>>
        %dma_wait3A_303 = tpu.memref_squeeze %dma_wait3A_302 : memref<1x128xi32, #tpu.memory_space<vmem>> -> memref<128xi32, #tpu.memory_space<vmem>>
        %dma_wait3A_304 = arith.constant 0 : i32
        %dma_wait3A_305 = tpu.memref_slice %arg23[%dma_wait3A_304] : memref<100352xf32, #tpu.memory_space<vmem_shared>> -> memref<100352xf32, #tpu.memory_space<vmem_shared>>
        tpu.wait_indirect_dma semaphore(%arg13 : memref<!tpu.dma_semaphore, #tpu.memory_space<semaphore_mem>>) src(%dma_wait3A_300 : memref<128xf32, #tpu.memory_space<vmem>>) dst(%dma_wait3A_305 : memref<100352xf32, #tpu.memory_space<vmem_shared>>)
        %dma_wait3A_306 = arith.constant 1 : i32
        %dma_wait3A_307 = arith.constant 128 : i32
        %dma_wait3A_308 = tpu.memref_slice %arg10[%dma_wait3A_307] : memref<1024xf32, #tpu.memory_space<vmem>> -> memref<128xf32, #tpu.memory_space<vmem>>
        %dma_wait3A_309 = arith.constant 0 : i32
        %dma_wait3A_310 = tpu.memref_slice %arg6[%dma_wait3A_306, %dma_wait3A_309] : memref<8x128xi32, #tpu.memory_space<vmem>> -> memref<1x128xi32, #tpu.memory_space<vmem>>
        %dma_wait3A_311 = tpu.memref_squeeze %dma_wait3A_310 : memref<1x128xi32, #tpu.memory_space<vmem>> -> memref<128xi32, #tpu.memory_space<vmem>>
        %dma_wait3A_312 = arith.constant 0 : i32
        %dma_wait3A_313 = tpu.memref_slice %arg23[%dma_wait3A_312] : memref<100352xf32, #tpu.memory_space<vmem_shared>> -> memref<100352xf32, #tpu.memory_space<vmem_shared>>
        tpu.wait_indirect_dma semaphore(%arg13 : memref<!tpu.dma_semaphore, #tpu.memory_space<semaphore_mem>>) src(%dma_wait3A_308 : memref<128xf32, #tpu.memory_space<vmem>>) dst(%dma_wait3A_313 : memref<100352xf32, #tpu.memory_space<vmem_shared>>)
        %dma_wait3A_314 = arith.constant 2 : i32
        %dma_wait3A_315 = arith.constant 256 : i32
        %dma_wait3A_316 = tpu.memref_slice %arg10[%dma_wait3A_315] : memref<1024xf32, #tpu.memory_space<vmem>> -> memref<128xf32, #tpu.memory_space<vmem>>
        %dma_wait3A_317 = arith.constant 0 : i32
        %dma_wait3A_318 = tpu.memref_slice %arg6[%dma_wait3A_314, %dma_wait3A_317] : memref<8x128xi32, #tpu.memory_space<vmem>> -> memref<1x128xi32, #tpu.memory_space<vmem>>
        %dma_wait3A_319 = tpu.memref_squeeze %dma_wait3A_318 : memref<1x128xi32, #tpu.memory_space<vmem>> -> memref<128xi32, #tpu.memory_space<vmem>>
        %dma_wait3A_320 = arith.constant 0 : i32
        %dma_wait3A_321 = tpu.memref_slice %arg23[%dma_wait3A_320] : memref<100352xf32, #tpu.memory_space<vmem_shared>> -> memref<100352xf32, #tpu.memory_space<vmem_shared>>
        tpu.wait_indirect_dma semaphore(%arg13 : memref<!tpu.dma_semaphore, #tpu.memory_space<semaphore_mem>>) src(%dma_wait3A_316 : memref<128xf32, #tpu.memory_space<vmem>>) dst(%dma_wait3A_321 : memref<100352xf32, #tpu.memory_space<vmem_shared>>)
        %dma_wait3A_322 = arith.constant 3 : i32
        %dma_wait3A_323 = arith.constant 384 : i32
        %dma_wait3A_324 = tpu.memref_slice %arg10[%dma_wait3A_323] : memref<1024xf32, #tpu.memory_space<vmem>> -> memref<128xf32, #tpu.memory_space<vmem>>
        %dma_wait3A_325 = arith.constant 0 : i32
        %dma_wait3A_326 = tpu.memref_slice %arg6[%dma_wait3A_322, %dma_wait3A_325] : memref<8x128xi32, #tpu.memory_space<vmem>> -> memref<1x128xi32, #tpu.memory_space<vmem>>
        %dma_wait3A_327 = tpu.memref_squeeze %dma_wait3A_326 : memref<1x128xi32, #tpu.memory_space<vmem>> -> memref<128xi32, #tpu.memory_space<vmem>>
        %dma_wait3A_328 = arith.constant 0 : i32
        %dma_wait3A_329 = tpu.memref_slice %arg23[%dma_wait3A_328] : memref<100352xf32, #tpu.memory_space<vmem_shared>> -> memref<100352xf32, #tpu.memory_space<vmem_shared>>
        tpu.wait_indirect_dma semaphore(%arg13 : memref<!tpu.dma_semaphore, #tpu.memory_space<semaphore_mem>>) src(%dma_wait3A_324 : memref<128xf32, #tpu.memory_space<vmem>>) dst(%dma_wait3A_329 : memref<100352xf32, #tpu.memory_space<vmem_shared>>)
        %dma_wait3A_330 = arith.constant 4 : i32
        %dma_wait3A_331 = arith.constant 512 : i32
        %dma_wait3A_332 = tpu.memref_slice %arg10[%dma_wait3A_331] : memref<1024xf32, #tpu.memory_space<vmem>> -> memref<128xf32, #tpu.memory_space<vmem>>
        %dma_wait3A_333 = arith.constant 0 : i32
        %dma_wait3A_334 = tpu.memref_slice %arg6[%dma_wait3A_330, %dma_wait3A_333] : memref<8x128xi32, #tpu.memory_space<vmem>> -> memref<1x128xi32, #tpu.memory_space<vmem>>
        %dma_wait3A_335 = tpu.memref_squeeze %dma_wait3A_334 : memref<1x128xi32, #tpu.memory_space<vmem>> -> memref<128xi32, #tpu.memory_space<vmem>>
        %dma_wait3A_336 = arith.constant 0 : i32
        %dma_wait3A_337 = tpu.memref_slice %arg23[%dma_wait3A_336] : memref<100352xf32, #tpu.memory_space<vmem_shared>> -> memref<100352xf32, #tpu.memory_space<vmem_shared>>
        tpu.wait_indirect_dma semaphore(%arg13 : memref<!tpu.dma_semaphore, #tpu.memory_space<semaphore_mem>>) src(%dma_wait3A_332 : memref<128xf32, #tpu.memory_space<vmem>>) dst(%dma_wait3A_337 : memref<100352xf32, #tpu.memory_space<vmem_shared>>)
        %dma_wait3A_338 = arith.constant 5 : i32
        %dma_wait3A_339 = arith.constant 640 : i32
        %dma_wait3A_340 = tpu.memref_slice %arg10[%dma_wait3A_339] : memref<1024xf32, #tpu.memory_space<vmem>> -> memref<128xf32, #tpu.memory_space<vmem>>
        %dma_wait3A_341 = arith.constant 0 : i32
        %dma_wait3A_342 = tpu.memref_slice %arg6[%dma_wait3A_338, %dma_wait3A_341] : memref<8x128xi32, #tpu.memory_space<vmem>> -> memref<1x128xi32, #tpu.memory_space<vmem>>
        %dma_wait3A_343 = tpu.memref_squeeze %dma_wait3A_342 : memref<1x128xi32, #tpu.memory_space<vmem>> -> memref<128xi32, #tpu.memory_space<vmem>>
        %dma_wait3A_344 = arith.constant 0 : i32
        %dma_wait3A_345 = tpu.memref_slice %arg23[%dma_wait3A_344] : memref<100352xf32, #tpu.memory_space<vmem_shared>> -> memref<100352xf32, #tpu.memory_space<vmem_shared>>
        tpu.wait_indirect_dma semaphore(%arg13 : memref<!tpu.dma_semaphore, #tpu.memory_space<semaphore_mem>>) src(%dma_wait3A_340 : memref<128xf32, #tpu.memory_space<vmem>>) dst(%dma_wait3A_345 : memref<100352xf32, #tpu.memory_space<vmem_shared>>)
        %dma_wait3A_346 = arith.constant 6 : i32
        %dma_wait3A_347 = arith.constant 768 : i32
        %dma_wait3A_348 = tpu.memref_slice %arg10[%dma_wait3A_347] : memref<1024xf32, #tpu.memory_space<vmem>> -> memref<128xf32, #tpu.memory_space<vmem>>
        %dma_wait3A_349 = arith.constant 0 : i32
        %dma_wait3A_350 = tpu.memref_slice %arg6[%dma_wait3A_346, %dma_wait3A_349] : memref<8x128xi32, #tpu.memory_space<vmem>> -> memref<1x128xi32, #tpu.memory_space<vmem>>
        %dma_wait3A_351 = tpu.memref_squeeze %dma_wait3A_350 : memref<1x128xi32, #tpu.memory_space<vmem>> -> memref<128xi32, #tpu.memory_space<vmem>>
        %dma_wait3A_352 = arith.constant 0 : i32
        %dma_wait3A_353 = tpu.memref_slice %arg23[%dma_wait3A_352] : memref<100352xf32, #tpu.memory_space<vmem_shared>> -> memref<100352xf32, #tpu.memory_space<vmem_shared>>
        tpu.wait_indirect_dma semaphore(%arg13 : memref<!tpu.dma_semaphore, #tpu.memory_space<semaphore_mem>>) src(%dma_wait3A_348 : memref<128xf32, #tpu.memory_space<vmem>>) dst(%dma_wait3A_353 : memref<100352xf32, #tpu.memory_space<vmem_shared>>)
        %dma_wait3A_354 = arith.constant 7 : i32
        %dma_wait3A_355 = arith.constant 896 : i32
        %dma_wait3A_356 = tpu.memref_slice %arg10[%dma_wait3A_355] : memref<1024xf32, #tpu.memory_space<vmem>> -> memref<128xf32, #tpu.memory_space<vmem>>
        %dma_wait3A_357 = arith.constant 0 : i32
        %dma_wait3A_358 = tpu.memref_slice %arg6[%dma_wait3A_354, %dma_wait3A_357] : memref<8x128xi32, #tpu.memory_space<vmem>> -> memref<1x128xi32, #tpu.memory_space<vmem>>
        %dma_wait3A_359 = tpu.memref_squeeze %dma_wait3A_358 : memref<1x128xi32, #tpu.memory_space<vmem>> -> memref<128xi32, #tpu.memory_space<vmem>>
        %dma_wait3A_360 = arith.constant 0 : i32
        %dma_wait3A_361 = tpu.memref_slice %arg23[%dma_wait3A_360] : memref<100352xf32, #tpu.memory_space<vmem_shared>> -> memref<100352xf32, #tpu.memory_space<vmem_shared>>
        tpu.wait_indirect_dma semaphore(%arg13 : memref<!tpu.dma_semaphore, #tpu.memory_space<semaphore_mem>>) src(%dma_wait3A_356 : memref<128xf32, #tpu.memory_space<vmem>>) dst(%dma_wait3A_361 : memref<100352xf32, #tpu.memory_space<vmem_shared>>)
      } else {
      }
      %mul3A_54 = arith.constant 2 : i32
      %mul3A_55 = arith.muli %mul3A_54, %scan3A_41 : i32
      %add3A_56 = arith.constant 1 : i32
      %add3A_57 = arith.addi %mul3A_55, %add3A_56 : i32
      %add3A_58 = arith.constant 1 : i32
      %add3A_59 = arith.addi %add3A_57, %add3A_58 : i32
      %lt3A_60 = arith.cmpi slt, %add3A_59, %min3A : i32
      %convert_element_type3A_61 = arith.extui %lt3A_60 : i1 to i32
      %cond3A_62 = arith.constant 0 : i32
      %cond3A_63 = arith.cmpi ne, %convert_element_type3A_61, %cond3A_62 : i32
      scf.if %cond3A_63 {
        %add3A_69 = arith.constant 1 : i32
        %add3A_70 = arith.addi %add3A_57, %add3A_69 : i32
        %mul3A_71 = arith.constant 8 : i32
        %mul3A_72 = arith.muli %add3A_70, %mul3A_71 : i32
        %add3A_73 = arith.addi %mul3A_10, %mul3A_72 : i32
        %dma_start3A = arith.constant 0 : i32
        %dma_start3A_74 = tpu.memref_slice %arg3[%add3A_73, %dma_start3A] : memref<25000x128xi32, #tpu.memory_space<hbm>> -> memref<8x128xi32, #tpu.memory_space<hbm>>
        %dma_start3A_75 = arith.constant 0 : i32
        %dma_start3A_76 = tpu.memref_slice %arg3[%add3A_73, %dma_start3A_75] : memref<25000x128xi32, #tpu.memory_space<hbm>> -> memref<8x128xi32, #tpu.memory_space<hbm>>
        tpu.enqueue_dma source(%dma_start3A_76 : memref<8x128xi32, #tpu.memory_space<hbm>>) target(%arg6 : memref<8x128xi32, #tpu.memory_space<vmem>>) target_semaphore(%arg11 : memref<!tpu.dma_semaphore, #tpu.memory_space<semaphore_mem>>)
        %dma_start3A_77 = arith.constant 0 : i32
        %dma_start3A_78 = tpu.memref_slice %arg4[%add3A_73, %dma_start3A_77] : memref<25000x128xi32, #tpu.memory_space<hbm>> -> memref<8x128xi32, #tpu.memory_space<hbm>>
        %dma_start3A_79 = arith.constant 0 : i32
        %dma_start3A_80 = tpu.memref_slice %arg4[%add3A_73, %dma_start3A_79] : memref<25000x128xi32, #tpu.memory_space<hbm>> -> memref<8x128xi32, #tpu.memory_space<hbm>>
        tpu.enqueue_dma source(%dma_start3A_80 : memref<8x128xi32, #tpu.memory_space<hbm>>) target(%arg7 : memref<8x128xi32, #tpu.memory_space<vmem>>) target_semaphore(%arg11 : memref<!tpu.dma_semaphore, #tpu.memory_space<semaphore_mem>>)
        %dma_wait3A = arith.constant 0 : i32
        %dma_wait3A_81 = arith.constant 0 : i32
        %dma_wait3A_82 = tpu.memref_slice %arg3[%dma_wait3A, %dma_wait3A_81] : memref<25000x128xi32, #tpu.memory_space<hbm>> -> memref<8x128xi32, #tpu.memory_space<hbm>>
        %dma_wait3A_83 = arith.constant 0 : i32
        %dma_wait3A_84 = arith.constant 0 : i32
        %dma_wait3A_85 = tpu.memref_slice %arg3[%dma_wait3A_83, %dma_wait3A_84] : memref<25000x128xi32, #tpu.memory_space<hbm>> -> memref<8x128xi32, #tpu.memory_space<hbm>>
        tpu.wait_dma2 semaphore(%arg11 : memref<!tpu.dma_semaphore, #tpu.memory_space<semaphore_mem>>) src(%dma_wait3A_85 : memref<8x128xi32, #tpu.memory_space<hbm>>) dst(%arg6 : memref<8x128xi32, #tpu.memory_space<vmem>>)
        %dma_wait3A_86 = arith.constant 0 : i32
        %dma_wait3A_87 = arith.constant 0 : i32
        %dma_wait3A_88 = tpu.memref_slice %arg4[%dma_wait3A_86, %dma_wait3A_87] : memref<25000x128xi32, #tpu.memory_space<hbm>> -> memref<8x128xi32, #tpu.memory_space<hbm>>
        %dma_wait3A_89 = arith.constant 0 : i32
        %dma_wait3A_90 = arith.constant 0 : i32
        %dma_wait3A_91 = tpu.memref_slice %arg4[%dma_wait3A_89, %dma_wait3A_90] : memref<25000x128xi32, #tpu.memory_space<hbm>> -> memref<8x128xi32, #tpu.memory_space<hbm>>
        tpu.wait_dma2 semaphore(%arg11 : memref<!tpu.dma_semaphore, #tpu.memory_space<semaphore_mem>>) src(%dma_wait3A_91 : memref<8x128xi32, #tpu.memory_space<hbm>>) dst(%arg7 : memref<8x128xi32, #tpu.memory_space<vmem>>)
        %dma_start3A_92 = arith.constant 0 : i32
        %dma_start3A_93 = arith.constant 0 : i32
        %dma_start3A_94 = arith.constant 0 : i32
        %dma_start3A_95 = tpu.memref_slice %arg8[%dma_start3A_93, %dma_start3A_94] : memref<1024x8xf32, #tpu.memory_space<vmem>> -> memref<128x8xf32, #tpu.memory_space<vmem>>
        %dma_start3A_96 = arith.constant 0 : i32
        %dma_start3A_97 = tpu.memref_slice %arg6[%dma_start3A_92, %dma_start3A_96] : memref<8x128xi32, #tpu.memory_space<vmem>> -> memref<1x128xi32, #tpu.memory_space<vmem>>
        %dma_start3A_98 = tpu.memref_squeeze %dma_start3A_97 : memref<1x128xi32, #tpu.memory_space<vmem>> -> memref<128xi32, #tpu.memory_space<vmem>>
        %dma_start3A_99 = arith.constant 0 : i32
        %dma_start3A_100 = arith.constant 0 : i32
        %dma_start3A_101 = tpu.memref_slice %arg2[%dma_start3A_99, %dma_start3A_100] : memref<100000x8xf32, #tpu.memory_space<hbm>> -> memref<100000x8xf32, #tpu.memory_space<hbm>>
        tpu.enqueue_indirect_dma source(%dma_start3A_101 : memref<100000x8xf32, #tpu.memory_space<hbm>>) target(%dma_start3A_95 : memref<128x8xf32, #tpu.memory_space<vmem>>) offsets(%dma_start3A_98 : memref<128xi32, #tpu.memory_space<vmem>>) semaphore(%arg12 : memref<!tpu.dma_semaphore, #tpu.memory_space<semaphore_mem>>)
        %dma_start3A_102 = arith.constant 0 : i32
        %dma_start3A_103 = arith.constant 0 : i32
        %dma_start3A_104 = arith.constant 0 : i32
        %dma_start3A_105 = tpu.memref_slice %arg9[%dma_start3A_103, %dma_start3A_104] : memref<1024x8xf32, #tpu.memory_space<vmem>> -> memref<128x8xf32, #tpu.memory_space<vmem>>
        %dma_start3A_106 = arith.constant 0 : i32
        %dma_start3A_107 = tpu.memref_slice %arg7[%dma_start3A_102, %dma_start3A_106] : memref<8x128xi32, #tpu.memory_space<vmem>> -> memref<1x128xi32, #tpu.memory_space<vmem>>
        %dma_start3A_108 = tpu.memref_squeeze %dma_start3A_107 : memref<1x128xi32, #tpu.memory_space<vmem>> -> memref<128xi32, #tpu.memory_space<vmem>>
        %dma_start3A_109 = arith.constant 0 : i32
        %dma_start3A_110 = arith.constant 0 : i32
        %dma_start3A_111 = tpu.memref_slice %arg2[%dma_start3A_109, %dma_start3A_110] : memref<100000x8xf32, #tpu.memory_space<hbm>> -> memref<100000x8xf32, #tpu.memory_space<hbm>>
        tpu.enqueue_indirect_dma source(%dma_start3A_111 : memref<100000x8xf32, #tpu.memory_space<hbm>>) target(%dma_start3A_105 : memref<128x8xf32, #tpu.memory_space<vmem>>) offsets(%dma_start3A_108 : memref<128xi32, #tpu.memory_space<vmem>>) semaphore(%arg12 : memref<!tpu.dma_semaphore, #tpu.memory_space<semaphore_mem>>)
        %dma_start3A_112 = arith.constant 1 : i32
        %dma_start3A_113 = arith.constant 128 : i32
        %dma_start3A_114 = arith.constant 0 : i32
        %dma_start3A_115 = tpu.memref_slice %arg8[%dma_start3A_113, %dma_start3A_114] : memref<1024x8xf32, #tpu.memory_space<vmem>> -> memref<128x8xf32, #tpu.memory_space<vmem>>
        %dma_start3A_116 = arith.constant 0 : i32
        %dma_start3A_117 = tpu.memref_slice %arg6[%dma_start3A_112, %dma_start3A_116] : memref<8x128xi32, #tpu.memory_space<vmem>> -> memref<1x128xi32, #tpu.memory_space<vmem>>
        %dma_start3A_118 = tpu.memref_squeeze %dma_start3A_117 : memref<1x128xi32, #tpu.memory_space<vmem>> -> memref<128xi32, #tpu.memory_space<vmem>>
        %dma_start3A_119 = arith.constant 0 : i32
        %dma_start3A_120 = arith.constant 0 : i32
        %dma_start3A_121 = tpu.memref_slice %arg2[%dma_start3A_119, %dma_start3A_120] : memref<100000x8xf32, #tpu.memory_space<hbm>> -> memref<100000x8xf32, #tpu.memory_space<hbm>>
        tpu.enqueue_indirect_dma source(%dma_start3A_121 : memref<100000x8xf32, #tpu.memory_space<hbm>>) target(%dma_start3A_115 : memref<128x8xf32, #tpu.memory_space<vmem>>) offsets(%dma_start3A_118 : memref<128xi32, #tpu.memory_space<vmem>>) semaphore(%arg12 : memref<!tpu.dma_semaphore, #tpu.memory_space<semaphore_mem>>)
        %dma_start3A_122 = arith.constant 1 : i32
        %dma_start3A_123 = arith.constant 128 : i32
        %dma_start3A_124 = arith.constant 0 : i32
        %dma_start3A_125 = tpu.memref_slice %arg9[%dma_start3A_123, %dma_start3A_124] : memref<1024x8xf32, #tpu.memory_space<vmem>> -> memref<128x8xf32, #tpu.memory_space<vmem>>
        %dma_start3A_126 = arith.constant 0 : i32
        %dma_start3A_127 = tpu.memref_slice %arg7[%dma_start3A_122, %dma_start3A_126] : memref<8x128xi32, #tpu.memory_space<vmem>> -> memref<1x128xi32, #tpu.memory_space<vmem>>
        %dma_start3A_128 = tpu.memref_squeeze %dma_start3A_127 : memref<1x128xi32, #tpu.memory_space<vmem>> -> memref<128xi32, #tpu.memory_space<vmem>>
        %dma_start3A_129 = arith.constant 0 : i32
        %dma_start3A_130 = arith.constant 0 : i32
        %dma_start3A_131 = tpu.memref_slice %arg2[%dma_start3A_129, %dma_start3A_130] : memref<100000x8xf32, #tpu.memory_space<hbm>> -> memref<100000x8xf32, #tpu.memory_space<hbm>>
        tpu.enqueue_indirect_dma source(%dma_start3A_131 : memref<100000x8xf32, #tpu.memory_space<hbm>>) target(%dma_start3A_125 : memref<128x8xf32, #tpu.memory_space<vmem>>) offsets(%dma_start3A_128 : memref<128xi32, #tpu.memory_space<vmem>>) semaphore(%arg12 : memref<!tpu.dma_semaphore, #tpu.memory_space<semaphore_mem>>)
        %dma_start3A_132 = arith.constant 2 : i32
        %dma_start3A_133 = arith.constant 256 : i32
        %dma_start3A_134 = arith.constant 0 : i32
        %dma_start3A_135 = tpu.memref_slice %arg8[%dma_start3A_133, %dma_start3A_134] : memref<1024x8xf32, #tpu.memory_space<vmem>> -> memref<128x8xf32, #tpu.memory_space<vmem>>
        %dma_start3A_136 = arith.constant 0 : i32
        %dma_start3A_137 = tpu.memref_slice %arg6[%dma_start3A_132, %dma_start3A_136] : memref<8x128xi32, #tpu.memory_space<vmem>> -> memref<1x128xi32, #tpu.memory_space<vmem>>
        %dma_start3A_138 = tpu.memref_squeeze %dma_start3A_137 : memref<1x128xi32, #tpu.memory_space<vmem>> -> memref<128xi32, #tpu.memory_space<vmem>>
        %dma_start3A_139 = arith.constant 0 : i32
        %dma_start3A_140 = arith.constant 0 : i32
        %dma_start3A_141 = tpu.memref_slice %arg2[%dma_start3A_139, %dma_start3A_140] : memref<100000x8xf32, #tpu.memory_space<hbm>> -> memref<100000x8xf32, #tpu.memory_space<hbm>>
        tpu.enqueue_indirect_dma source(%dma_start3A_141 : memref<100000x8xf32, #tpu.memory_space<hbm>>) target(%dma_start3A_135 : memref<128x8xf32, #tpu.memory_space<vmem>>) offsets(%dma_start3A_138 : memref<128xi32, #tpu.memory_space<vmem>>) semaphore(%arg12 : memref<!tpu.dma_semaphore, #tpu.memory_space<semaphore_mem>>)
        %dma_start3A_142 = arith.constant 2 : i32
        %dma_start3A_143 = arith.constant 256 : i32
        %dma_start3A_144 = arith.constant 0 : i32
        %dma_start3A_145 = tpu.memref_slice %arg9[%dma_start3A_143, %dma_start3A_144] : memref<1024x8xf32, #tpu.memory_space<vmem>> -> memref<128x8xf32, #tpu.memory_space<vmem>>
        %dma_start3A_146 = arith.constant 0 : i32
        %dma_start3A_147 = tpu.memref_slice %arg7[%dma_start3A_142, %dma_start3A_146] : memref<8x128xi32, #tpu.memory_space<vmem>> -> memref<1x128xi32, #tpu.memory_space<vmem>>
        %dma_start3A_148 = tpu.memref_squeeze %dma_start3A_147 : memref<1x128xi32, #tpu.memory_space<vmem>> -> memref<128xi32, #tpu.memory_space<vmem>>
        %dma_start3A_149 = arith.constant 0 : i32
        %dma_start3A_150 = arith.constant 0 : i32
        %dma_start3A_151 = tpu.memref_slice %arg2[%dma_start3A_149, %dma_start3A_150] : memref<100000x8xf32, #tpu.memory_space<hbm>> -> memref<100000x8xf32, #tpu.memory_space<hbm>>
        tpu.enqueue_indirect_dma source(%dma_start3A_151 : memref<100000x8xf32, #tpu.memory_space<hbm>>) target(%dma_start3A_145 : memref<128x8xf32, #tpu.memory_space<vmem>>) offsets(%dma_start3A_148 : memref<128xi32, #tpu.memory_space<vmem>>) semaphore(%arg12 : memref<!tpu.dma_semaphore, #tpu.memory_space<semaphore_mem>>)
        %dma_start3A_152 = arith.constant 3 : i32
        %dma_start3A_153 = arith.constant 384 : i32
        %dma_start3A_154 = arith.constant 0 : i32
        %dma_start3A_155 = tpu.memref_slice %arg8[%dma_start3A_153, %dma_start3A_154] : memref<1024x8xf32, #tpu.memory_space<vmem>> -> memref<128x8xf32, #tpu.memory_space<vmem>>
        %dma_start3A_156 = arith.constant 0 : i32
        %dma_start3A_157 = tpu.memref_slice %arg6[%dma_start3A_152, %dma_start3A_156] : memref<8x128xi32, #tpu.memory_space<vmem>> -> memref<1x128xi32, #tpu.memory_space<vmem>>
        %dma_start3A_158 = tpu.memref_squeeze %dma_start3A_157 : memref<1x128xi32, #tpu.memory_space<vmem>> -> memref<128xi32, #tpu.memory_space<vmem>>
        %dma_start3A_159 = arith.constant 0 : i32
        %dma_start3A_160 = arith.constant 0 : i32
        %dma_start3A_161 = tpu.memref_slice %arg2[%dma_start3A_159, %dma_start3A_160] : memref<100000x8xf32, #tpu.memory_space<hbm>> -> memref<100000x8xf32, #tpu.memory_space<hbm>>
        tpu.enqueue_indirect_dma source(%dma_start3A_161 : memref<100000x8xf32, #tpu.memory_space<hbm>>) target(%dma_start3A_155 : memref<128x8xf32, #tpu.memory_space<vmem>>) offsets(%dma_start3A_158 : memref<128xi32, #tpu.memory_space<vmem>>) semaphore(%arg12 : memref<!tpu.dma_semaphore, #tpu.memory_space<semaphore_mem>>)
        %dma_start3A_162 = arith.constant 3 : i32
        %dma_start3A_163 = arith.constant 384 : i32
        %dma_start3A_164 = arith.constant 0 : i32
        %dma_start3A_165 = tpu.memref_slice %arg9[%dma_start3A_163, %dma_start3A_164] : memref<1024x8xf32, #tpu.memory_space<vmem>> -> memref<128x8xf32, #tpu.memory_space<vmem>>
        %dma_start3A_166 = arith.constant 0 : i32
        %dma_start3A_167 = tpu.memref_slice %arg7[%dma_start3A_162, %dma_start3A_166] : memref<8x128xi32, #tpu.memory_space<vmem>> -> memref<1x128xi32, #tpu.memory_space<vmem>>
        %dma_start3A_168 = tpu.memref_squeeze %dma_start3A_167 : memref<1x128xi32, #tpu.memory_space<vmem>> -> memref<128xi32, #tpu.memory_space<vmem>>
        %dma_start3A_169 = arith.constant 0 : i32
        %dma_start3A_170 = arith.constant 0 : i32
        %dma_start3A_171 = tpu.memref_slice %arg2[%dma_start3A_169, %dma_start3A_170] : memref<100000x8xf32, #tpu.memory_space<hbm>> -> memref<100000x8xf32, #tpu.memory_space<hbm>>
        tpu.enqueue_indirect_dma source(%dma_start3A_171 : memref<100000x8xf32, #tpu.memory_space<hbm>>) target(%dma_start3A_165 : memref<128x8xf32, #tpu.memory_space<vmem>>) offsets(%dma_start3A_168 : memref<128xi32, #tpu.memory_space<vmem>>) semaphore(%arg12 : memref<!tpu.dma_semaphore, #tpu.memory_space<semaphore_mem>>)
        %dma_start3A_172 = arith.constant 4 : i32
        %dma_start3A_173 = arith.constant 512 : i32
        %dma_start3A_174 = arith.constant 0 : i32
        %dma_start3A_175 = tpu.memref_slice %arg8[%dma_start3A_173, %dma_start3A_174] : memref<1024x8xf32, #tpu.memory_space<vmem>> -> memref<128x8xf32, #tpu.memory_space<vmem>>
        %dma_start3A_176 = arith.constant 0 : i32
        %dma_start3A_177 = tpu.memref_slice %arg6[%dma_start3A_172, %dma_start3A_176] : memref<8x128xi32, #tpu.memory_space<vmem>> -> memref<1x128xi32, #tpu.memory_space<vmem>>
        %dma_start3A_178 = tpu.memref_squeeze %dma_start3A_177 : memref<1x128xi32, #tpu.memory_space<vmem>> -> memref<128xi32, #tpu.memory_space<vmem>>
        %dma_start3A_179 = arith.constant 0 : i32
        %dma_start3A_180 = arith.constant 0 : i32
        %dma_start3A_181 = tpu.memref_slice %arg2[%dma_start3A_179, %dma_start3A_180] : memref<100000x8xf32, #tpu.memory_space<hbm>> -> memref<100000x8xf32, #tpu.memory_space<hbm>>
        tpu.enqueue_indirect_dma source(%dma_start3A_181 : memref<100000x8xf32, #tpu.memory_space<hbm>>) target(%dma_start3A_175 : memref<128x8xf32, #tpu.memory_space<vmem>>) offsets(%dma_start3A_178 : memref<128xi32, #tpu.memory_space<vmem>>) semaphore(%arg12 : memref<!tpu.dma_semaphore, #tpu.memory_space<semaphore_mem>>)
        %dma_start3A_182 = arith.constant 4 : i32
        %dma_start3A_183 = arith.constant 512 : i32
        %dma_start3A_184 = arith.constant 0 : i32
        %dma_start3A_185 = tpu.memref_slice %arg9[%dma_start3A_183, %dma_start3A_184] : memref<1024x8xf32, #tpu.memory_space<vmem>> -> memref<128x8xf32, #tpu.memory_space<vmem>>
        %dma_start3A_186 = arith.constant 0 : i32
        %dma_start3A_187 = tpu.memref_slice %arg7[%dma_start3A_182, %dma_start3A_186] : memref<8x128xi32, #tpu.memory_space<vmem>> -> memref<1x128xi32, #tpu.memory_space<vmem>>
        %dma_start3A_188 = tpu.memref_squeeze %dma_start3A_187 : memref<1x128xi32, #tpu.memory_space<vmem>> -> memref<128xi32, #tpu.memory_space<vmem>>
        %dma_start3A_189 = arith.constant 0 : i32
        %dma_start3A_190 = arith.constant 0 : i32
        %dma_start3A_191 = tpu.memref_slice %arg2[%dma_start3A_189, %dma_start3A_190] : memref<100000x8xf32, #tpu.memory_space<hbm>> -> memref<100000x8xf32, #tpu.memory_space<hbm>>
        tpu.enqueue_indirect_dma source(%dma_start3A_191 : memref<100000x8xf32, #tpu.memory_space<hbm>>) target(%dma_start3A_185 : memref<128x8xf32, #tpu.memory_space<vmem>>) offsets(%dma_start3A_188 : memref<128xi32, #tpu.memory_space<vmem>>) semaphore(%arg12 : memref<!tpu.dma_semaphore, #tpu.memory_space<semaphore_mem>>)
        %dma_start3A_192 = arith.constant 5 : i32
        %dma_start3A_193 = arith.constant 640 : i32
        %dma_start3A_194 = arith.constant 0 : i32
        %dma_start3A_195 = tpu.memref_slice %arg8[%dma_start3A_193, %dma_start3A_194] : memref<1024x8xf32, #tpu.memory_space<vmem>> -> memref<128x8xf32, #tpu.memory_space<vmem>>
        %dma_start3A_196 = arith.constant 0 : i32
        %dma_start3A_197 = tpu.memref_slice %arg6[%dma_start3A_192, %dma_start3A_196] : memref<8x128xi32, #tpu.memory_space<vmem>> -> memref<1x128xi32, #tpu.memory_space<vmem>>
        %dma_start3A_198 = tpu.memref_squeeze %dma_start3A_197 : memref<1x128xi32, #tpu.memory_space<vmem>> -> memref<128xi32, #tpu.memory_space<vmem>>
        %dma_start3A_199 = arith.constant 0 : i32
        %dma_start3A_200 = arith.constant 0 : i32
        %dma_start3A_201 = tpu.memref_slice %arg2[%dma_start3A_199, %dma_start3A_200] : memref<100000x8xf32, #tpu.memory_space<hbm>> -> memref<100000x8xf32, #tpu.memory_space<hbm>>
        tpu.enqueue_indirect_dma source(%dma_start3A_201 : memref<100000x8xf32, #tpu.memory_space<hbm>>) target(%dma_start3A_195 : memref<128x8xf32, #tpu.memory_space<vmem>>) offsets(%dma_start3A_198 : memref<128xi32, #tpu.memory_space<vmem>>) semaphore(%arg12 : memref<!tpu.dma_semaphore, #tpu.memory_space<semaphore_mem>>)
        %dma_start3A_202 = arith.constant 5 : i32
        %dma_start3A_203 = arith.constant 640 : i32
        %dma_start3A_204 = arith.constant 0 : i32
        %dma_start3A_205 = tpu.memref_slice %arg9[%dma_start3A_203, %dma_start3A_204] : memref<1024x8xf32, #tpu.memory_space<vmem>> -> memref<128x8xf32, #tpu.memory_space<vmem>>
        %dma_start3A_206 = arith.constant 0 : i32
        %dma_start3A_207 = tpu.memref_slice %arg7[%dma_start3A_202, %dma_start3A_206] : memref<8x128xi32, #tpu.memory_space<vmem>> -> memref<1x128xi32, #tpu.memory_space<vmem>>
        %dma_start3A_208 = tpu.memref_squeeze %dma_start3A_207 : memref<1x128xi32, #tpu.memory_space<vmem>> -> memref<128xi32, #tpu.memory_space<vmem>>
        %dma_start3A_209 = arith.constant 0 : i32
        %dma_start3A_210 = arith.constant 0 : i32
        %dma_start3A_211 = tpu.memref_slice %arg2[%dma_start3A_209, %dma_start3A_210] : memref<100000x8xf32, #tpu.memory_space<hbm>> -> memref<100000x8xf32, #tpu.memory_space<hbm>>
        tpu.enqueue_indirect_dma source(%dma_start3A_211 : memref<100000x8xf32, #tpu.memory_space<hbm>>) target(%dma_start3A_205 : memref<128x8xf32, #tpu.memory_space<vmem>>) offsets(%dma_start3A_208 : memref<128xi32, #tpu.memory_space<vmem>>) semaphore(%arg12 : memref<!tpu.dma_semaphore, #tpu.memory_space<semaphore_mem>>)
        %dma_start3A_212 = arith.constant 6 : i32
        %dma_start3A_213 = arith.constant 768 : i32
        %dma_start3A_214 = arith.constant 0 : i32
        %dma_start3A_215 = tpu.memref_slice %arg8[%dma_start3A_213, %dma_start3A_214] : memref<1024x8xf32, #tpu.memory_space<vmem>> -> memref<128x8xf32, #tpu.memory_space<vmem>>
        %dma_start3A_216 = arith.constant 0 : i32
        %dma_start3A_217 = tpu.memref_slice %arg6[%dma_start3A_212, %dma_start3A_216] : memref<8x128xi32, #tpu.memory_space<vmem>> -> memref<1x128xi32, #tpu.memory_space<vmem>>
        %dma_start3A_218 = tpu.memref_squeeze %dma_start3A_217 : memref<1x128xi32, #tpu.memory_space<vmem>> -> memref<128xi32, #tpu.memory_space<vmem>>
        %dma_start3A_219 = arith.constant 0 : i32
        %dma_start3A_220 = arith.constant 0 : i32
        %dma_start3A_221 = tpu.memref_slice %arg2[%dma_start3A_219, %dma_start3A_220] : memref<100000x8xf32, #tpu.memory_space<hbm>> -> memref<100000x8xf32, #tpu.memory_space<hbm>>
        tpu.enqueue_indirect_dma source(%dma_start3A_221 : memref<100000x8xf32, #tpu.memory_space<hbm>>) target(%dma_start3A_215 : memref<128x8xf32, #tpu.memory_space<vmem>>) offsets(%dma_start3A_218 : memref<128xi32, #tpu.memory_space<vmem>>) semaphore(%arg12 : memref<!tpu.dma_semaphore, #tpu.memory_space<semaphore_mem>>)
        %dma_start3A_222 = arith.constant 6 : i32
        %dma_start3A_223 = arith.constant 768 : i32
        %dma_start3A_224 = arith.constant 0 : i32
        %dma_start3A_225 = tpu.memref_slice %arg9[%dma_start3A_223, %dma_start3A_224] : memref<1024x8xf32, #tpu.memory_space<vmem>> -> memref<128x8xf32, #tpu.memory_space<vmem>>
        %dma_start3A_226 = arith.constant 0 : i32
        %dma_start3A_227 = tpu.memref_slice %arg7[%dma_start3A_222, %dma_start3A_226] : memref<8x128xi32, #tpu.memory_space<vmem>> -> memref<1x128xi32, #tpu.memory_space<vmem>>
        %dma_start3A_228 = tpu.memref_squeeze %dma_start3A_227 : memref<1x128xi32, #tpu.memory_space<vmem>> -> memref<128xi32, #tpu.memory_space<vmem>>
        %dma_start3A_229 = arith.constant 0 : i32
        %dma_start3A_230 = arith.constant 0 : i32
        %dma_start3A_231 = tpu.memref_slice %arg2[%dma_start3A_229, %dma_start3A_230] : memref<100000x8xf32, #tpu.memory_space<hbm>> -> memref<100000x8xf32, #tpu.memory_space<hbm>>
        tpu.enqueue_indirect_dma source(%dma_start3A_231 : memref<100000x8xf32, #tpu.memory_space<hbm>>) target(%dma_start3A_225 : memref<128x8xf32, #tpu.memory_space<vmem>>) offsets(%dma_start3A_228 : memref<128xi32, #tpu.memory_space<vmem>>) semaphore(%arg12 : memref<!tpu.dma_semaphore, #tpu.memory_space<semaphore_mem>>)
        %dma_start3A_232 = arith.constant 7 : i32
        %dma_start3A_233 = arith.constant 896 : i32
        %dma_start3A_234 = arith.constant 0 : i32
        %dma_start3A_235 = tpu.memref_slice %arg8[%dma_start3A_233, %dma_start3A_234] : memref<1024x8xf32, #tpu.memory_space<vmem>> -> memref<128x8xf32, #tpu.memory_space<vmem>>
        %dma_start3A_236 = arith.constant 0 : i32
        %dma_start3A_237 = tpu.memref_slice %arg6[%dma_start3A_232, %dma_start3A_236] : memref<8x128xi32, #tpu.memory_space<vmem>> -> memref<1x128xi32, #tpu.memory_space<vmem>>
        %dma_start3A_238 = tpu.memref_squeeze %dma_start3A_237 : memref<1x128xi32, #tpu.memory_space<vmem>> -> memref<128xi32, #tpu.memory_space<vmem>>
        %dma_start3A_239 = arith.constant 0 : i32
        %dma_start3A_240 = arith.constant 0 : i32
        %dma_start3A_241 = tpu.memref_slice %arg2[%dma_start3A_239, %dma_start3A_240] : memref<100000x8xf32, #tpu.memory_space<hbm>> -> memref<100000x8xf32, #tpu.memory_space<hbm>>
        tpu.enqueue_indirect_dma source(%dma_start3A_241 : memref<100000x8xf32, #tpu.memory_space<hbm>>) target(%dma_start3A_235 : memref<128x8xf32, #tpu.memory_space<vmem>>) offsets(%dma_start3A_238 : memref<128xi32, #tpu.memory_space<vmem>>) semaphore(%arg12 : memref<!tpu.dma_semaphore, #tpu.memory_space<semaphore_mem>>)
        %dma_start3A_242 = arith.constant 7 : i32
        %dma_start3A_243 = arith.constant 896 : i32
        %dma_start3A_244 = arith.constant 0 : i32
        %dma_start3A_245 = tpu.memref_slice %arg9[%dma_start3A_243, %dma_start3A_244] : memref<1024x8xf32, #tpu.memory_space<vmem>> -> memref<128x8xf32, #tpu.memory_space<vmem>>
        %dma_start3A_246 = arith.constant 0 : i32
        %dma_start3A_247 = tpu.memref_slice %arg7[%dma_start3A_242, %dma_start3A_246] : memref<8x128xi32, #tpu.memory_space<vmem>> -> memref<1x128xi32, #tpu.memory_space<vmem>>
        %dma_start3A_248 = tpu.memref_squeeze %dma_start3A_247 : memref<1x128xi32, #tpu.memory_space<vmem>> -> memref<128xi32, #tpu.memory_space<vmem>>
        %dma_start3A_249 = arith.constant 0 : i32
        %dma_start3A_250 = arith.constant 0 : i32
        %dma_start3A_251 = tpu.memref_slice %arg2[%dma_start3A_249, %dma_start3A_250] : memref<100000x8xf32, #tpu.memory_space<hbm>> -> memref<100000x8xf32, #tpu.memory_space<hbm>>
        tpu.enqueue_indirect_dma source(%dma_start3A_251 : memref<100000x8xf32, #tpu.memory_space<hbm>>) target(%dma_start3A_245 : memref<128x8xf32, #tpu.memory_space<vmem>>) offsets(%dma_start3A_248 : memref<128xi32, #tpu.memory_space<vmem>>) semaphore(%arg12 : memref<!tpu.dma_semaphore, #tpu.memory_space<semaphore_mem>>)
      } else {
      }
      %lt3A_64 = arith.cmpi slt, %add3A_57, %min3A : i32
      %convert_element_type3A_65 = arith.extui %lt3A_64 : i1 to i32
      %cond3A_66 = arith.constant 0 : i32
      %cond3A_67 = arith.cmpi ne, %convert_element_type3A_65, %cond3A_66 : i32
      scf.if %cond3A_67 {
        %dma_wait3A = arith.constant 0 : i32
        %dma_wait3A_69 = arith.constant 0 : i32
        %dma_wait3A_70 = arith.constant 0 : i32
        %dma_wait3A_71 = tpu.memref_slice %arg16[%dma_wait3A_69, %dma_wait3A_70] : memref<1024x8xf32, #tpu.memory_space<vmem>> -> memref<128x8xf32, #tpu.memory_space<vmem>>
        %dma_wait3A_72 = arith.constant 0 : i32
        %dma_wait3A_73 = tpu.memref_slice %arg14[%dma_wait3A, %dma_wait3A_72] : memref<8x128xi32, #tpu.memory_space<vmem>> -> memref<1x128xi32, #tpu.memory_space<vmem>>
        %dma_wait3A_74 = tpu.memref_squeeze %dma_wait3A_73 : memref<1x128xi32, #tpu.memory_space<vmem>> -> memref<128xi32, #tpu.memory_space<vmem>>
        %dma_wait3A_75 = arith.constant 0 : i32
        %dma_wait3A_76 = arith.constant 0 : i32
        %dma_wait3A_77 = tpu.memref_slice %arg2[%dma_wait3A_75, %dma_wait3A_76] : memref<100000x8xf32, #tpu.memory_space<hbm>> -> memref<100000x8xf32, #tpu.memory_space<hbm>>
        tpu.wait_indirect_dma semaphore(%arg20 : memref<!tpu.dma_semaphore, #tpu.memory_space<semaphore_mem>>) src(%dma_wait3A_77 : memref<100000x8xf32, #tpu.memory_space<hbm>>) dst(%dma_wait3A_71 : memref<128x8xf32, #tpu.memory_space<vmem>>)
        %dma_wait3A_78 = arith.constant 0 : i32
        %dma_wait3A_79 = arith.constant 0 : i32
        %dma_wait3A_80 = arith.constant 0 : i32
        %dma_wait3A_81 = tpu.memref_slice %arg17[%dma_wait3A_79, %dma_wait3A_80] : memref<1024x8xf32, #tpu.memory_space<vmem>> -> memref<128x8xf32, #tpu.memory_space<vmem>>
        %dma_wait3A_82 = arith.constant 0 : i32
        %dma_wait3A_83 = tpu.memref_slice %arg15[%dma_wait3A_78, %dma_wait3A_82] : memref<8x128xi32, #tpu.memory_space<vmem>> -> memref<1x128xi32, #tpu.memory_space<vmem>>
        %dma_wait3A_84 = tpu.memref_squeeze %dma_wait3A_83 : memref<1x128xi32, #tpu.memory_space<vmem>> -> memref<128xi32, #tpu.memory_space<vmem>>
        %dma_wait3A_85 = arith.constant 0 : i32
        %dma_wait3A_86 = arith.constant 0 : i32
        %dma_wait3A_87 = tpu.memref_slice %arg2[%dma_wait3A_85, %dma_wait3A_86] : memref<100000x8xf32, #tpu.memory_space<hbm>> -> memref<100000x8xf32, #tpu.memory_space<hbm>>
        tpu.wait_indirect_dma semaphore(%arg20 : memref<!tpu.dma_semaphore, #tpu.memory_space<semaphore_mem>>) src(%dma_wait3A_87 : memref<100000x8xf32, #tpu.memory_space<hbm>>) dst(%dma_wait3A_81 : memref<128x8xf32, #tpu.memory_space<vmem>>)
        %dma_wait3A_88 = arith.constant 1 : i32
        %dma_wait3A_89 = arith.constant 128 : i32
        %dma_wait3A_90 = arith.constant 0 : i32
        %dma_wait3A_91 = tpu.memref_slice %arg16[%dma_wait3A_89, %dma_wait3A_90] : memref<1024x8xf32, #tpu.memory_space<vmem>> -> memref<128x8xf32, #tpu.memory_space<vmem>>
        %dma_wait3A_92 = arith.constant 0 : i32
        %dma_wait3A_93 = tpu.memref_slice %arg14[%dma_wait3A_88, %dma_wait3A_92] : memref<8x128xi32, #tpu.memory_space<vmem>> -> memref<1x128xi32, #tpu.memory_space<vmem>>
        %dma_wait3A_94 = tpu.memref_squeeze %dma_wait3A_93 : memref<1x128xi32, #tpu.memory_space<vmem>> -> memref<128xi32, #tpu.memory_space<vmem>>
        %dma_wait3A_95 = arith.constant 0 : i32
        %dma_wait3A_96 = arith.constant 0 : i32
        %dma_wait3A_97 = tpu.memref_slice %arg2[%dma_wait3A_95, %dma_wait3A_96] : memref<100000x8xf32, #tpu.memory_space<hbm>> -> memref<100000x8xf32, #tpu.memory_space<hbm>>
        tpu.wait_indirect_dma semaphore(%arg20 : memref<!tpu.dma_semaphore, #tpu.memory_space<semaphore_mem>>) src(%dma_wait3A_97 : memref<100000x8xf32, #tpu.memory_space<hbm>>) dst(%dma_wait3A_91 : memref<128x8xf32, #tpu.memory_space<vmem>>)
        %dma_wait3A_98 = arith.constant 1 : i32
        %dma_wait3A_99 = arith.constant 128 : i32
        %dma_wait3A_100 = arith.constant 0 : i32
        %dma_wait3A_101 = tpu.memref_slice %arg17[%dma_wait3A_99, %dma_wait3A_100] : memref<1024x8xf32, #tpu.memory_space<vmem>> -> memref<128x8xf32, #tpu.memory_space<vmem>>
        %dma_wait3A_102 = arith.constant 0 : i32
        %dma_wait3A_103 = tpu.memref_slice %arg15[%dma_wait3A_98, %dma_wait3A_102] : memref<8x128xi32, #tpu.memory_space<vmem>> -> memref<1x128xi32, #tpu.memory_space<vmem>>
        %dma_wait3A_104 = tpu.memref_squeeze %dma_wait3A_103 : memref<1x128xi32, #tpu.memory_space<vmem>> -> memref<128xi32, #tpu.memory_space<vmem>>
        %dma_wait3A_105 = arith.constant 0 : i32
        %dma_wait3A_106 = arith.constant 0 : i32
        %dma_wait3A_107 = tpu.memref_slice %arg2[%dma_wait3A_105, %dma_wait3A_106] : memref<100000x8xf32, #tpu.memory_space<hbm>> -> memref<100000x8xf32, #tpu.memory_space<hbm>>
        tpu.wait_indirect_dma semaphore(%arg20 : memref<!tpu.dma_semaphore, #tpu.memory_space<semaphore_mem>>) src(%dma_wait3A_107 : memref<100000x8xf32, #tpu.memory_space<hbm>>) dst(%dma_wait3A_101 : memref<128x8xf32, #tpu.memory_space<vmem>>)
        %dma_wait3A_108 = arith.constant 2 : i32
        %dma_wait3A_109 = arith.constant 256 : i32
        %dma_wait3A_110 = arith.constant 0 : i32
        %dma_wait3A_111 = tpu.memref_slice %arg16[%dma_wait3A_109, %dma_wait3A_110] : memref<1024x8xf32, #tpu.memory_space<vmem>> -> memref<128x8xf32, #tpu.memory_space<vmem>>
        %dma_wait3A_112 = arith.constant 0 : i32
        %dma_wait3A_113 = tpu.memref_slice %arg14[%dma_wait3A_108, %dma_wait3A_112] : memref<8x128xi32, #tpu.memory_space<vmem>> -> memref<1x128xi32, #tpu.memory_space<vmem>>
        %dma_wait3A_114 = tpu.memref_squeeze %dma_wait3A_113 : memref<1x128xi32, #tpu.memory_space<vmem>> -> memref<128xi32, #tpu.memory_space<vmem>>
        %dma_wait3A_115 = arith.constant 0 : i32
        %dma_wait3A_116 = arith.constant 0 : i32
        %dma_wait3A_117 = tpu.memref_slice %arg2[%dma_wait3A_115, %dma_wait3A_116] : memref<100000x8xf32, #tpu.memory_space<hbm>> -> memref<100000x8xf32, #tpu.memory_space<hbm>>
        tpu.wait_indirect_dma semaphore(%arg20 : memref<!tpu.dma_semaphore, #tpu.memory_space<semaphore_mem>>) src(%dma_wait3A_117 : memref<100000x8xf32, #tpu.memory_space<hbm>>) dst(%dma_wait3A_111 : memref<128x8xf32, #tpu.memory_space<vmem>>)
        %dma_wait3A_118 = arith.constant 2 : i32
        %dma_wait3A_119 = arith.constant 256 : i32
        %dma_wait3A_120 = arith.constant 0 : i32
        %dma_wait3A_121 = tpu.memref_slice %arg17[%dma_wait3A_119, %dma_wait3A_120] : memref<1024x8xf32, #tpu.memory_space<vmem>> -> memref<128x8xf32, #tpu.memory_space<vmem>>
        %dma_wait3A_122 = arith.constant 0 : i32
        %dma_wait3A_123 = tpu.memref_slice %arg15[%dma_wait3A_118, %dma_wait3A_122] : memref<8x128xi32, #tpu.memory_space<vmem>> -> memref<1x128xi32, #tpu.memory_space<vmem>>
        %dma_wait3A_124 = tpu.memref_squeeze %dma_wait3A_123 : memref<1x128xi32, #tpu.memory_space<vmem>> -> memref<128xi32, #tpu.memory_space<vmem>>
        %dma_wait3A_125 = arith.constant 0 : i32
        %dma_wait3A_126 = arith.constant 0 : i32
        %dma_wait3A_127 = tpu.memref_slice %arg2[%dma_wait3A_125, %dma_wait3A_126] : memref<100000x8xf32, #tpu.memory_space<hbm>> -> memref<100000x8xf32, #tpu.memory_space<hbm>>
        tpu.wait_indirect_dma semaphore(%arg20 : memref<!tpu.dma_semaphore, #tpu.memory_space<semaphore_mem>>) src(%dma_wait3A_127 : memref<100000x8xf32, #tpu.memory_space<hbm>>) dst(%dma_wait3A_121 : memref<128x8xf32, #tpu.memory_space<vmem>>)
        %dma_wait3A_128 = arith.constant 3 : i32
        %dma_wait3A_129 = arith.constant 384 : i32
        %dma_wait3A_130 = arith.constant 0 : i32
        %dma_wait3A_131 = tpu.memref_slice %arg16[%dma_wait3A_129, %dma_wait3A_130] : memref<1024x8xf32, #tpu.memory_space<vmem>> -> memref<128x8xf32, #tpu.memory_space<vmem>>
        %dma_wait3A_132 = arith.constant 0 : i32
        %dma_wait3A_133 = tpu.memref_slice %arg14[%dma_wait3A_128, %dma_wait3A_132] : memref<8x128xi32, #tpu.memory_space<vmem>> -> memref<1x128xi32, #tpu.memory_space<vmem>>
        %dma_wait3A_134 = tpu.memref_squeeze %dma_wait3A_133 : memref<1x128xi32, #tpu.memory_space<vmem>> -> memref<128xi32, #tpu.memory_space<vmem>>
        %dma_wait3A_135 = arith.constant 0 : i32
        %dma_wait3A_136 = arith.constant 0 : i32
        %dma_wait3A_137 = tpu.memref_slice %arg2[%dma_wait3A_135, %dma_wait3A_136] : memref<100000x8xf32, #tpu.memory_space<hbm>> -> memref<100000x8xf32, #tpu.memory_space<hbm>>
        tpu.wait_indirect_dma semaphore(%arg20 : memref<!tpu.dma_semaphore, #tpu.memory_space<semaphore_mem>>) src(%dma_wait3A_137 : memref<100000x8xf32, #tpu.memory_space<hbm>>) dst(%dma_wait3A_131 : memref<128x8xf32, #tpu.memory_space<vmem>>)
        %dma_wait3A_138 = arith.constant 3 : i32
        %dma_wait3A_139 = arith.constant 384 : i32
        %dma_wait3A_140 = arith.constant 0 : i32
        %dma_wait3A_141 = tpu.memref_slice %arg17[%dma_wait3A_139, %dma_wait3A_140] : memref<1024x8xf32, #tpu.memory_space<vmem>> -> memref<128x8xf32, #tpu.memory_space<vmem>>
        %dma_wait3A_142 = arith.constant 0 : i32
        %dma_wait3A_143 = tpu.memref_slice %arg15[%dma_wait3A_138, %dma_wait3A_142] : memref<8x128xi32, #tpu.memory_space<vmem>> -> memref<1x128xi32, #tpu.memory_space<vmem>>
        %dma_wait3A_144 = tpu.memref_squeeze %dma_wait3A_143 : memref<1x128xi32, #tpu.memory_space<vmem>> -> memref<128xi32, #tpu.memory_space<vmem>>
        %dma_wait3A_145 = arith.constant 0 : i32
        %dma_wait3A_146 = arith.constant 0 : i32
        %dma_wait3A_147 = tpu.memref_slice %arg2[%dma_wait3A_145, %dma_wait3A_146] : memref<100000x8xf32, #tpu.memory_space<hbm>> -> memref<100000x8xf32, #tpu.memory_space<hbm>>
        tpu.wait_indirect_dma semaphore(%arg20 : memref<!tpu.dma_semaphore, #tpu.memory_space<semaphore_mem>>) src(%dma_wait3A_147 : memref<100000x8xf32, #tpu.memory_space<hbm>>) dst(%dma_wait3A_141 : memref<128x8xf32, #tpu.memory_space<vmem>>)
        %dma_wait3A_148 = arith.constant 4 : i32
        %dma_wait3A_149 = arith.constant 512 : i32
        %dma_wait3A_150 = arith.constant 0 : i32
        %dma_wait3A_151 = tpu.memref_slice %arg16[%dma_wait3A_149, %dma_wait3A_150] : memref<1024x8xf32, #tpu.memory_space<vmem>> -> memref<128x8xf32, #tpu.memory_space<vmem>>
        %dma_wait3A_152 = arith.constant 0 : i32
        %dma_wait3A_153 = tpu.memref_slice %arg14[%dma_wait3A_148, %dma_wait3A_152] : memref<8x128xi32, #tpu.memory_space<vmem>> -> memref<1x128xi32, #tpu.memory_space<vmem>>
        %dma_wait3A_154 = tpu.memref_squeeze %dma_wait3A_153 : memref<1x128xi32, #tpu.memory_space<vmem>> -> memref<128xi32, #tpu.memory_space<vmem>>
        %dma_wait3A_155 = arith.constant 0 : i32
        %dma_wait3A_156 = arith.constant 0 : i32
        %dma_wait3A_157 = tpu.memref_slice %arg2[%dma_wait3A_155, %dma_wait3A_156] : memref<100000x8xf32, #tpu.memory_space<hbm>> -> memref<100000x8xf32, #tpu.memory_space<hbm>>
        tpu.wait_indirect_dma semaphore(%arg20 : memref<!tpu.dma_semaphore, #tpu.memory_space<semaphore_mem>>) src(%dma_wait3A_157 : memref<100000x8xf32, #tpu.memory_space<hbm>>) dst(%dma_wait3A_151 : memref<128x8xf32, #tpu.memory_space<vmem>>)
        %dma_wait3A_158 = arith.constant 4 : i32
        %dma_wait3A_159 = arith.constant 512 : i32
        %dma_wait3A_160 = arith.constant 0 : i32
        %dma_wait3A_161 = tpu.memref_slice %arg17[%dma_wait3A_159, %dma_wait3A_160] : memref<1024x8xf32, #tpu.memory_space<vmem>> -> memref<128x8xf32, #tpu.memory_space<vmem>>
        %dma_wait3A_162 = arith.constant 0 : i32
        %dma_wait3A_163 = tpu.memref_slice %arg15[%dma_wait3A_158, %dma_wait3A_162] : memref<8x128xi32, #tpu.memory_space<vmem>> -> memref<1x128xi32, #tpu.memory_space<vmem>>
        %dma_wait3A_164 = tpu.memref_squeeze %dma_wait3A_163 : memref<1x128xi32, #tpu.memory_space<vmem>> -> memref<128xi32, #tpu.memory_space<vmem>>
        %dma_wait3A_165 = arith.constant 0 : i32
        %dma_wait3A_166 = arith.constant 0 : i32
        %dma_wait3A_167 = tpu.memref_slice %arg2[%dma_wait3A_165, %dma_wait3A_166] : memref<100000x8xf32, #tpu.memory_space<hbm>> -> memref<100000x8xf32, #tpu.memory_space<hbm>>
        tpu.wait_indirect_dma semaphore(%arg20 : memref<!tpu.dma_semaphore, #tpu.memory_space<semaphore_mem>>) src(%dma_wait3A_167 : memref<100000x8xf32, #tpu.memory_space<hbm>>) dst(%dma_wait3A_161 : memref<128x8xf32, #tpu.memory_space<vmem>>)
        %dma_wait3A_168 = arith.constant 5 : i32
        %dma_wait3A_169 = arith.constant 640 : i32
        %dma_wait3A_170 = arith.constant 0 : i32
        %dma_wait3A_171 = tpu.memref_slice %arg16[%dma_wait3A_169, %dma_wait3A_170] : memref<1024x8xf32, #tpu.memory_space<vmem>> -> memref<128x8xf32, #tpu.memory_space<vmem>>
        %dma_wait3A_172 = arith.constant 0 : i32
        %dma_wait3A_173 = tpu.memref_slice %arg14[%dma_wait3A_168, %dma_wait3A_172] : memref<8x128xi32, #tpu.memory_space<vmem>> -> memref<1x128xi32, #tpu.memory_space<vmem>>
        %dma_wait3A_174 = tpu.memref_squeeze %dma_wait3A_173 : memref<1x128xi32, #tpu.memory_space<vmem>> -> memref<128xi32, #tpu.memory_space<vmem>>
        %dma_wait3A_175 = arith.constant 0 : i32
        %dma_wait3A_176 = arith.constant 0 : i32
        %dma_wait3A_177 = tpu.memref_slice %arg2[%dma_wait3A_175, %dma_wait3A_176] : memref<100000x8xf32, #tpu.memory_space<hbm>> -> memref<100000x8xf32, #tpu.memory_space<hbm>>
        tpu.wait_indirect_dma semaphore(%arg20 : memref<!tpu.dma_semaphore, #tpu.memory_space<semaphore_mem>>) src(%dma_wait3A_177 : memref<100000x8xf32, #tpu.memory_space<hbm>>) dst(%dma_wait3A_171 : memref<128x8xf32, #tpu.memory_space<vmem>>)
        %dma_wait3A_178 = arith.constant 5 : i32
        %dma_wait3A_179 = arith.constant 640 : i32
        %dma_wait3A_180 = arith.constant 0 : i32
        %dma_wait3A_181 = tpu.memref_slice %arg17[%dma_wait3A_179, %dma_wait3A_180] : memref<1024x8xf32, #tpu.memory_space<vmem>> -> memref<128x8xf32, #tpu.memory_space<vmem>>
        %dma_wait3A_182 = arith.constant 0 : i32
        %dma_wait3A_183 = tpu.memref_slice %arg15[%dma_wait3A_178, %dma_wait3A_182] : memref<8x128xi32, #tpu.memory_space<vmem>> -> memref<1x128xi32, #tpu.memory_space<vmem>>
        %dma_wait3A_184 = tpu.memref_squeeze %dma_wait3A_183 : memref<1x128xi32, #tpu.memory_space<vmem>> -> memref<128xi32, #tpu.memory_space<vmem>>
        %dma_wait3A_185 = arith.constant 0 : i32
        %dma_wait3A_186 = arith.constant 0 : i32
        %dma_wait3A_187 = tpu.memref_slice %arg2[%dma_wait3A_185, %dma_wait3A_186] : memref<100000x8xf32, #tpu.memory_space<hbm>> -> memref<100000x8xf32, #tpu.memory_space<hbm>>
        tpu.wait_indirect_dma semaphore(%arg20 : memref<!tpu.dma_semaphore, #tpu.memory_space<semaphore_mem>>) src(%dma_wait3A_187 : memref<100000x8xf32, #tpu.memory_space<hbm>>) dst(%dma_wait3A_181 : memref<128x8xf32, #tpu.memory_space<vmem>>)
        %dma_wait3A_188 = arith.constant 6 : i32
        %dma_wait3A_189 = arith.constant 768 : i32
        %dma_wait3A_190 = arith.constant 0 : i32
        %dma_wait3A_191 = tpu.memref_slice %arg16[%dma_wait3A_189, %dma_wait3A_190] : memref<1024x8xf32, #tpu.memory_space<vmem>> -> memref<128x8xf32, #tpu.memory_space<vmem>>
        %dma_wait3A_192 = arith.constant 0 : i32
        %dma_wait3A_193 = tpu.memref_slice %arg14[%dma_wait3A_188, %dma_wait3A_192] : memref<8x128xi32, #tpu.memory_space<vmem>> -> memref<1x128xi32, #tpu.memory_space<vmem>>
        %dma_wait3A_194 = tpu.memref_squeeze %dma_wait3A_193 : memref<1x128xi32, #tpu.memory_space<vmem>> -> memref<128xi32, #tpu.memory_space<vmem>>
        %dma_wait3A_195 = arith.constant 0 : i32
        %dma_wait3A_196 = arith.constant 0 : i32
        %dma_wait3A_197 = tpu.memref_slice %arg2[%dma_wait3A_195, %dma_wait3A_196] : memref<100000x8xf32, #tpu.memory_space<hbm>> -> memref<100000x8xf32, #tpu.memory_space<hbm>>
        tpu.wait_indirect_dma semaphore(%arg20 : memref<!tpu.dma_semaphore, #tpu.memory_space<semaphore_mem>>) src(%dma_wait3A_197 : memref<100000x8xf32, #tpu.memory_space<hbm>>) dst(%dma_wait3A_191 : memref<128x8xf32, #tpu.memory_space<vmem>>)
        %dma_wait3A_198 = arith.constant 6 : i32
        %dma_wait3A_199 = arith.constant 768 : i32
        %dma_wait3A_200 = arith.constant 0 : i32
        %dma_wait3A_201 = tpu.memref_slice %arg17[%dma_wait3A_199, %dma_wait3A_200] : memref<1024x8xf32, #tpu.memory_space<vmem>> -> memref<128x8xf32, #tpu.memory_space<vmem>>
        %dma_wait3A_202 = arith.constant 0 : i32
        %dma_wait3A_203 = tpu.memref_slice %arg15[%dma_wait3A_198, %dma_wait3A_202] : memref<8x128xi32, #tpu.memory_space<vmem>> -> memref<1x128xi32, #tpu.memory_space<vmem>>
        %dma_wait3A_204 = tpu.memref_squeeze %dma_wait3A_203 : memref<1x128xi32, #tpu.memory_space<vmem>> -> memref<128xi32, #tpu.memory_space<vmem>>
        %dma_wait3A_205 = arith.constant 0 : i32
        %dma_wait3A_206 = arith.constant 0 : i32
        %dma_wait3A_207 = tpu.memref_slice %arg2[%dma_wait3A_205, %dma_wait3A_206] : memref<100000x8xf32, #tpu.memory_space<hbm>> -> memref<100000x8xf32, #tpu.memory_space<hbm>>
        tpu.wait_indirect_dma semaphore(%arg20 : memref<!tpu.dma_semaphore, #tpu.memory_space<semaphore_mem>>) src(%dma_wait3A_207 : memref<100000x8xf32, #tpu.memory_space<hbm>>) dst(%dma_wait3A_201 : memref<128x8xf32, #tpu.memory_space<vmem>>)
        %dma_wait3A_208 = arith.constant 7 : i32
        %dma_wait3A_209 = arith.constant 896 : i32
        %dma_wait3A_210 = arith.constant 0 : i32
        %dma_wait3A_211 = tpu.memref_slice %arg16[%dma_wait3A_209, %dma_wait3A_210] : memref<1024x8xf32, #tpu.memory_space<vmem>> -> memref<128x8xf32, #tpu.memory_space<vmem>>
        %dma_wait3A_212 = arith.constant 0 : i32
        %dma_wait3A_213 = tpu.memref_slice %arg14[%dma_wait3A_208, %dma_wait3A_212] : memref<8x128xi32, #tpu.memory_space<vmem>> -> memref<1x128xi32, #tpu.memory_space<vmem>>
        %dma_wait3A_214 = tpu.memref_squeeze %dma_wait3A_213 : memref<1x128xi32, #tpu.memory_space<vmem>> -> memref<128xi32, #tpu.memory_space<vmem>>
        %dma_wait3A_215 = arith.constant 0 : i32
        %dma_wait3A_216 = arith.constant 0 : i32
        %dma_wait3A_217 = tpu.memref_slice %arg2[%dma_wait3A_215, %dma_wait3A_216] : memref<100000x8xf32, #tpu.memory_space<hbm>> -> memref<100000x8xf32, #tpu.memory_space<hbm>>
        tpu.wait_indirect_dma semaphore(%arg20 : memref<!tpu.dma_semaphore, #tpu.memory_space<semaphore_mem>>) src(%dma_wait3A_217 : memref<100000x8xf32, #tpu.memory_space<hbm>>) dst(%dma_wait3A_211 : memref<128x8xf32, #tpu.memory_space<vmem>>)
        %dma_wait3A_218 = arith.constant 7 : i32
        %dma_wait3A_219 = arith.constant 896 : i32
        %dma_wait3A_220 = arith.constant 0 : i32
        %dma_wait3A_221 = tpu.memref_slice %arg17[%dma_wait3A_219, %dma_wait3A_220] : memref<1024x8xf32, #tpu.memory_space<vmem>> -> memref<128x8xf32, #tpu.memory_space<vmem>>
        %dma_wait3A_222 = arith.constant 0 : i32
        %dma_wait3A_223 = tpu.memref_slice %arg15[%dma_wait3A_218, %dma_wait3A_222] : memref<8x128xi32, #tpu.memory_space<vmem>> -> memref<1x128xi32, #tpu.memory_space<vmem>>
        %dma_wait3A_224 = tpu.memref_squeeze %dma_wait3A_223 : memref<1x128xi32, #tpu.memory_space<vmem>> -> memref<128xi32, #tpu.memory_space<vmem>>
        %dma_wait3A_225 = arith.constant 0 : i32
        %dma_wait3A_226 = arith.constant 0 : i32
        %dma_wait3A_227 = tpu.memref_slice %arg2[%dma_wait3A_225, %dma_wait3A_226] : memref<100000x8xf32, #tpu.memory_space<hbm>> -> memref<100000x8xf32, #tpu.memory_space<hbm>>
        tpu.wait_indirect_dma semaphore(%arg20 : memref<!tpu.dma_semaphore, #tpu.memory_space<semaphore_mem>>) src(%dma_wait3A_227 : memref<100000x8xf32, #tpu.memory_space<hbm>>) dst(%dma_wait3A_221 : memref<128x8xf32, #tpu.memory_space<vmem>>)
        %scan3A_228 = arith.constant 0 : i32
        %scan3A_229 = arith.constant 0 : i32
        %scan3A_230 = arith.constant 64 : i32
        %scan3A_231 = arith.addi %scan3A_229, %scan3A_230 : i32
        %scan3A_232 = arith.constant 1 : i32
        %scan3A_233 = scf.for %scan3A_362 = %scan3A_229 to %scan3A_231 step %scan3A_232 iter_args(%scan3A_363 = %scan3A_228) -> (i32)  : i32 {
          %mul3A_364 = arith.constant 16 : i32
          %mul3A_365 = arith.muli %scan3A_362, %mul3A_364 : i32
          %add3A_366 = vector.broadcast %mul3A_365 : i32 to vector<16xi32>
          %add3A_367 = arith.addi %add3A_366, %iota3A : vector<16xi32>
          %broadcast_in_dim3A = arith.constant 0 : i32
          %broadcast_in_dim3A_368 = vector.broadcast %broadcast_in_dim3A : i32 to vector<16xi32>
          %gather3A = tpu.vector_load_idx %arg16[%add3A_367, %broadcast_in_dim3A_368] : memref<1024x8xf32, #tpu.memory_space<vmem>>[vector<16xi32>, vector<16xi32>], vector<16xf32>,
          %broadcast_in_dim3A_369 = arith.constant 1 : i32
          %broadcast_in_dim3A_370 = vector.broadcast %broadcast_in_dim3A_369 : i32 to vector<16xi32>
          %gather3A_371 = tpu.vector_load_idx %arg16[%add3A_367, %broadcast_in_dim3A_370] : memref<1024x8xf32, #tpu.memory_space<vmem>>[vector<16xi32>, vector<16xi32>], vector<16xf32>,
          %broadcast_in_dim3A_372 = arith.constant 2 : i32
          %broadcast_in_dim3A_373 = vector.broadcast %broadcast_in_dim3A_372 : i32 to vector<16xi32>
          %gather3A_374 = tpu.vector_load_idx %arg16[%add3A_367, %broadcast_in_dim3A_373] : memref<1024x8xf32, #tpu.memory_space<vmem>>[vector<16xi32>, vector<16xi32>], vector<16xf32>,
          %broadcast_in_dim3A_375 = arith.constant 3 : i32
          %broadcast_in_dim3A_376 = vector.broadcast %broadcast_in_dim3A_375 : i32 to vector<16xi32>
          %gather3A_377 = tpu.vector_load_idx %arg16[%add3A_367, %broadcast_in_dim3A_376] : memref<1024x8xf32, #tpu.memory_space<vmem>>[vector<16xi32>, vector<16xi32>], vector<16xf32>,
          %broadcast_in_dim3A_378 = arith.constant 4 : i32
          %broadcast_in_dim3A_379 = vector.broadcast %broadcast_in_dim3A_378 : i32 to vector<16xi32>
          %gather3A_380 = tpu.vector_load_idx %arg16[%add3A_367, %broadcast_in_dim3A_379] : memref<1024x8xf32, #tpu.memory_space<vmem>>[vector<16xi32>, vector<16xi32>], vector<16xf32>,
          %broadcast_in_dim3A_381 = arith.constant 5 : i32
          %broadcast_in_dim3A_382 = vector.broadcast %broadcast_in_dim3A_381 : i32 to vector<16xi32>
          %gather3A_383 = tpu.vector_load_idx %arg16[%add3A_367, %broadcast_in_dim3A_382] : memref<1024x8xf32, #tpu.memory_space<vmem>>[vector<16xi32>, vector<16xi32>], vector<16xf32>,
          %broadcast_in_dim3A_384 = arith.constant 6 : i32
          %broadcast_in_dim3A_385 = vector.broadcast %broadcast_in_dim3A_384 : i32 to vector<16xi32>
          %gather3A_386 = tpu.vector_load_idx %arg16[%add3A_367, %broadcast_in_dim3A_385] : memref<1024x8xf32, #tpu.memory_space<vmem>>[vector<16xi32>, vector<16xi32>], vector<16xf32>,
          %broadcast_in_dim3A_387 = arith.constant 0 : i32
          %broadcast_in_dim3A_388 = vector.broadcast %broadcast_in_dim3A_387 : i32 to vector<16xi32>
          %gather3A_389 = tpu.vector_load_idx %arg17[%add3A_367, %broadcast_in_dim3A_388] : memref<1024x8xf32, #tpu.memory_space<vmem>>[vector<16xi32>, vector<16xi32>], vector<16xf32>,
          %broadcast_in_dim3A_390 = arith.constant 1 : i32
          %broadcast_in_dim3A_391 = vector.broadcast %broadcast_in_dim3A_390 : i32 to vector<16xi32>
          %gather3A_392 = tpu.vector_load_idx %arg17[%add3A_367, %broadcast_in_dim3A_391] : memref<1024x8xf32, #tpu.memory_space<vmem>>[vector<16xi32>, vector<16xi32>], vector<16xf32>,
          %broadcast_in_dim3A_393 = arith.constant 2 : i32
          %broadcast_in_dim3A_394 = vector.broadcast %broadcast_in_dim3A_393 : i32 to vector<16xi32>
          %gather3A_395 = tpu.vector_load_idx %arg17[%add3A_367, %broadcast_in_dim3A_394] : memref<1024x8xf32, #tpu.memory_space<vmem>>[vector<16xi32>, vector<16xi32>], vector<16xf32>,
          %broadcast_in_dim3A_396 = arith.constant 3 : i32
          %broadcast_in_dim3A_397 = vector.broadcast %broadcast_in_dim3A_396 : i32 to vector<16xi32>
          %gather3A_398 = tpu.vector_load_idx %arg17[%add3A_367, %broadcast_in_dim3A_397] : memref<1024x8xf32, #tpu.memory_space<vmem>>[vector<16xi32>, vector<16xi32>], vector<16xf32>,
          %broadcast_in_dim3A_399 = arith.constant 4 : i32
          %broadcast_in_dim3A_400 = vector.broadcast %broadcast_in_dim3A_399 : i32 to vector<16xi32>
          %gather3A_401 = tpu.vector_load_idx %arg17[%add3A_367, %broadcast_in_dim3A_400] : memref<1024x8xf32, #tpu.memory_space<vmem>>[vector<16xi32>, vector<16xi32>], vector<16xf32>,
          %broadcast_in_dim3A_402 = arith.constant 5 : i32
          %broadcast_in_dim3A_403 = vector.broadcast %broadcast_in_dim3A_402 : i32 to vector<16xi32>
          %gather3A_404 = tpu.vector_load_idx %arg17[%add3A_367, %broadcast_in_dim3A_403] : memref<1024x8xf32, #tpu.memory_space<vmem>>[vector<16xi32>, vector<16xi32>], vector<16xf32>,
          %broadcast_in_dim3A_405 = arith.constant 6 : i32
          %broadcast_in_dim3A_406 = vector.broadcast %broadcast_in_dim3A_405 : i32 to vector<16xi32>
          %gather3A_407 = tpu.vector_load_idx %arg17[%add3A_367, %broadcast_in_dim3A_406] : memref<1024x8xf32, #tpu.memory_space<vmem>>[vector<16xi32>, vector<16xi32>], vector<16xf32>,
          %sub3A_408 = arith.subf %gather3A_389, %gather3A : vector<16xf32>
          %sub3A_409 = arith.subf %gather3A_392, %gather3A_371 : vector<16xf32>
          %sub3A_410 = arith.subf %gather3A_395, %gather3A_374 : vector<16xf32>
          %mul3A_411 = arith.mulf %sub3A_408, %sub3A_408 : vector<16xf32>
          %mul3A_412 = arith.mulf %sub3A_409, %sub3A_409 : vector<16xf32>
          %add3A_413 = arith.addf %mul3A_411, %mul3A_412 : vector<16xf32>
          %mul3A_414 = arith.mulf %sub3A_410, %sub3A_410 : vector<16xf32>
          %add3A_415 = arith.addf %add3A_413, %mul3A_414 : vector<16xf32>
          %bitcast_convert_type3A = tpu.bitcast %add3A_415 : vector<16xf32> -> vector<16xi32>
          %shift_right_logical3A = arith.constant 1 : i32
          %shift_right_logical3A_416 = vector.broadcast %shift_right_logical3A : i32 to vector<16xi32>
          %shift_right_logical3A_417 = arith.shrui %bitcast_convert_type3A, %shift_right_logical3A_416 : vector<16xi32>
          %sub3A_418 = arith.constant 1597463007 : i32
          %sub3A_419 = vector.broadcast %sub3A_418 : i32 to vector<16xi32>
          %sub3A_420 = arith.subi %sub3A_419, %shift_right_logical3A_417 : vector<16xi32>
          %bitcast_convert_type3A_421 = tpu.bitcast %sub3A_420 : vector<16xi32> -> vector<16xf32>
          %mul3A_422 = arith.constant 5.000000e-01 : f32
          %mul3A_423 = vector.broadcast %mul3A_422 : f32 to vector<16xf32>
          %mul3A_424 = arith.mulf %mul3A_423, %add3A_415 : vector<16xf32>
          %mul3A_425 = arith.mulf %mul3A_424, %bitcast_convert_type3A_421 : vector<16xf32>
          %mul3A_426 = arith.mulf %mul3A_425, %bitcast_convert_type3A_421 : vector<16xf32>
          %sub3A_427 = arith.constant 1.500000e+00 : f32
          %sub3A_428 = vector.broadcast %sub3A_427 : f32 to vector<16xf32>
          %sub3A_429 = arith.subf %sub3A_428, %mul3A_426 : vector<16xf32>
          %mul3A_430 = arith.mulf %bitcast_convert_type3A_421, %sub3A_429 : vector<16xf32>
          %mul3A_431 = arith.mulf %mul3A_424, %mul3A_430 : vector<16xf32>
          %mul3A_432 = arith.mulf %mul3A_431, %mul3A_430 : vector<16xf32>
          %sub3A_433 = arith.constant 1.500000e+00 : f32
          %sub3A_434 = vector.broadcast %sub3A_433 : f32 to vector<16xf32>
          %sub3A_435 = arith.subf %sub3A_434, %mul3A_432 : vector<16xf32>
          %mul3A_436 = arith.mulf %mul3A_430, %sub3A_435 : vector<16xf32>
          %mul3A_437 = arith.mulf %add3A_415, %mul3A_436 : vector<16xf32>
          %add3A_438 = arith.constant 1.000000e+00 : f32
          %add3A_439 = vector.broadcast %add3A_438 : f32 to vector<16xf32>
          %add3A_440 = arith.addf %add3A_415, %add3A_439 : vector<16xf32>
          %bitcast_convert_type3A_441 = tpu.bitcast %add3A_440 : vector<16xf32> -> vector<16xi32>
          %shift_right_logical3A_442 = arith.constant 1 : i32
          %shift_right_logical3A_443 = vector.broadcast %shift_right_logical3A_442 : i32 to vector<16xi32>
          %shift_right_logical3A_444 = arith.shrui %bitcast_convert_type3A_441, %shift_right_logical3A_443 : vector<16xi32>
          %sub3A_445 = arith.constant 1597463007 : i32
          %sub3A_446 = vector.broadcast %sub3A_445 : i32 to vector<16xi32>
          %sub3A_447 = arith.subi %sub3A_446, %shift_right_logical3A_444 : vector<16xi32>
          %bitcast_convert_type3A_448 = tpu.bitcast %sub3A_447 : vector<16xi32> -> vector<16xf32>
          %mul3A_449 = arith.constant 5.000000e-01 : f32
          %mul3A_450 = vector.broadcast %mul3A_449 : f32 to vector<16xf32>
          %mul3A_451 = arith.mulf %mul3A_450, %add3A_440 : vector<16xf32>
          %mul3A_452 = arith.mulf %mul3A_451, %bitcast_convert_type3A_448 : vector<16xf32>
          %mul3A_453 = arith.mulf %mul3A_452, %bitcast_convert_type3A_448 : vector<16xf32>
          %sub3A_454 = arith.constant 1.500000e+00 : f32
          %sub3A_455 = vector.broadcast %sub3A_454 : f32 to vector<16xf32>
          %sub3A_456 = arith.subf %sub3A_455, %mul3A_453 : vector<16xf32>
          %mul3A_457 = arith.mulf %bitcast_convert_type3A_448, %sub3A_456 : vector<16xf32>
          %mul3A_458 = arith.mulf %mul3A_451, %mul3A_457 : vector<16xf32>
          %mul3A_459 = arith.mulf %mul3A_458, %mul3A_457 : vector<16xf32>
          %sub3A_460 = arith.constant 1.500000e+00 : f32
          %sub3A_461 = vector.broadcast %sub3A_460 : f32 to vector<16xf32>
          %sub3A_462 = arith.subf %sub3A_461, %mul3A_459 : vector<16xf32>
          %mul3A_463 = arith.mulf %mul3A_457, %sub3A_462 : vector<16xf32>
          %sub3A_464 = arith.constant 2.500000e+00 : f32
          %sub3A_465 = vector.broadcast %sub3A_464 : f32 to vector<16xf32>
          %sub3A_466 = arith.subf %mul3A_437, %sub3A_465 : vector<16xf32>
          %mul3A_467 = arith.constant 2.000000e-01 : f32
          %mul3A_468 = vector.broadcast %mul3A_467 : f32 to vector<16xf32>
          %mul3A_469 = arith.mulf %sub3A_466, %mul3A_468 : vector<16xf32>
          %jit3A_470 = arith.constant 0.000000e+00 : f32
          %jit3A_471 = arith.constant 1.000000e+00 : f32
          %max3A_472 = vector.broadcast %jit3A_470 : f32 to vector<16xf32>
          %max3A_473 = arith.maximumf %max3A_472, %mul3A_469 : vector<16xf32>
          %min3A_474 = vector.broadcast %jit3A_471 : f32 to vector<16xf32>
          %min3A_475 = arith.minimumf %min3A_474, %max3A_473 : vector<16xf32>
          %mul3A_476 = arith.mulf %min3A_475, %min3A_475 : vector<16xf32>
          %mul3A_477 = arith.mulf %mul3A_476, %min3A_475 : vector<16xf32>
          %mul3A_478 = arith.constant 6.000000e+00 : f32
          %mul3A_479 = vector.broadcast %mul3A_478 : f32 to vector<16xf32>
          %mul3A_480 = arith.mulf %mul3A_479, %min3A_475 : vector<16xf32>
          %sub3A_481 = arith.constant 1.500000e+01 : f32
          %sub3A_482 = vector.broadcast %sub3A_481 : f32 to vector<16xf32>
          %sub3A_483 = arith.subf %mul3A_480, %sub3A_482 : vector<16xf32>
          %mul3A_484 = arith.mulf %min3A_475, %sub3A_483 : vector<16xf32>
          %add3A_485 = arith.constant 1.000000e+01 : f32
          %add3A_486 = vector.broadcast %add3A_485 : f32 to vector<16xf32>
          %add3A_487 = arith.addf %mul3A_484, %add3A_486 : vector<16xf32>
          %mul3A_488 = arith.mulf %mul3A_477, %add3A_487 : vector<16xf32>
          %sub3A_489 = arith.subf %mul3A_436, %mul3A_463 : vector<16xf32>
          %mul3A_490 = arith.mulf %mul3A_488, %sub3A_489 : vector<16xf32>
          %add3A_491 = arith.addf %mul3A_463, %mul3A_490 : vector<16xf32>
          %lt3A_492 = arith.constant 1.000000e+01 : f32
          %lt3A_493 = vector.broadcast %lt3A_492 : f32 to vector<16xf32>
          %lt3A_494 = arith.cmpf olt, %mul3A_437, %lt3A_493 : vector<16xf32>
          %mul3A_495 = arith.constant 0.00999999977 : f32
          %mul3A_496 = vector.broadcast %mul3A_495 : f32 to vector<16xf32>
          %mul3A_497 = arith.mulf %mul3A_437, %mul3A_496 : vector<16xf32>
          %add3A_498 = arith.addf %add3A_491, %mul3A_497 : vector<16xf32>
          %sub3A_499 = arith.constant 2.000000e-01 : f32
          %sub3A_500 = vector.broadcast %sub3A_499 : f32 to vector<16xf32>
          %sub3A_501 = arith.subf %add3A_498, %sub3A_500 : vector<16xf32>
          %jit3A_502 = arith.constant 0.000000e+00 : f32
          %broadcast_in_dim3A_503 = vector.broadcast %jit3A_502 : f32 to vector<16xf32>
          %select_n3A_504 = arith.select %lt3A_494, %sub3A_501, %broadcast_in_dim3A_503 : vector<16xi1>, vector<16xf32>
          %mul3A_505 = arith.mulf %gather3A_377, %gather3A_398 : vector<16xf32>
          %mul3A_506 = arith.mulf %mul3A_505, %select_n3A_504 : vector<16xf32>
          %mul3A_507 = arith.constant 1.000000e-01 : f32
          %mul3A_508 = vector.broadcast %mul3A_507 : f32 to vector<16xf32>
          %mul3A_509 = arith.mulf %mul3A_437, %mul3A_508 : vector<16xf32>
          %mul3A_510 = arith.mulf %mul3A_509, %mul3A_509 : vector<16xf32>
          %mul3A_511 = arith.mulf %mul3A_510, %mul3A_509 : vector<16xf32>
          %mul3A_512 = arith.constant 6.000000e+00 : f32
          %mul3A_513 = vector.broadcast %mul3A_512 : f32 to vector<16xf32>
          %mul3A_514 = arith.mulf %mul3A_513, %mul3A_509 : vector<16xf32>
          %sub3A_515 = arith.constant 1.500000e+01 : f32
          %sub3A_516 = vector.broadcast %sub3A_515 : f32 to vector<16xf32>
          %sub3A_517 = arith.subf %mul3A_514, %sub3A_516 : vector<16xf32>
          %mul3A_518 = arith.mulf %mul3A_509, %sub3A_517 : vector<16xf32>
          %add3A_519 = arith.constant 1.000000e+01 : f32
          %add3A_520 = vector.broadcast %add3A_519 : f32 to vector<16xf32>
          %add3A_521 = arith.addf %mul3A_518, %add3A_520 : vector<16xf32>
          %mul3A_522 = arith.mulf %mul3A_511, %add3A_521 : vector<16xf32>
          %sub3A_523 = arith.constant 1.000000e+00 : f32
          %sub3A_524 = vector.broadcast %sub3A_523 : f32 to vector<16xf32>
          %sub3A_525 = arith.subf %sub3A_524, %mul3A_522 : vector<16xf32>
          %jit3A_526 = arith.constant 0.000000e+00 : f32
          %broadcast_in_dim3A_527 = vector.broadcast %jit3A_526 : f32 to vector<16xf32>
          %select_n3A_528 = arith.select %lt3A_494, %sub3A_525, %broadcast_in_dim3A_527 : vector<16xi1>, vector<16xf32>
          %mul3A_529 = arith.mulf %gather3A_380, %gather3A_401 : vector<16xf32>
          %mul3A_530 = arith.mulf %add3A_415, %add3A_415 : vector<16xf32>
          %mul3A_531 = arith.mulf %mul3A_530, %add3A_415 : vector<16xf32>
          %mul3A_532 = arith.constant -5.000000e-01 : f32
          %mul3A_533 = vector.broadcast %mul3A_532 : f32 to vector<16xf32>
          %mul3A_534 = arith.mulf %mul3A_533, %mul3A_529 : vector<16xf32>
          %add3A_535 = arith.constant 1.000000e+00 : f32
          %add3A_536 = vector.broadcast %add3A_535 : f32 to vector<16xf32>
          %add3A_537 = arith.addf %mul3A_531, %add3A_536 : vector<16xf32>
          %bitcast_convert_type3A_538 = tpu.bitcast %add3A_537 : vector<16xf32> -> vector<16xi32>
          %sub3A_539 = arith.constant 2129859011 : i32
          %sub3A_540 = vector.broadcast %sub3A_539 : i32 to vector<16xi32>
          %sub3A_541 = arith.subi %sub3A_540, %bitcast_convert_type3A_538 : vector<16xi32>
          %bitcast_convert_type3A_542 = tpu.bitcast %sub3A_541 : vector<16xi32> -> vector<16xf32>
          %mul3A_543 = arith.mulf %add3A_537, %bitcast_convert_type3A_542 : vector<16xf32>
          %sub3A_544 = arith.constant 2.000000e+00 : f32
          %sub3A_545 = vector.broadcast %sub3A_544 : f32 to vector<16xf32>
          %sub3A_546 = arith.subf %sub3A_545, %mul3A_543 : vector<16xf32>
          %mul3A_547 = arith.mulf %bitcast_convert_type3A_542, %sub3A_546 : vector<16xf32>
          %mul3A_548 = arith.mulf %add3A_537, %mul3A_547 : vector<16xf32>
          %sub3A_549 = arith.constant 2.000000e+00 : f32
          %sub3A_550 = vector.broadcast %sub3A_549 : f32 to vector<16xf32>
          %sub3A_551 = arith.subf %sub3A_550, %mul3A_548 : vector<16xf32>
          %mul3A_552 = arith.mulf %mul3A_547, %sub3A_551 : vector<16xf32>
          %mul3A_553 = arith.mulf %mul3A_534, %mul3A_552 : vector<16xf32>
          %mul3A_554 = arith.mulf %mul3A_553, %select_n3A_528 : vector<16xf32>
          %add3A_555 = arith.addf %gather3A_386, %gather3A_407 : vector<16xf32>
          %add3A_556 = arith.constant 9.99999971E-10 : f32
          %add3A_557 = vector.broadcast %add3A_556 : f32 to vector<16xf32>
          %add3A_558 = arith.addf %add3A_555, %add3A_557 : vector<16xf32>
          %mul3A_559 = arith.constant 2.134320e+00 : f32
          %mul3A_560 = vector.broadcast %mul3A_559 : f32 to vector<16xf32>
          %mul3A_561 = arith.mulf %add3A_558, %mul3A_560 : vector<16xf32>
          %mul3A_562 = arith.mulf %mul3A_437, %mul3A_561 : vector<16xf32>
          %mul3A_563 = arith.constant -3.199800e+00 : f32
          %mul3A_564 = vector.broadcast %mul3A_563 : f32 to vector<16xf32>
          %mul3A_565 = arith.mulf %mul3A_564, %mul3A_562 : vector<16xf32>
          %exp3A = math.exp %mul3A_565 : vector<16xf32>
          %mul3A_566 = arith.constant 1.817500e-01 : f32
          %mul3A_567 = vector.broadcast %mul3A_566 : f32 to vector<16xf32>
          %mul3A_568 = arith.mulf %mul3A_567, %exp3A : vector<16xf32>
          %mul3A_569 = arith.constant -9.422900e-01 : f32
          %mul3A_570 = vector.broadcast %mul3A_569 : f32 to vector<16xf32>
          %mul3A_571 = arith.mulf %mul3A_570, %mul3A_562 : vector<16xf32>
          %exp3A_572 = math.exp %mul3A_571 : vector<16xf32>
          %mul3A_573 = arith.constant 5.098600e-01 : f32
          %mul3A_574 = vector.broadcast %mul3A_573 : f32 to vector<16xf32>
          %mul3A_575 = arith.mulf %mul3A_574, %exp3A_572 : vector<16xf32>
          %add3A_576 = arith.addf %mul3A_568, %mul3A_575 : vector<16xf32>
          %mul3A_577 = arith.constant -4.029000e-01 : f32
          %mul3A_578 = vector.broadcast %mul3A_577 : f32 to vector<16xf32>
          %mul3A_579 = arith.mulf %mul3A_578, %mul3A_562 : vector<16xf32>
          %exp3A_580 = math.exp %mul3A_579 : vector<16xf32>
          %mul3A_581 = arith.constant 2.802200e-01 : f32
          %mul3A_582 = vector.broadcast %mul3A_581 : f32 to vector<16xf32>
          %mul3A_583 = arith.mulf %mul3A_582, %exp3A_580 : vector<16xf32>
          %add3A_584 = arith.addf %add3A_576, %mul3A_583 : vector<16xf32>
          %mul3A_585 = arith.constant -2.016200e-01 : f32
          %mul3A_586 = vector.broadcast %mul3A_585 : f32 to vector<16xf32>
          %mul3A_587 = arith.mulf %mul3A_586, %mul3A_562 : vector<16xf32>
          %exp3A_588 = math.exp %mul3A_587 : vector<16xf32>
          %mul3A_589 = arith.constant 2.817000e-02 : f32
          %mul3A_590 = vector.broadcast %mul3A_589 : f32 to vector<16xf32>
          %mul3A_591 = arith.mulf %mul3A_590, %exp3A_588 : vector<16xf32>
          %add3A_592 = arith.addf %add3A_584, %mul3A_591 : vector<16xf32>
          %mul3A_593 = arith.mulf %gather3A_383, %gather3A_404 : vector<16xf32>
          %mul3A_594 = arith.mulf %mul3A_593, %mul3A_436 : vector<16xf32>
          %mul3A_595 = arith.mulf %mul3A_594, %add3A_592 : vector<16xf32>
          %mul3A_596 = arith.mulf %mul3A_595, %select_n3A_528 : vector<16xf32>
          %add3A_597 = arith.addf %mul3A_506, %mul3A_596 : vector<16xf32>
          %add3A_598 = arith.addf %add3A_597, %mul3A_554 : vector<16xf32>
          %mul3A_599 = arith.constant 16 : i32
          %mul3A_600 = arith.muli %scan3A_362, %mul3A_599 : i32
          %swap3A = arith.index_cast %mul3A_600 : i32 to index
          %swap3A_601 = tpu.vector_load %arg18[%swap3A] {strides = array<i32>} : memref<1024xf32, #tpu.memory_space<vmem>>, vector<16xf32>,
          tpu.vector_store %arg18[%swap3A], %add3A_598 {strides = array<i32>} : memref<1024xf32, #tpu.memory_space<vmem>>, vector<16xf32>,
          %scan3A_602 = arith.constant 0 : i32
          scf.yield %scan3A_602 : i32
        }
        %scan3A_234 = arith.constant 64 : i32
        %dma_start3A = arith.constant 0 : i32
        %dma_start3A_235 = arith.constant 0 : i32
        %dma_start3A_236 = tpu.memref_slice %arg18[%dma_start3A_235] : memref<1024xf32, #tpu.memory_space<vmem>> -> memref<128xf32, #tpu.memory_space<vmem>>
        %dma_start3A_237 = arith.constant 0 : i32
        %dma_start3A_238 = tpu.memref_slice %arg14[%dma_start3A, %dma_start3A_237] : memref<8x128xi32, #tpu.memory_space<vmem>> -> memref<1x128xi32, #tpu.memory_space<vmem>>
        %dma_start3A_239 = tpu.memref_squeeze %dma_start3A_238 : memref<1x128xi32, #tpu.memory_space<vmem>> -> memref<128xi32, #tpu.memory_space<vmem>>
        %dma_start3A_240 = arith.constant 0 : i32
        %dma_start3A_241 = tpu.memref_slice %arg23[%dma_start3A_240] : memref<100352xf32, #tpu.memory_space<vmem_shared>> -> memref<100352xf32, #tpu.memory_space<vmem_shared>>
        tpu.enqueue_indirect_dma source(%dma_start3A_236 : memref<128xf32, #tpu.memory_space<vmem>>) target(%dma_start3A_241 : memref<100352xf32, #tpu.memory_space<vmem_shared>>) offsets(%dma_start3A_239 : memref<128xi32, #tpu.memory_space<vmem>>) semaphore(%arg21 : memref<!tpu.dma_semaphore, #tpu.memory_space<semaphore_mem>>) {add = true}
        %dma_start3A_242 = arith.constant 1 : i32
        %dma_start3A_243 = arith.constant 128 : i32
        %dma_start3A_244 = tpu.memref_slice %arg18[%dma_start3A_243] : memref<1024xf32, #tpu.memory_space<vmem>> -> memref<128xf32, #tpu.memory_space<vmem>>
        %dma_start3A_245 = arith.constant 0 : i32
        %dma_start3A_246 = tpu.memref_slice %arg14[%dma_start3A_242, %dma_start3A_245] : memref<8x128xi32, #tpu.memory_space<vmem>> -> memref<1x128xi32, #tpu.memory_space<vmem>>
        %dma_start3A_247 = tpu.memref_squeeze %dma_start3A_246 : memref<1x128xi32, #tpu.memory_space<vmem>> -> memref<128xi32, #tpu.memory_space<vmem>>
        %dma_start3A_248 = arith.constant 0 : i32
        %dma_start3A_249 = tpu.memref_slice %arg23[%dma_start3A_248] : memref<100352xf32, #tpu.memory_space<vmem_shared>> -> memref<100352xf32, #tpu.memory_space<vmem_shared>>
        tpu.enqueue_indirect_dma source(%dma_start3A_244 : memref<128xf32, #tpu.memory_space<vmem>>) target(%dma_start3A_249 : memref<100352xf32, #tpu.memory_space<vmem_shared>>) offsets(%dma_start3A_247 : memref<128xi32, #tpu.memory_space<vmem>>) semaphore(%arg21 : memref<!tpu.dma_semaphore, #tpu.memory_space<semaphore_mem>>) {add = true}
        %dma_start3A_250 = arith.constant 2 : i32
        %dma_start3A_251 = arith.constant 256 : i32
        %dma_start3A_252 = tpu.memref_slice %arg18[%dma_start3A_251] : memref<1024xf32, #tpu.memory_space<vmem>> -> memref<128xf32, #tpu.memory_space<vmem>>
        %dma_start3A_253 = arith.constant 0 : i32
        %dma_start3A_254 = tpu.memref_slice %arg14[%dma_start3A_250, %dma_start3A_253] : memref<8x128xi32, #tpu.memory_space<vmem>> -> memref<1x128xi32, #tpu.memory_space<vmem>>
        %dma_start3A_255 = tpu.memref_squeeze %dma_start3A_254 : memref<1x128xi32, #tpu.memory_space<vmem>> -> memref<128xi32, #tpu.memory_space<vmem>>
        %dma_start3A_256 = arith.constant 0 : i32
        %dma_start3A_257 = tpu.memref_slice %arg23[%dma_start3A_256] : memref<100352xf32, #tpu.memory_space<vmem_shared>> -> memref<100352xf32, #tpu.memory_space<vmem_shared>>
        tpu.enqueue_indirect_dma source(%dma_start3A_252 : memref<128xf32, #tpu.memory_space<vmem>>) target(%dma_start3A_257 : memref<100352xf32, #tpu.memory_space<vmem_shared>>) offsets(%dma_start3A_255 : memref<128xi32, #tpu.memory_space<vmem>>) semaphore(%arg21 : memref<!tpu.dma_semaphore, #tpu.memory_space<semaphore_mem>>) {add = true}
        %dma_start3A_258 = arith.constant 3 : i32
        %dma_start3A_259 = arith.constant 384 : i32
        %dma_start3A_260 = tpu.memref_slice %arg18[%dma_start3A_259] : memref<1024xf32, #tpu.memory_space<vmem>> -> memref<128xf32, #tpu.memory_space<vmem>>
        %dma_start3A_261 = arith.constant 0 : i32
        %dma_start3A_262 = tpu.memref_slice %arg14[%dma_start3A_258, %dma_start3A_261] : memref<8x128xi32, #tpu.memory_space<vmem>> -> memref<1x128xi32, #tpu.memory_space<vmem>>
        %dma_start3A_263 = tpu.memref_squeeze %dma_start3A_262 : memref<1x128xi32, #tpu.memory_space<vmem>> -> memref<128xi32, #tpu.memory_space<vmem>>
        %dma_start3A_264 = arith.constant 0 : i32
        %dma_start3A_265 = tpu.memref_slice %arg23[%dma_start3A_264] : memref<100352xf32, #tpu.memory_space<vmem_shared>> -> memref<100352xf32, #tpu.memory_space<vmem_shared>>
        tpu.enqueue_indirect_dma source(%dma_start3A_260 : memref<128xf32, #tpu.memory_space<vmem>>) target(%dma_start3A_265 : memref<100352xf32, #tpu.memory_space<vmem_shared>>) offsets(%dma_start3A_263 : memref<128xi32, #tpu.memory_space<vmem>>) semaphore(%arg21 : memref<!tpu.dma_semaphore, #tpu.memory_space<semaphore_mem>>) {add = true}
        %dma_start3A_266 = arith.constant 4 : i32
        %dma_start3A_267 = arith.constant 512 : i32
        %dma_start3A_268 = tpu.memref_slice %arg18[%dma_start3A_267] : memref<1024xf32, #tpu.memory_space<vmem>> -> memref<128xf32, #tpu.memory_space<vmem>>
        %dma_start3A_269 = arith.constant 0 : i32
        %dma_start3A_270 = tpu.memref_slice %arg14[%dma_start3A_266, %dma_start3A_269] : memref<8x128xi32, #tpu.memory_space<vmem>> -> memref<1x128xi32, #tpu.memory_space<vmem>>
        %dma_start3A_271 = tpu.memref_squeeze %dma_start3A_270 : memref<1x128xi32, #tpu.memory_space<vmem>> -> memref<128xi32, #tpu.memory_space<vmem>>
        %dma_start3A_272 = arith.constant 0 : i32
        %dma_start3A_273 = tpu.memref_slice %arg23[%dma_start3A_272] : memref<100352xf32, #tpu.memory_space<vmem_shared>> -> memref<100352xf32, #tpu.memory_space<vmem_shared>>
        tpu.enqueue_indirect_dma source(%dma_start3A_268 : memref<128xf32, #tpu.memory_space<vmem>>) target(%dma_start3A_273 : memref<100352xf32, #tpu.memory_space<vmem_shared>>) offsets(%dma_start3A_271 : memref<128xi32, #tpu.memory_space<vmem>>) semaphore(%arg21 : memref<!tpu.dma_semaphore, #tpu.memory_space<semaphore_mem>>) {add = true}
        %dma_start3A_274 = arith.constant 5 : i32
        %dma_start3A_275 = arith.constant 640 : i32
        %dma_start3A_276 = tpu.memref_slice %arg18[%dma_start3A_275] : memref<1024xf32, #tpu.memory_space<vmem>> -> memref<128xf32, #tpu.memory_space<vmem>>
        %dma_start3A_277 = arith.constant 0 : i32
        %dma_start3A_278 = tpu.memref_slice %arg14[%dma_start3A_274, %dma_start3A_277] : memref<8x128xi32, #tpu.memory_space<vmem>> -> memref<1x128xi32, #tpu.memory_space<vmem>>
        %dma_start3A_279 = tpu.memref_squeeze %dma_start3A_278 : memref<1x128xi32, #tpu.memory_space<vmem>> -> memref<128xi32, #tpu.memory_space<vmem>>
        %dma_start3A_280 = arith.constant 0 : i32
        %dma_start3A_281 = tpu.memref_slice %arg23[%dma_start3A_280] : memref<100352xf32, #tpu.memory_space<vmem_shared>> -> memref<100352xf32, #tpu.memory_space<vmem_shared>>
        tpu.enqueue_indirect_dma source(%dma_start3A_276 : memref<128xf32, #tpu.memory_space<vmem>>) target(%dma_start3A_281 : memref<100352xf32, #tpu.memory_space<vmem_shared>>) offsets(%dma_start3A_279 : memref<128xi32, #tpu.memory_space<vmem>>) semaphore(%arg21 : memref<!tpu.dma_semaphore, #tpu.memory_space<semaphore_mem>>) {add = true}
        %dma_start3A_282 = arith.constant 6 : i32
        %dma_start3A_283 = arith.constant 768 : i32
        %dma_start3A_284 = tpu.memref_slice %arg18[%dma_start3A_283] : memref<1024xf32, #tpu.memory_space<vmem>> -> memref<128xf32, #tpu.memory_space<vmem>>
        %dma_start3A_285 = arith.constant 0 : i32
        %dma_start3A_286 = tpu.memref_slice %arg14[%dma_start3A_282, %dma_start3A_285] : memref<8x128xi32, #tpu.memory_space<vmem>> -> memref<1x128xi32, #tpu.memory_space<vmem>>
        %dma_start3A_287 = tpu.memref_squeeze %dma_start3A_286 : memref<1x128xi32, #tpu.memory_space<vmem>> -> memref<128xi32, #tpu.memory_space<vmem>>
        %dma_start3A_288 = arith.constant 0 : i32
        %dma_start3A_289 = tpu.memref_slice %arg23[%dma_start3A_288] : memref<100352xf32, #tpu.memory_space<vmem_shared>> -> memref<100352xf32, #tpu.memory_space<vmem_shared>>
        tpu.enqueue_indirect_dma source(%dma_start3A_284 : memref<128xf32, #tpu.memory_space<vmem>>) target(%dma_start3A_289 : memref<100352xf32, #tpu.memory_space<vmem_shared>>) offsets(%dma_start3A_287 : memref<128xi32, #tpu.memory_space<vmem>>) semaphore(%arg21 : memref<!tpu.dma_semaphore, #tpu.memory_space<semaphore_mem>>) {add = true}
        %dma_start3A_290 = arith.constant 7 : i32
        %dma_start3A_291 = arith.constant 896 : i32
        %dma_start3A_292 = tpu.memref_slice %arg18[%dma_start3A_291] : memref<1024xf32, #tpu.memory_space<vmem>> -> memref<128xf32, #tpu.memory_space<vmem>>
        %dma_start3A_293 = arith.constant 0 : i32
        %dma_start3A_294 = tpu.memref_slice %arg14[%dma_start3A_290, %dma_start3A_293] : memref<8x128xi32, #tpu.memory_space<vmem>> -> memref<1x128xi32, #tpu.memory_space<vmem>>
        %dma_start3A_295 = tpu.memref_squeeze %dma_start3A_294 : memref<1x128xi32, #tpu.memory_space<vmem>> -> memref<128xi32, #tpu.memory_space<vmem>>
        %dma_start3A_296 = arith.constant 0 : i32
        %dma_start3A_297 = tpu.memref_slice %arg23[%dma_start3A_296] : memref<100352xf32, #tpu.memory_space<vmem_shared>> -> memref<100352xf32, #tpu.memory_space<vmem_shared>>
        tpu.enqueue_indirect_dma source(%dma_start3A_292 : memref<128xf32, #tpu.memory_space<vmem>>) target(%dma_start3A_297 : memref<100352xf32, #tpu.memory_space<vmem_shared>>) offsets(%dma_start3A_295 : memref<128xi32, #tpu.memory_space<vmem>>) semaphore(%arg21 : memref<!tpu.dma_semaphore, #tpu.memory_space<semaphore_mem>>) {add = true}
        %dma_wait3A_298 = arith.constant 0 : i32
        %dma_wait3A_299 = arith.constant 0 : i32
        %dma_wait3A_300 = tpu.memref_slice %arg18[%dma_wait3A_299] : memref<1024xf32, #tpu.memory_space<vmem>> -> memref<128xf32, #tpu.memory_space<vmem>>
        %dma_wait3A_301 = arith.constant 0 : i32
        %dma_wait3A_302 = tpu.memref_slice %arg14[%dma_wait3A_298, %dma_wait3A_301] : memref<8x128xi32, #tpu.memory_space<vmem>> -> memref<1x128xi32, #tpu.memory_space<vmem>>
        %dma_wait3A_303 = tpu.memref_squeeze %dma_wait3A_302 : memref<1x128xi32, #tpu.memory_space<vmem>> -> memref<128xi32, #tpu.memory_space<vmem>>
        %dma_wait3A_304 = arith.constant 0 : i32
        %dma_wait3A_305 = tpu.memref_slice %arg23[%dma_wait3A_304] : memref<100352xf32, #tpu.memory_space<vmem_shared>> -> memref<100352xf32, #tpu.memory_space<vmem_shared>>
        tpu.wait_indirect_dma semaphore(%arg21 : memref<!tpu.dma_semaphore, #tpu.memory_space<semaphore_mem>>) src(%dma_wait3A_300 : memref<128xf32, #tpu.memory_space<vmem>>) dst(%dma_wait3A_305 : memref<100352xf32, #tpu.memory_space<vmem_shared>>)
        %dma_wait3A_306 = arith.constant 1 : i32
        %dma_wait3A_307 = arith.constant 128 : i32
        %dma_wait3A_308 = tpu.memref_slice %arg18[%dma_wait3A_307] : memref<1024xf32, #tpu.memory_space<vmem>> -> memref<128xf32, #tpu.memory_space<vmem>>
        %dma_wait3A_309 = arith.constant 0 : i32
        %dma_wait3A_310 = tpu.memref_slice %arg14[%dma_wait3A_306, %dma_wait3A_309] : memref<8x128xi32, #tpu.memory_space<vmem>> -> memref<1x128xi32, #tpu.memory_space<vmem>>
        %dma_wait3A_311 = tpu.memref_squeeze %dma_wait3A_310 : memref<1x128xi32, #tpu.memory_space<vmem>> -> memref<128xi32, #tpu.memory_space<vmem>>
        %dma_wait3A_312 = arith.constant 0 : i32
        %dma_wait3A_313 = tpu.memref_slice %arg23[%dma_wait3A_312] : memref<100352xf32, #tpu.memory_space<vmem_shared>> -> memref<100352xf32, #tpu.memory_space<vmem_shared>>
        tpu.wait_indirect_dma semaphore(%arg21 : memref<!tpu.dma_semaphore, #tpu.memory_space<semaphore_mem>>) src(%dma_wait3A_308 : memref<128xf32, #tpu.memory_space<vmem>>) dst(%dma_wait3A_313 : memref<100352xf32, #tpu.memory_space<vmem_shared>>)
        %dma_wait3A_314 = arith.constant 2 : i32
        %dma_wait3A_315 = arith.constant 256 : i32
        %dma_wait3A_316 = tpu.memref_slice %arg18[%dma_wait3A_315] : memref<1024xf32, #tpu.memory_space<vmem>> -> memref<128xf32, #tpu.memory_space<vmem>>
        %dma_wait3A_317 = arith.constant 0 : i32
        %dma_wait3A_318 = tpu.memref_slice %arg14[%dma_wait3A_314, %dma_wait3A_317] : memref<8x128xi32, #tpu.memory_space<vmem>> -> memref<1x128xi32, #tpu.memory_space<vmem>>
        %dma_wait3A_319 = tpu.memref_squeeze %dma_wait3A_318 : memref<1x128xi32, #tpu.memory_space<vmem>> -> memref<128xi32, #tpu.memory_space<vmem>>
        %dma_wait3A_320 = arith.constant 0 : i32
        %dma_wait3A_321 = tpu.memref_slice %arg23[%dma_wait3A_320] : memref<100352xf32, #tpu.memory_space<vmem_shared>> -> memref<100352xf32, #tpu.memory_space<vmem_shared>>
        tpu.wait_indirect_dma semaphore(%arg21 : memref<!tpu.dma_semaphore, #tpu.memory_space<semaphore_mem>>) src(%dma_wait3A_316 : memref<128xf32, #tpu.memory_space<vmem>>) dst(%dma_wait3A_321 : memref<100352xf32, #tpu.memory_space<vmem_shared>>)
        %dma_wait3A_322 = arith.constant 3 : i32
        %dma_wait3A_323 = arith.constant 384 : i32
        %dma_wait3A_324 = tpu.memref_slice %arg18[%dma_wait3A_323] : memref<1024xf32, #tpu.memory_space<vmem>> -> memref<128xf32, #tpu.memory_space<vmem>>
        %dma_wait3A_325 = arith.constant 0 : i32
        %dma_wait3A_326 = tpu.memref_slice %arg14[%dma_wait3A_322, %dma_wait3A_325] : memref<8x128xi32, #tpu.memory_space<vmem>> -> memref<1x128xi32, #tpu.memory_space<vmem>>
        %dma_wait3A_327 = tpu.memref_squeeze %dma_wait3A_326 : memref<1x128xi32, #tpu.memory_space<vmem>> -> memref<128xi32, #tpu.memory_space<vmem>>
        %dma_wait3A_328 = arith.constant 0 : i32
        %dma_wait3A_329 = tpu.memref_slice %arg23[%dma_wait3A_328] : memref<100352xf32, #tpu.memory_space<vmem_shared>> -> memref<100352xf32, #tpu.memory_space<vmem_shared>>
        tpu.wait_indirect_dma semaphore(%arg21 : memref<!tpu.dma_semaphore, #tpu.memory_space<semaphore_mem>>) src(%dma_wait3A_324 : memref<128xf32, #tpu.memory_space<vmem>>) dst(%dma_wait3A_329 : memref<100352xf32, #tpu.memory_space<vmem_shared>>)
        %dma_wait3A_330 = arith.constant 4 : i32
        %dma_wait3A_331 = arith.constant 512 : i32
        %dma_wait3A_332 = tpu.memref_slice %arg18[%dma_wait3A_331] : memref<1024xf32, #tpu.memory_space<vmem>> -> memref<128xf32, #tpu.memory_space<vmem>>
        %dma_wait3A_333 = arith.constant 0 : i32
        %dma_wait3A_334 = tpu.memref_slice %arg14[%dma_wait3A_330, %dma_wait3A_333] : memref<8x128xi32, #tpu.memory_space<vmem>> -> memref<1x128xi32, #tpu.memory_space<vmem>>
        %dma_wait3A_335 = tpu.memref_squeeze %dma_wait3A_334 : memref<1x128xi32, #tpu.memory_space<vmem>> -> memref<128xi32, #tpu.memory_space<vmem>>
        %dma_wait3A_336 = arith.constant 0 : i32
        %dma_wait3A_337 = tpu.memref_slice %arg23[%dma_wait3A_336] : memref<100352xf32, #tpu.memory_space<vmem_shared>> -> memref<100352xf32, #tpu.memory_space<vmem_shared>>
        tpu.wait_indirect_dma semaphore(%arg21 : memref<!tpu.dma_semaphore, #tpu.memory_space<semaphore_mem>>) src(%dma_wait3A_332 : memref<128xf32, #tpu.memory_space<vmem>>) dst(%dma_wait3A_337 : memref<100352xf32, #tpu.memory_space<vmem_shared>>)
        %dma_wait3A_338 = arith.constant 5 : i32
        %dma_wait3A_339 = arith.constant 640 : i32
        %dma_wait3A_340 = tpu.memref_slice %arg18[%dma_wait3A_339] : memref<1024xf32, #tpu.memory_space<vmem>> -> memref<128xf32, #tpu.memory_space<vmem>>
        %dma_wait3A_341 = arith.constant 0 : i32
        %dma_wait3A_342 = tpu.memref_slice %arg14[%dma_wait3A_338, %dma_wait3A_341] : memref<8x128xi32, #tpu.memory_space<vmem>> -> memref<1x128xi32, #tpu.memory_space<vmem>>
        %dma_wait3A_343 = tpu.memref_squeeze %dma_wait3A_342 : memref<1x128xi32, #tpu.memory_space<vmem>> -> memref<128xi32, #tpu.memory_space<vmem>>
        %dma_wait3A_344 = arith.constant 0 : i32
        %dma_wait3A_345 = tpu.memref_slice %arg23[%dma_wait3A_344] : memref<100352xf32, #tpu.memory_space<vmem_shared>> -> memref<100352xf32, #tpu.memory_space<vmem_shared>>
        tpu.wait_indirect_dma semaphore(%arg21 : memref<!tpu.dma_semaphore, #tpu.memory_space<semaphore_mem>>) src(%dma_wait3A_340 : memref<128xf32, #tpu.memory_space<vmem>>) dst(%dma_wait3A_345 : memref<100352xf32, #tpu.memory_space<vmem_shared>>)
        %dma_wait3A_346 = arith.constant 6 : i32
        %dma_wait3A_347 = arith.constant 768 : i32
        %dma_wait3A_348 = tpu.memref_slice %arg18[%dma_wait3A_347] : memref<1024xf32, #tpu.memory_space<vmem>> -> memref<128xf32, #tpu.memory_space<vmem>>
        %dma_wait3A_349 = arith.constant 0 : i32
        %dma_wait3A_350 = tpu.memref_slice %arg14[%dma_wait3A_346, %dma_wait3A_349] : memref<8x128xi32, #tpu.memory_space<vmem>> -> memref<1x128xi32, #tpu.memory_space<vmem>>
        %dma_wait3A_351 = tpu.memref_squeeze %dma_wait3A_350 : memref<1x128xi32, #tpu.memory_space<vmem>> -> memref<128xi32, #tpu.memory_space<vmem>>
        %dma_wait3A_352 = arith.constant 0 : i32
        %dma_wait3A_353 = tpu.memref_slice %arg23[%dma_wait3A_352] : memref<100352xf32, #tpu.memory_space<vmem_shared>> -> memref<100352xf32, #tpu.memory_space<vmem_shared>>
        tpu.wait_indirect_dma semaphore(%arg21 : memref<!tpu.dma_semaphore, #tpu.memory_space<semaphore_mem>>) src(%dma_wait3A_348 : memref<128xf32, #tpu.memory_space<vmem>>) dst(%dma_wait3A_353 : memref<100352xf32, #tpu.memory_space<vmem_shared>>)
        %dma_wait3A_354 = arith.constant 7 : i32
        %dma_wait3A_355 = arith.constant 896 : i32
        %dma_wait3A_356 = tpu.memref_slice %arg18[%dma_wait3A_355] : memref<1024xf32, #tpu.memory_space<vmem>> -> memref<128xf32, #tpu.memory_space<vmem>>
        %dma_wait3A_357 = arith.constant 0 : i32
        %dma_wait3A_358 = tpu.memref_slice %arg14[%dma_wait3A_354, %dma_wait3A_357] : memref<8x128xi32, #tpu.memory_space<vmem>> -> memref<1x128xi32, #tpu.memory_space<vmem>>
        %dma_wait3A_359 = tpu.memref_squeeze %dma_wait3A_358 : memref<1x128xi32, #tpu.memory_space<vmem>> -> memref<128xi32, #tpu.memory_space<vmem>>
        %dma_wait3A_360 = arith.constant 0 : i32
        %dma_wait3A_361 = tpu.memref_slice %arg23[%dma_wait3A_360] : memref<100352xf32, #tpu.memory_space<vmem_shared>> -> memref<100352xf32, #tpu.memory_space<vmem_shared>>
        tpu.wait_indirect_dma semaphore(%arg21 : memref<!tpu.dma_semaphore, #tpu.memory_space<semaphore_mem>>) src(%dma_wait3A_356 : memref<128xf32, #tpu.memory_space<vmem>>) dst(%dma_wait3A_361 : memref<100352xf32, #tpu.memory_space<vmem_shared>>)
      } else {
      }
      %scan3A_68 = arith.constant 0 : i32
      scf.yield %scan3A_68 : i32
    }
    %scan3A_39 = arith.constant 49 : i32
    %barrier3A_40 = arith.constant 0 : index
    tpu.barrier barrier_id(%barrier3A_40)
    "tpu.region"() ({
      %run_scoped3A = tpu.sem_alloc : memref<!tpu.dma_semaphore, #tpu.memory_space<semaphore_mem>>
      %dma_start3A = arith.constant 0 : i32
      %dma_start3A_41 = tpu.memref_slice %arg5[%arg0, %arg1, %dma_start3A] : memref<2x16x6272xf32, #tpu.memory_space<hbm>> -> memref<1x1x6272xf32, #tpu.memory_space<hbm>>
      %dma_start3A_42 = tpu.memref_squeeze %dma_start3A_41 : memref<1x1x6272xf32, #tpu.memory_space<hbm>> -> memref<6272xf32, #tpu.memory_space<hbm>>
      %dma_start3A_43 = tpu.memref_slice %arg23[%mul3A_0] : memref<100352xf32, #tpu.memory_space<vmem_shared>> -> memref<6272xf32, #tpu.memory_space<vmem_shared>>
      tpu.enqueue_dma source(%dma_start3A_43 : memref<6272xf32, #tpu.memory_space<vmem_shared>>) target(%dma_start3A_42 : memref<6272xf32, #tpu.memory_space<hbm>>) target_semaphore(%run_scoped3A : memref<!tpu.dma_semaphore, #tpu.memory_space<semaphore_mem>>)
      %dma_wait3A = arith.constant 0 : i32
      %dma_wait3A_44 = tpu.memref_slice %arg5[%arg0, %arg1, %dma_wait3A] : memref<2x16x6272xf32, #tpu.memory_space<hbm>> -> memref<1x1x6272xf32, #tpu.memory_space<hbm>>
      %dma_wait3A_45 = tpu.memref_squeeze %dma_wait3A_44 : memref<1x1x6272xf32, #tpu.memory_space<hbm>> -> memref<6272xf32, #tpu.memory_space<hbm>>
      %dma_wait3A_46 = tpu.memref_slice %arg23[%mul3A_0] : memref<100352xf32, #tpu.memory_space<vmem_shared>> -> memref<6272xf32, #tpu.memory_space<vmem_shared>>
      tpu.wait_dma2 semaphore(%run_scoped3A : memref<!tpu.dma_semaphore, #tpu.memory_space<semaphore_mem>>) src(%dma_wait3A_46 : memref<6272xf32, #tpu.memory_space<vmem_shared>>) dst(%dma_wait3A_45 : memref<6272xf32, #tpu.memory_space<hbm>>)
      tpu.yield
    }) : () -> ()
    return
  }
}

module attributes {stable_mosaic.version = 14 : i64} {
  func.func @_combine_body(%arg0: memref<2x784x128xf32, #tpu.memory_space<vmem>>, %arg1: memref<784x128xf32, #tpu.memory_space<vmem>>, %arg2: memref<784x128xf32, #tpu.memory_space<vmem>>) attributes {dimension_semantics = [], scalar_prefetch = 0 : i64, scratch_operands = 0 : i64, tpu.core_type = #tpu.core_type<tc>} {
    %get3A = arith.constant 0 : index
    %get3A_0 = arith.constant 0 : index
    %get3A_1 = arith.constant 0 : index
    %get3A_2 = vector.load %arg0[%get3A, %get3A_0, %get3A_1] : memref<2x784x128xf32, #tpu.memory_space<vmem>>, vector<1x784x128xf32>
    %get3A_3 = vector.shape_cast %get3A_2 : vector<1x784x128xf32> to vector<784x128xf32>
    %get3A_4 = arith.constant 1 : index
    %get3A_5 = arith.constant 0 : index
    %get3A_6 = arith.constant 0 : index
    %get3A_7 = vector.load %arg0[%get3A_4, %get3A_5, %get3A_6] : memref<2x784x128xf32, #tpu.memory_space<vmem>>, vector<1x784x128xf32>
    %get3A_8 = vector.shape_cast %get3A_7 : vector<1x784x128xf32> to vector<784x128xf32>
    %add3A = arith.addf %get3A_3, %get3A_8 : vector<784x128xf32>
    %get3A_9 = arith.constant 0 : index
    %get3A_10 = arith.constant 0 : index
    %get3A_11 = vector.load %arg1[%get3A_9, %get3A_10] : memref<784x128xf32, #tpu.memory_space<vmem>>, vector<784x128xf32>
    %add3A_12 = arith.addf %add3A, %get3A_11 : vector<784x128xf32>
    %swap3A = arith.constant 0 : index
    %swap3A_13 = arith.constant 0 : index
    %swap3A_14 = vector.load %arg2[%swap3A, %swap3A_13] : memref<784x128xf32, #tpu.memory_space<vmem>>, vector<784x128xf32>
    tpu.vector_store %arg2[%swap3A, %swap3A_13], %add3A_12 {strides = array<i32>} : memref<784x128xf32, #tpu.memory_space<vmem>>, vector<784x128xf32>,
    return
  }
}

</mosaic_0001>

<sc_bundles>
// kernel: kernel.4.cloned.1.call-start
scs
__scs_entry_jumppad:
0x0: {  	(pc) =	sbr.rel $0x88, $3  }
0x1: {  	(tag) =	ssettag $0x0;
	lr =	simm.s32 $0x1  }
0x2: {  	[smem:$0x3F9A] =	sst lr;
	_ =	strace $0xD0000000  }
0x3: {  	_ = 	snop  }
0x4: {  	_ = 	snop  }
0x5: {  	_ = 	snop  }
0x6: {  	_ = 	snop  }
0x7: {  	_ = 	snop  }
__scs_overlays_trampoline_lowered:
0x8: {  	[smem:$0x3FA9] =	sst s0  }
0x9: {  	[smem:$0x3FAA] =	sst s1  }
0xa: {  	[smem:$0x3FAB] =	sst s2  }
0xb: {  	[smem:$0x3FAC] =	sst s3  }
0xc: {  	[smem:$0x3FAD] =	sst s4  }
0xd: {  	[smem:$0x3FAE] =	sst s5  }
0xe: {  	[smem:$0x3FAF] =	sst s6  }
0xf: {  	[smem:$0x3FB0] =	sst s7  }
0x10: {  	[smem:$0x3FB1] =	sst s8  }
0x11: {  	[smem:$0x3FB2] =	sst s9;
	s0 =	simm.s32 @!p0 $0x0  }
0x12: {  	s1 =	sld [smem:$0x3F98];
	s0 =	simm.s32 @p0 $0x1  }
0x13: {  	[smem:$0x3FB3] =	sst s0;
	s0 =	simm.s32 @!p1 $0x0  }
0x14: {  	s2 =	sld [smem:$0x3F97];
	s0 =	simm.s32 @p1 $0x1  }
0x15: {  	[smem:$0x3FB4] =	sst s0;
	s0 =	simm.s32 @!p2 $0x0  }
0x16: {  	s3 =	sld [smem:$0x3FDB];
	s0 =	simm.s32 @p2 $0x1  }
0x17: {  	s4 =	simm.s32 $0x1BF5;
	[smem:$0x3FB6] =	sst s0  }
0x18: {  	s0 =	sld [smem:$0x3F99];
	_ =	swait.ge [sflag:s4], $0x0  }
0x19: {  	s7 =	sld [smem:$0x3F9A]  }
0x1a: {  	s8 =	sadd.s32 $0xFFFFE003, lr  }
0x1b: {  	s9 =	sadd.s32 $0xFFFFFEF7, lr;
	s5 =	simm.s32 $0xFFFFFFFF;
	p2 =	slt.u32 s8, $0xFFFFF086  }
0x1c: {  	p1 =	slt.u32 s9, $0xF7A;
	s5 =	simm.s32 @!p2 $0x0  }
0x1d: {  	s5 =	simm.s32 @p1 $0x1;
	p0 =	seq.s32 s7, s2  }
0x1e: {  	s7 =	smul.u32 @!p0 $0xF7A, s2;
	p2 =	seq.s32 @!p0 s5, $0x0  }
0x1f: {  	s9 =	smul.u32 $0xF7A, s1;
	s8 =	simm.s32 @!p0 $0x1BF5;
	p2 =	por !p2, p0  }
0x20: {  	[sflag:s8] =	ssyncset.s32 @!p0 $0xFFFFF086;
	s6 =	sadd.s32 @!p0 s3, s7;
	s7 =	simm.s32 @!p0 $0x108  }
0x21: {  	s3 =	sadd.s32 s3, s9;
	s6 =	sadd.s32 @!p0 $0x88, s6;
	s7 =	simm.s32 @p2 $0x1082  }
0x22: {  	[simem:s7], [sflag:s8] =	dma.local @!p0 [hbm:s6], $0xF7A  }
0x23: {  	s9 =	sor.u32 $0xD0000000, s2;
	s6 =	simm.s32 $0x108;
	_ =	swait.ge @!p0 [sflag:s8], $0x0  }
0x24: {  	s3 =	sadd.s32 $0x88, s3;
	s6 =	simm.s32 @!p1 $0x1082;
	[sflag:s4] =	ssyncset.s32 $0xFFFFF086  }
0x25: {  	[simem:s6], [sflag:s4] =	dma.local [hbm:s3], $0xF7A  }
0x26: {  	[smem:$0x3F9A] =	sst s1;
	(tag) =	ssettag s2;
	_ =	strace s9  }
0x27: {  	s1 =	sld [smem:$0x3FAA]  }
0x28: {  	s2 =	sld [smem:$0x3FAB]  }
0x29: {  	s4 =	sld [smem:$0x3FAD]  }
0x2a: {  	p0 =	seq.s32 s5, $0x0;
	s5 =	sld [smem:$0x3FAE]  }
0x2b: {  	s6 =	sld [smem:$0x3FAF]  }
0x2c: {  	s7 =	sld [smem:$0x3FB0]  }
0x2d: {  	s3 =	simm.s32 $0x108;
	s8 =	sld [smem:$0x3FB1]  }
0x2e: {  	s3 =	simm.s32 @!p0 $0x1082;
	s9 =	sld [smem:$0x3FB2]  }
0x2f: {  	lr =	sadd.s32 s0, s3;
	s0 =	sld [smem:$0x3FA9]  }
0x30: {  	s3 =	sld [smem:$0x3FAC]  }
0x31: {  	[smem:$0x3FB5] =	sst s10  }
0x32: {  	s10 =	sld [smem:$0x3FB3];
	_ =	sdelay $0x3  }
0x33: {  	p0 =	seq.s32 s10, $0x1;
	s10 =	sld [smem:$0x3FB5];
	_ =	sdelay $0x3  }
0x34: {  	[smem:$0x3FB5] =	sst s10  }
0x35: {  	s10 =	sld [smem:$0x3FB4];
	_ =	sdelay $0x3  }
0x36: {  	p1 =	seq.s32 s10, $0x1;
	s10 =	sld [smem:$0x3FB5];
	_ =	sdelay $0x3  }
0x37: {  	[smem:$0x3FB5] =	sst s10  }
0x38: {  	s10 =	sld [smem:$0x3FB6]  }
0x39: {  	_ = 	snop;
	(pc) =	sbr.ind lr, $3  }
0x3a: {  	_ = 	snop  }
0x3b: {  	_ = 	snop  }
0x3c: {  	p2 =	seq.s32 s10, $0x1;
	s10 =	sld [smem:$0x3FB5]  }
0x3d: {  	_ =	shalt  }
0x3e: {  	_ =	shalt  }
0x3f: {  	_ =	shalt  }
0x40: {  	_ =	shalt  }
0x41: {  	_ =	shalt  }
0x42: {  	_ =	shalt  }
0x43: {  	_ =	shalt  }
0x44: {  	_ =	shalt  }
0x45: {  	_ =	shalt  }
0x46: {  	_ =	shalt  }
0x47: {  	_ =	shalt  }
0x48: {  	_ =	shalt  }
0x49: {  	_ =	shalt  }
0x4a: {  	_ =	shalt  }
0x4b: {  	_ =	shalt  }
0x4c: {  	_ =	shalt  }
0x4d: {  	_ =	shalt  }
0x4e: {  	_ =	shalt  }
0x4f: {  	_ =	shalt  }
0x50: {  	_ =	shalt  }
0x51: {  	_ =	shalt  }
0x52: {  	_ =	shalt  }
0x53: {  	_ =	shalt  }
0x54: {  	_ =	shalt  }
0x55: {  	_ =	shalt  }
0x56: {  	_ =	shalt  }
0x57: {  	_ =	shalt  }
0x58: {  	_ =	shalt  }
0x59: {  	_ =	shalt  }
0x5a: {  	_ =	shalt  }
0x5b: {  	_ =	shalt  }
0x5c: {  	_ =	shalt  }
0x5d: {  	_ =	shalt  }
0x5e: {  	_ =	shalt  }
0x5f: {  	_ =	shalt  }
0x60: {  	_ =	shalt  }
0x61: {  	_ =	shalt  }
0x62: {  	_ =	shalt  }
0x63: {  	_ =	shalt  }
0x64: {  	_ =	shalt  }
0x65: {  	_ =	shalt  }
0x66: {  	_ =	shalt  }
0x67: {  	_ =	shalt  }
0x68: {  	_ =	shalt  }
0x69: {  	_ =	shalt  }
0x6a: {  	_ =	shalt  }
0x6b: {  	_ =	shalt  }
0x6c: {  	_ =	shalt  }
0x6d: {  	_ =	shalt  }
0x6e: {  	_ =	shalt  }
0x6f: {  	_ =	shalt  }
0x70: {  	_ =	shalt  }
0x71: {  	_ =	shalt  }
0x72: {  	_ =	shalt  }
0x73: {  	_ =	shalt  }
0x74: {  	_ =	shalt  }
0x75: {  	_ =	shalt  }
0x76: {  	_ =	shalt  }
0x77: {  	_ =	shalt  }
0x78: {  	_ =	shalt  }
0x79: {  	_ =	shalt  }
0x7a: {  	_ =	shalt  }
0x7b: {  	_ =	shalt  }
0x7c: {  	_ =	shalt  }
0x7d: {  	_ =	shalt  }
0x7e: {  	_ =	shalt  }
0x7f: {  	_ =	shalt  }
0x80: {  	_ =	shalt  }
0x81: {  	_ =	shalt  }
0x82: {  	_ =	shalt  }
0x83: {  	_ =	shalt  }
0x84: {  	_ =	shalt  }
0x85: {  	_ =	shalt  }
0x86: {  	_ =	shalt  }
0x87: {  	_ =	shalt  }
.Lfunc_end0:
.L_simem_size_0:
called_computation_lowered:
.L_overlay_start_0:
0x88: {  	s2 =	sld [smem:$0x3FD9]  }
0x89: {  	s3 =	sld [smem:$0x3FFE];
	_ =	sdelay $0x1  }
0x8a: {  	s1 =	srdreg.scid  }
0x8b: {  	s0 =	sand.u32 $0x1, s1  }
0x8c: {  	s17 =	sshll.u32 s0, $0xA;
	s2 =	sadd.s32 s3, s2  }
0x8d: {  	s2 =	sadd.s32 s2, s17  }
0x8e: {  	[smem:$0x3FC1] =	sst s2  }
0x8f: {  	_ = 	snop  }
0x90: {  	s2 =	sld [smem:$0x3FC4]  }
0x91: {  	s18 =	sld [smem:$0x3FC3];
	(tm) =	ssettm $0x1  }
0x92: {  	s4 =	sld [smem:$0x3FFB];
	_ =	sdelay $0x3  }
0x93: {  	_ =	strace s4  }
0x94: {  	s4 =	sld [smem:$0x3FFC];
	_ =	sdelay $0x3  }
0x95: {  	_ =	strace s4  }
0x96: {  	s4 =	sld [smem:$0x3FFD];
	_ =	sdelay $0x3  }
0x97: {  	_ =	strace s4  }
0x98: {  	_ =	strace $0x8FFFFFFF  }
0x99: {  	s19 =	sld [smem:$0x3FDB];
	_ =	sdelay $0x1  }
0x9a: {  	s5 =	simm.s32 $_scs_section_size  }
0x9b: {  	s6 =	simm.s32 $_size__tile_overlayer_lowered;
	s7 =	simm.s32 $_tile_overlayer_lowered  }
0x9c: {  	s22 =	simm.s32 $0x1BFF;
	s21 =	sshll.u32 s7, $0x1;
	s4 =	sadd.s32 s5, s19  }
0x9d: {  	s8 =	simm.s32 $0x0;
	s20 =	sshll.u32 s6, $0x1;
	s6 =	sadd.s32 s21, s4  }
0x9e: {  	[timem:s8], [sflag:s22] =	dma.local [hbm:s6], s20  }
0x9f: {  	_ =	swait.ge [sflag:s22], s20  }
0xa0: {  	s5 =	ssub.s32 $0x0, s20;
	[sflag:s22] =	ssyncset.done $0x0  }
0xa1: {  	[sflag:s22] =	ssyncadd.s32 s5;
	_ =	sdelay $0x1  }
0xa2: {  	s23 =	simm.s32 $0x1B8B  }
0xa3: {  	_ =	swait.ge [sflag:s23], $0x1  }
0xa4: {  	[sflag:s23] =	ssyncset.done $0x0  }
0xa5: {  	s25 =	simm.s32 $0x1B8E;
	s24 =	sld [smem:$0x3FFE];
	[sflag:s23] =	ssyncadd.s32 $0xFFFFFFFF  }
0xa6: {  	s26 =	simm.s32 $execute0_lowered;
	[smem:$0x3FD2] =	sst s25  }
0xa7: {  	s6 =	sshll.u32 s26, $0x1;
	_ =	strace $0x80000046;
	[dreg:$0x1] =	wrdreg $0xFFFFFFFF  }
0xa8: {  	s28 =	simm.s32 $_size_execute0_lowered;
	s4 =	sadd.s32 s4, s6;
	[dreg:$0x0] =	wrdreg $0x0  }
0xa9: {  	s6 =	sshll.u32 s28, $0x1;
	[dreg:$0x2] =	wrdreg s4  }
0xaa: {  	[dreg:$0x3] =	wrdreg s6  }
0xab: {  	[dreg:$0x4] =	wrdreg $0xC0  }
0xac: {  	_ =	task [dreg:s8], $0x5FFFF  }
0xad: {  	[dreg:$0x1] =	wrdreg $0xFFFFFFFF  }
0xae: {  	[dreg:$0x0] =	wrdreg $0x60  }
0xaf: {  	[dreg:$0x2] =	wrdreg s24  }
0xb0: {  	[dreg:$0x3] =	wrdreg s2  }
0xb1: {  	[dreg:$0x4] =	wrdreg s18  }
0xb2: {  	[dreg:$0x5] =	wrdreg $0xB0800  }
0xb3: {  	[dreg:$0x6] =	wrdreg $0x9  }
0xb4: {  	_ =	task.clear_ibuf [dreg:s8], $0x7FFFF;
	_ =	strace $0x90000046  }
0xb5: {  	s29 =	simm.s32 $0x9;
	_ =	strace $0x80000048  }
0xb6: {  	_ =	swait.ge [sflag:s29], $0x1  }
0xb7: {  	[sflag:s29] =	ssyncadd.s32 $0xFFFFFFFF  }
0xb8: {  	_ =	strace $0x90000048  }
0xb9: {  	_ =	sfence  }
0xba: {  	s30 =	sld [smem:$0x0];
	_ =	sdelay $0x2  }
0xbb: {  	s31 =	sshll.u32 s1, $0xD;
	s1 =	sshrl.u32 s1, $0x2  }
0xbc: {  	s3 =	sand.u32 $0x4000, s31;
	s1 =	sadd.s32 s1, s30  }
0xbd: {  	s0 =	sor.u32 s3, s0;
	s1 =	sshll.u32 s1, $0x11  }
0xbe: {  	s0 =	sor.u32 s1, s0  }
0xbf: {  	s0 =	sadd.s32 $0x8F2B, s0  }
0xc0: {  	[sflag:s0] =	ssyncadd.remote.s32 $0x1  }
0xc1: {  	_ =	sfence.sel $0xFFFF  }
0xc2: {  	[dreg:$0x0] =	wrdreg $0xFFFFFFFF;
	(pc) =	sbr.abs _section_cstart, $3  }
0xc3: {  	[dreg:$0x1] =	wrdreg $0xFFFFFFFF  }
0xc4: {  	_ =	task.clear_ibuf [dreg:s8], $0x2FFFF;
	_ =	strace $0x9FFFFFFF  }
0xc5: {  	(tm) =	ssettm $0x7FFFFFFF  }
tec
execute0_lowered:
.L_overlay_start_1:
0x0: {  	(tag) =	ssettag $0x1  }
0x1: {  	s0 =	rddreg [dreg:$0x0]  }
0x2: {  	s2 =	rddreg [dreg:$0x1]  }
0x3: {  	s3 =	rddreg [dreg:$0x2]  }
0x4: {  	s4 =	rddreg [dreg:$0x3]  }
0x5: {  	s1 =	srdreg.scid;
	s8 =	stileid.u32  }
0x6: {  	s9 =	simm.s32 $0x0;
	s18 =	simm.s32 $0x80;
	s19 =	simm.s32 $0x800  }
0x7: {  	s20 =	simm.s32 $0x2800;
	s29 =	simm.s32 $0x180;
	s14 =	simm.s32 $0x200  }
0x8: {  	s31 =	simm.s32 $0x300;
	s12 =	simm.s32 $0x5;
	s13 =	simm.s32 $0x5400  }
0x9: {  	s15 =	simm.s32 $0x9680;
	s17 =	simm.s32 $0x4F00;
	s21 =	simm.s32 $0x4F80  }
0xa: {  	s16 =	simm.s32 $0x0;
	s1 =	sand.u32 $0x1, s1;
	s5 =	smul.u32 $0x1880, s8  }
0xb: {  	[smem:$0x7FF] =	sst s9;
	s6 =	smul.u32 $0x18800, s1;
	s7 =	sshll.u32 s1, $0x4  }
0xc: {  	_ =	strace $0x80000047;
	s1 =	ssub.s32 $0x2, s1;
	s7 =	sor.u32 s8, s7  }
0xd: {  	s10 =	sshrl.u32 s1, $0x1;
	s28 =	sadd.s32 s5, s4;
	s23 =	smul.u32 $0xFFFFFCF0, s7  }
0xe: {  	s22 =	sadd.s32 s5, s6;
	s6 =	sadd.s32 $0x187200, s0;
	s11 =	smul.u32 $0x3100, s7  }
0xf: {  	s1 =	ssub.s32 s1, s10;
	s10 =	simm.s32 $0x3;
	s5 =	simm.s32 $0x9700  }
0x10: {  	[dreg:$0x5] =	wrdreg s28;
	s8 =	sshrl.u32 s22, $0x3;
	s30 =	smax.u32 s1, $0x1  }
0x11: {  	s22 =	simm.s32 $0x9780;
	s9 =	sadd.s32 $0x61A8, s23;
	s0 =	sadd.s32 s8, s0  }
0x12: {  	s25 =	sadd.s32 s2, s11;
	s26 =	sadd.s32 s3, s11;
	s11 =	smul.u32 $0x18800, s7  }
.Ltmp0:
0x13: {  	[dreg:$0x9] =	wrdreg s30;
	s23 =	simm.s32 $0x380;
	(pc) =	sbr.rel .LBB2_1-.Ltmp0, $4  }
0x14: {  	s7 =	simm.s32 $0x7400;
	s24 =	sshrl.u32 s9, $0x3;
	[dreg:$0x6] =	wrdreg s25  }
0x15: {  	[dreg:$0x7] =	wrdreg s26;
	s0 =	sadd.s32 $0x800, s0;
	s9 =	simm.s32 $0x7  }
0x16: {  	v1 =	vlaneseq.u32;
	s25 =	simm.s32 $0x280;
	s26 =	simm.s32 $0x6;
	s8 =	smin.u32 s24, $0x62  }
0x17: {  	v0 =	vimm.f32 $0.0e+00;
	v1 =	vmul.u32 $0x8, v1;
	[dreg:$0x8] =	wrdreg s0;
	s24 =	simm.s32 $0x100;
	s0 =	simm.s32 $0x2  }
.LBB2_13:
0x18: {  	s1 =	stileid.u32;
	[bflag:$0x0] =	sbarrier.arrive $0xFFFF  }
0x19: {  	s1 =	sshll.u32 s1, $0x6;
	s28 =	rddreg [dreg:$0x5]  }
0x1a: {  	s16 =	rddreg [dreg:$0x8];
	s1 =	sor.u32 $0x1C07, s1;
	s9 =	sshrl.u32 s28, $0x3  }
0x1b: {  	[hbm:s16], [sflag:s1] =	dma.local [spmem:s9], $0x310  }
0x1c: {  	s9 =	simm.s32 $0x7  }
0x1d: {  	_ =	swait.ge [sflag:s9], $0x310  }
0x1e: {  	s1 =	rddreg [dreg:$0xa]  }
0x1f: {  	s30 =	rddreg [dreg:$0x9];
	s16 =	sadd.s32 $0x1, s1  }
0x20: {  	p0 =	sne.s32 s16, s30  }
.Ltmp1:
0x21: {  	_ = 	snop;
	(pc) =	sbr.rel @!p0 .LBB2_14-.Ltmp1, $3  }
0x22: {  	_ =	sdelay $0x1  }
0x23: {  	[sflag:s9] =	ssyncset.done $0x0  }
0x24: {  	[sflag:s9] =	ssyncadd.s32 $0xFFFFFCF0  }
.LBB2_1:
0x25: {  	[dreg:$0xa] =	wrdreg s16;
	s1 =	simm.s32 $0x40;
	s16 =	simm.s32 $0x0  }
.LBB2_2:
0x26: {  	p0 =	sne.s32 s1, $0x61C0;
	[tilespmem:s16+$0x9800] =	vst v0;
	s16 =	smov.u32 s1;
	s1 =	sadd.s32 $0x40, s1  }
.Ltmp2:
0x27: {  	(pc) =	sbr.rel @p0 .LBB2_2-.Ltmp2, $2  }
0x28: {  	_ =	sdelay $0x2  }
0x29: {  	s16 =	sshra.s32 s16, $0x2  }
0x2a: {  	[tilespmem:s16+$0x9800] =	vst v0;
	s1 =	simm.s32 $0x9800  }
0x2b: {  	[spmem:s28] =	stream.linear.scatter [tilespmem:s1], [sflag:$0x7], $0x1880, $0x38;
	[tilespmem:$0xC900] =	vst v63  }
0x2c: {  	_ =	swait.ge [sflag:s9], $0x1880  }
0x2d: {  	[sflag:s9] =	ssyncset.done $0x0  }
0x2e: {  	[sflag:s9] =	ssyncadd.s32 $0xFFFFE780  }
0x2f: {  	[bflag:$0x0] =	sbarrier.arrive $0xFFFF  }
0x30: {  	s28 =	simm.s32 $0x0;
	s30 =	rddreg [dreg:$0x6]  }
0x31: {  	[tilespmem:s28], [sflag:$0x1] =	stream.linear.gather [hbm4b:s30+s28], $0x400, $0x38;
	[tilespmem:$0xC900] =	vst v63  }
0x32: {  	s16 =	simm.s32 $0x400;
	s9 =	rddreg [dreg:$0x7];
	s30 =	simm.s32 $0x1  }
0x33: {  	[tilespmem:s16], [sflag:$0x1] =	stream.linear.gather [hbm4b:s9+s28], $0x400, $0x38;
	[tilespmem:$0xC900] =	vst v63  }
0x34: {  	_ =	swait.ge [sflag:s30], $0x400  }
0x35: {  	[sflag:s30] =	ssyncset.done $0x0  }
0x36: {  	[sflag:s30] =	ssyncadd.s32 $0xFFFFFC00  }
0x37: {  	_ =	swait.ge [sflag:s30], $0x400  }
0x38: {  	[sflag:s30] =	ssyncset.done $0x0  }
0x39: {  	[sflag:s30] =	ssyncadd.s32 $0xFFFFFC00  }
0x3a: {  	[tilespmem:s19], [sflag:$0x2] =	stream.indirect.gather [hbm4b:s6+s18], $0x8, s28, s18, $0xb8;
	[tilespmem:$0xC900] =	vst v63  }
0x3b: {  	_ = 	snop  }
0x3c: {  	[tilespmem:s20], [sflag:$0x2] =	stream.indirect.gather [hbm4b:s6+s18], $0x8, s16, s18, $0xb8;
	[tilespmem:$0xC900] =	vst v63  }
0x3d: {  	s9 =	simm.s32 $0xC00  }
0x3e: {  	[tilespmem:s9], [sflag:$0x2] =	stream.indirect.gather [hbm4b:s6+s18], $0x8, s18, s18, $0xb8;
	[tilespmem:$0xC900] =	vst v63  }
0x3f: {  	s30 =	simm.s32 $0x2C00;
	s16 =	simm.s32 $0x480  }
0x40: {  	[tilespmem:s30], [sflag:$0x2] =	stream.indirect.gather [hbm4b:s6+s18], $0x8, s16, s18, $0xb8;
	[tilespmem:$0xC900] =	vst v63  }
0x41: {  	s9 =	simm.s32 $0x1000  }
0x42: {  	[tilespmem:s9], [sflag:$0x2] =	stream.indirect.gather [hbm4b:s6+s18], $0x8, s24, s18, $0xb8;
	[tilespmem:$0xC900] =	vst v63  }
0x43: {  	s16 =	simm.s32 $0x500;
	s30 =	simm.s32 $0x3000  }
0x44: {  	[tilespmem:s30], [sflag:$0x2] =	stream.indirect.gather [hbm4b:s6+s18], $0x8, s16, s18, $0xb8;
	[tilespmem:$0xC900] =	vst v63  }
0x45: {  	s9 =	simm.s32 $0x1400  }
0x46: {  	[tilespmem:s9], [sflag:$0x2] =	stream.indirect.gather [hbm4b:s6+s18], $0x8, s29, s18, $0xb8;
	[tilespmem:$0xC900] =	vst v63  }
0x47: {  	s16 =	simm.s32 $0x580;
	s30 =	simm.s32 $0x3400  }
0x48: {  	[tilespmem:s30], [sflag:$0x2] =	stream.indirect.gather [hbm4b:s6+s18], $0x8, s16, s18, $0xb8;
	[tilespmem:$0xC900] =	vst v63  }
0x49: {  	s9 =	simm.s32 $0x1800  }
0x4a: {  	[tilespmem:s9], [sflag:$0x2] =	stream.indirect.gather [hbm4b:s6+s18], $0x8, s14, s18, $0xb8;
	[tilespmem:$0xC900] =	vst v63  }
0x4b: {  	s16 =	simm.s32 $0x600;
	s30 =	simm.s32 $0x3800  }
0x4c: {  	[tilespmem:s30], [sflag:$0x2] =	stream.indirect.gather [hbm4b:s6+s18], $0x8, s16, s18, $0xb8;
	[tilespmem:$0xC900] =	vst v63  }
0x4d: {  	s9 =	simm.s32 $0x1C00  }
0x4e: {  	[tilespmem:s9], [sflag:$0x2] =	stream.indirect.gather [hbm4b:s6+s18], $0x8, s25, s18, $0xb8;
	[tilespmem:$0xC900] =	vst v63  }
0x4f: {  	s16 =	simm.s32 $0x680;
	s30 =	simm.s32 $0x3C00  }
0x50: {  	[tilespmem:s30], [sflag:$0x2] =	stream.indirect.gather [hbm4b:s6+s18], $0x8, s16, s18, $0xb8;
	[tilespmem:$0xC900] =	vst v63  }
0x51: {  	s9 =	simm.s32 $0x2000  }
0x52: {  	[tilespmem:s9], [sflag:$0x2] =	stream.indirect.gather [hbm4b:s6+s18], $0x8, s31, s18, $0xb8;
	[tilespmem:$0xC900] =	vst v63  }
0x53: {  	s16 =	simm.s32 $0x700;
	s30 =	simm.s32 $0x4000  }
0x54: {  	[tilespmem:s30], [sflag:$0x2] =	stream.indirect.gather [hbm4b:s6+s18], $0x8, s16, s18, $0xb8;
	[tilespmem:$0xC900] =	vst v63  }
.Ltmp3:
0x55: {  	_ = 	snop;
	(pc) =	sbr.rel .LBB2_4-.Ltmp3, $4  }
0x56: {  	s9 =	simm.s32 $0x2400  }
0x57: {  	[tilespmem:s9], [sflag:$0x2] =	stream.indirect.gather [hbm4b:s6+s18], $0x8, s23, s18, $0xb8;
	[tilespmem:$0xC900] =	vst v63  }
0x58: {  	s16 =	simm.s32 $0x780;
	s30 =	simm.s32 $0x4400  }
0x59: {  	[tilespmem:s30], [sflag:$0x2] =	stream.indirect.gather [hbm4b:s6+s18], $0x8, s16, s18, $0xb8;
	[tilespmem:$0xC900] =	vst v63  }
.LBB2_12:
0x5a: {  	s28 =	sadd.s32 $0x1, s28  }
0x5b: {  	p0 =	sne.s32 s28, $0x31  }
.Ltmp4:
0x5c: {  	_ = 	snop;
	(pc) =	sbr.rel @!p0 .LBB2_13-.Ltmp4, $1  }
0x5d: {  	_ =	sdelay $0x3  }
.LBB2_4:
0x5e: {  	s1 =	sshllo.u32 s28, $0x1  }
0x5f: {  	p0 =	sge.u32 s1, s8  }
0x60: {  	s1 =	sshll.u32 @!p0 s1, $0xA  }
0x61: {  	s1 =	sadd.s32 @!p0 s11, s1  }
0x62: {  	s1 =	sshrl.u32 @!p0 s1, $0x3  }
0x63: {  	s30 =	simm.s32 @!p0 $0x0;
	s9 =	simm.s32 @!p0 $0x4C00;
	s16 =	sadd.s32 @!p0 s2, s1  }
0x64: {  	[tilespmem:s9], [sflag:$0x4] =	stream.linear.gather @!p0 [hbm4b:s16+s30], $0x400, $0x38;
	[tilespmem:$0xC900] =	vst v63  }
0x65: {  	s1 =	sadd.s32 @!p0 s3, s1;
	s16 =	simm.s32 @!p0 $0x5000  }
0x66: {  	[tilespmem:s16], [sflag:$0x4] =	stream.linear.gather @!p0 [hbm4b:s1+s30], $0x400, $0x38;
	[tilespmem:$0xC900] =	vst v63  }
0x67: {  	s1 =	simm.s32 @!p0 $0x4  }
0x68: {  	_ =	swait.ge @!p0 [sflag:s1], $0x400  }
0x69: {  	[sflag:s1] =	ssyncset.done @!p0 $0x0  }
0x6a: {  	[sflag:s1] =	ssyncadd.s32 @!p0 $0xFFFFFC00  }
0x6b: {  	_ =	swait.ge @!p0 [sflag:s1], $0x400  }
0x6c: {  	[sflag:s1] =	ssyncset.done @!p0 $0x0  }
0x6d: {  	s30 =	simm.s32 @!p0 $0x5400;
	[sflag:s1] =	ssyncadd.s32 @!p0 $0xFFFFFC00;
	s1 =	simm.s32 @!p0 $0x80  }
0x6e: {  	[tilespmem:s30], [sflag:$0x5] =	stream.indirect.gather @!p0 [hbm4b:s6+s1], $0x8, s9, s1, $0xb8;
	[tilespmem:$0xC900] =	vst v63  }
0x6f: {  	s9 =	simm.s32 @!p0 $0x7400  }
0x70: {  	[tilespmem:s9], [sflag:$0x5] =	stream.indirect.gather @!p0 [hbm4b:s6+s1], $0x8, s16, s1, $0xb8;
	[tilespmem:$0xC900] =	vst v63  }
0x71: {  	s9 =	simm.s32 @!p0 $0x4C80;
	s16 =	simm.s32 @!p0 $0x5800  }
0x72: {  	[tilespmem:s16], [sflag:$0x5] =	stream.indirect.gather @!p0 [hbm4b:s6+s1], $0x8, s9, s1, $0xb8;
	[tilespmem:$0xC900] =	vst v63  }
0x73: {  	s9 =	simm.s32 @!p0 $0x5080;
	s16 =	simm.s32 @!p0 $0x7800  }
0x74: {  	[tilespmem:s16], [sflag:$0x5] =	stream.indirect.gather @!p0 [hbm4b:s6+s1], $0x8, s9, s1, $0xb8;
	[tilespmem:$0xC900] =	vst v63  }
0x75: {  	s9 =	simm.s32 @!p0 $0x4D00;
	s16 =	simm.s32 @!p0 $0x5C00  }
0x76: {  	[tilespmem:s16], [sflag:$0x5] =	stream.indirect.gather @!p0 [hbm4b:s6+s1], $0x8, s9, s1, $0xb8;
	[tilespmem:$0xC900] =	vst v63  }
0x77: {  	s9 =	simm.s32 @!p0 $0x5100;
	s16 =	simm.s32 @!p0 $0x7C00  }
0x78: {  	[tilespmem:s16], [sflag:$0x5] =	stream.indirect.gather @!p0 [hbm4b:s6+s1], $0x8, s9, s1, $0xb8;
	[tilespmem:$0xC900] =	vst v63  }
0x79: {  	s9 =	simm.s32 @!p0 $0x4D80;
	s16 =	simm.s32 @!p0 $0x6000  }
0x7a: {  	[tilespmem:s16], [sflag:$0x5] =	stream.indirect.gather @!p0 [hbm4b:s6+s1], $0x8, s9, s1, $0xb8;
	[tilespmem:$0xC900] =	vst v63  }
0x7b: {  	s9 =	simm.s32 @!p0 $0x5180;
	s16 =	simm.s32 @!p0 $0x8000  }
0x7c: {  	[tilespmem:s16], [sflag:$0x5] =	stream.indirect.gather @!p0 [hbm4b:s6+s1], $0x8, s9, s1, $0xb8;
	[tilespmem:$0xC900] =	vst v63  }
0x7d: {  	s9 =	simm.s32 @!p0 $0x4E00;
	s16 =	simm.s32 @!p0 $0x6400  }
0x7e: {  	[tilespmem:s16], [sflag:$0x5] =	stream.indirect.gather @!p0 [hbm4b:s6+s1], $0x8, s9, s1, $0xb8;
	[tilespmem:$0xC900] =	vst v63  }
0x7f: {  	s9 =	simm.s32 @!p0 $0x5200;
	s16 =	simm.s32 @!p0 $0x8400  }
0x80: {  	[tilespmem:s16], [sflag:$0x5] =	stream.indirect.gather @!p0 [hbm4b:s6+s1], $0x8, s9, s1, $0xb8;
	[tilespmem:$0xC900] =	vst v63  }
0x81: {  	s9 =	simm.s32 @!p0 $0x4E80;
	s16 =	simm.s32 @!p0 $0x6800  }
0x82: {  	[tilespmem:s16], [sflag:$0x5] =	stream.indirect.gather @!p0 [hbm4b:s6+s1], $0x8, s9, s1, $0xb8;
	[tilespmem:$0xC900] =	vst v63  }
0x83: {  	s9 =	simm.s32 @!p0 $0x5280;
	s16 =	simm.s32 @!p0 $0x8800  }
0x84: {  	[tilespmem:s16], [sflag:$0x5] =	stream.indirect.gather @!p0 [hbm4b:s6+s1], $0x8, s9, s1, $0xb8;
	[tilespmem:$0xC900] =	vst v63  }
0x85: {  	s30 =	sshll.u32 s28, $0x1;
	s9 =	simm.s32 @!p0 $0x4F00;
	s16 =	simm.s32 @!p0 $0x6C00  }
0x86: {  	[tilespmem:s16], [sflag:$0x5] =	stream.indirect.gather @!p0 [hbm4b:s6+s1], $0x8, s9, s1, $0xb8;
	[tilespmem:$0xC900] =	vst v63  }
0x87: {  	p1 =	sge.u32 s30, s8;
	s9 =	simm.s32 @!p0 $0x5300;
	s16 =	simm.s32 @!p0 $0x8C00  }
0x88: {  	[tilespmem:s16], [sflag:$0x5] =	stream.indirect.gather @!p0 [hbm4b:s6+s1], $0x8, s9, s1, $0xb8;
	[tilespmem:$0xC900] =	vst v63  }
.Ltmp5:
0x89: {  	_ = 	snop;
	(pc) =	sbr.rel @p1 .LBB2_8-.Ltmp5, $4  }
0x8a: {  	s9 =	simm.s32 @!p0 $0x4F80;
	s16 =	simm.s32 @!p0 $0x7000  }
0x8b: {  	[tilespmem:s16], [sflag:$0x5] =	stream.indirect.gather @!p0 [hbm4b:s6+s1], $0x8, s9, s1, $0xb8;
	[tilespmem:$0xC900] =	vst v63  }
0x8c: {  	s9 =	simm.s32 @!p0 $0x5380;
	s16 =	simm.s32 @!p0 $0x9000  }
0x8d: {  	[tilespmem:s16], [sflag:$0x5] =	stream.indirect.gather @!p0 [hbm4b:s6+s1], $0x8, s9, s1, $0xb8;
	[tilespmem:$0xC900] =	vst v63  }
0x8e: {  	_ =	swait.ge [sflag:s0], $0x400  }
0x8f: {  	[sflag:s0] =	ssyncset.done $0x0  }
0x90: {  	[sflag:s0] =	ssyncadd.s32 $0xFFFFFC00  }
0x91: {  	_ =	swait.ge [sflag:s0], $0x400  }
0x92: {  	[sflag:s0] =	ssyncset.done $0x0  }
0x93: {  	[sflag:s0] =	ssyncadd.s32 $0xFFFFFC00  }
0x94: {  	_ =	swait.ge [sflag:s0], $0x400  }
0x95: {  	[sflag:s0] =	ssyncset.done $0x0  }
0x96: {  	[sflag:s0] =	ssyncadd.s32 $0xFFFFFC00  }
0x97: {  	_ =	swait.ge [sflag:s0], $0x400  }
0x98: {  	[sflag:s0] =	ssyncset.done $0x0  }
0x99: {  	[sflag:s0] =	ssyncadd.s32 $0xFFFFFC00  }
0x9a: {  	_ =	swait.ge [sflag:s0], $0x400  }
0x9b: {  	[sflag:s0] =	ssyncset.done $0x0  }
0x9c: {  	[sflag:s0] =	ssyncadd.s32 $0xFFFFFC00  }
0x9d: {  	_ =	swait.ge [sflag:s0], $0x400  }
0x9e: {  	[sflag:s0] =	ssyncset.done $0x0  }
0x9f: {  	[sflag:s0] =	ssyncadd.s32 $0xFFFFFC00  }
0xa0: {  	_ =	swait.ge [sflag:s0], $0x400  }
0xa1: {  	[sflag:s0] =	ssyncset.done $0x0  }
0xa2: {  	[sflag:s0] =	ssyncadd.s32 $0xFFFFFC00  }
0xa3: {  	_ =	swait.ge [sflag:s0], $0x400  }
0xa4: {  	[sflag:s0] =	ssyncset.done $0x0  }
0xa5: {  	[sflag:s0] =	ssyncadd.s32 $0xFFFFFC00  }
0xa6: {  	_ =	swait.ge [sflag:s0], $0x400  }
0xa7: {  	[sflag:s0] =	ssyncset.done $0x0  }
0xa8: {  	[sflag:s0] =	ssyncadd.s32 $0xFFFFFC00  }
0xa9: {  	_ =	swait.ge [sflag:s0], $0x400  }
0xaa: {  	[sflag:s0] =	ssyncset.done $0x0  }
0xab: {  	[sflag:s0] =	ssyncadd.s32 $0xFFFFFC00  }
0xac: {  	_ =	swait.ge [sflag:s0], $0x400  }
0xad: {  	[sflag:s0] =	ssyncset.done $0x0  }
0xae: {  	[sflag:s0] =	ssyncadd.s32 $0xFFFFFC00  }
0xaf: {  	_ =	swait.ge [sflag:s0], $0x400  }
0xb0: {  	[sflag:s0] =	ssyncset.done $0x0  }
0xb1: {  	[sflag:s0] =	ssyncadd.s32 $0xFFFFFC00  }
0xb2: {  	_ =	swait.ge [sflag:s0], $0x400  }
0xb3: {  	[sflag:s0] =	ssyncset.done $0x0  }
0xb4: {  	[sflag:s0] =	ssyncadd.s32 $0xFFFFFC00  }
0xb5: {  	s1 =	simm.s32 $0x0;
	_ =	swait.ge [sflag:s0], $0x400  }
0xb6: {  	v2 =	vmov s1;
	[sflag:s0] =	ssyncset.done $0x0  }
0xb7: {  	v2 =	vshll.u32 v2, $0x3;
	[sflag:s0] =	ssyncadd.s32 $0xFFFFFC00  }
0xb8: {  	v2 =	vor.u32 v1, v2;
	_ =	swait.ge [sflag:s0], $0x400  }
0xb9: {  	v3 =	vor.u32 $0x1, v2;
	[sflag:s0] =	ssyncset.done $0x0  }
0xba: {  	[sflag:s0] =	ssyncadd.s32 $0xFFFFFC00  }
0xbb: {  	_ =	swait.ge [sflag:s0], $0x400  }
0xbc: {  	[sflag:s0] =	ssyncset.done $0x0  }
0xbd: {  	v4 =	vor.u32 $0x2, v2;
	[sflag:s0] =	ssyncadd.s32 $0xFFFFFC00  }
0xbe: {  	v5 =	vld.idx.msk [tilespmem:v3+s20+$0x0], $0xffff  }
0xbf: {  	v3 =	vld.idx.msk [tilespmem:v3+s19+$0x0], $0xffff  }
0xc0: {  	v6 =	vld.idx.msk [tilespmem:v2+s20+$0x0], $0xffff  }
0xc1: {  	v7 =	vld.idx.msk [tilespmem:v2+s19+$0x0], $0xffff  }
0xc2: {  	v8 =	vld.idx.msk [tilespmem:v4+s20+$0x0], $0xffff  }
0xc3: {  	v4 =	vld.idx.msk [tilespmem:v4+s19+$0x0], $0xffff;
	_ =	sdelay $0x2  }
0xc4: {  	v6 =	vsub.f32 v6, v7;
	v3 =	vsub.f32 v5, v3;
	_ =	sdelay $0x1  }
0xc5: {  	v4 =	vsub.f32 v8, v4;
	v5 =	vmul.f32 v6, v6;
	v3 =	vmul.f32 v3, v3;
	_ =	sdelay $0x1  }
0xc6: {  	v4 =	vmul.f32 v4, v4;
	v3 =	vadd.f32 v3, v5;
	_ =	sdelay $0x1  }
0xc7: {  	v3 =	vadd.f32 v4, v3;
	_ =	sdelay $0x1  }
0xc8: {  	v4 =	vshrl.u32 v3, $0x1;
	v5 =	vmul.f32 $5.000000000e-01, v3  }
0xc9: {  	v4 =	vsub.s32 $0x5F3759DF, v4  }
0xca: {  	v6 =	vmul.f32 v4, v5  }
0xcb: {  	v7 =	vor.u32 $0x6, v2  }
0xcc: {  	v6 =	vmul.f32 v4, v6;
	_ =	sdelay $0x1  }
0xcd: {  	v6 =	vsub.f32 $1.500000000e+00, v6;
	_ =	sdelay $0x1  }
0xce: {  	v52 =	vld.idx.msk [tilespmem:v7+s20+$0x0], $0xffff;
	v4 =	vmul.f32 v4, v6  }
0xcf: {  	v6 =	vld.idx.msk [tilespmem:v7+s19+$0x0], $0xffff  }
0xd0: {  	v5 =	vmul.f32 v4, v5  }
0xd1: {  	v14 =	vor.u32 $0x4, v2  }
0xd2: {  	v5 =	vmul.f32 v5, v4  }
0xd3: {  	v7 =	vadd.f32 $1.000000000e+00, v3  }
0xd4: {  	v6 =	vadd.f32 v52, v6;
	v5 =	vsub.f32 $1.500000000e+00, v5  }
0xd5: {  	v10 =	vmul.f32 v3, v3;
	v9 =	vshrl.u32 v7, $0x1;
	v7 =	vmul.f32 $5.000000000e-01, v7  }
0xd6: {  	v59 =	vld.idx.msk [tilespmem:v14+s19+$0x0], $0xffff;
	v9 =	vsub.s32 $0x5F3759DF, v9;
	v4 =	vmul.f32 v5, v4;
	v5 =	vadd.f32 $9.999999710e-10, v6  }
0xd7: {  	v14 =	vld.idx.msk [tilespmem:v14+s20+$0x0], $0xffff;
	v54 =	vmul.f32 v10, v3;
	v53 =	vmul.f32 v9, v7  }
0xd8: {  	v3 =	vmul.f32 v4, v3;
	v5 =	vmul.f32 $2.134320020e+00, v5  }
0xd9: {  	v6 =	vmul.f32 v9, v53  }
0xda: {  	v5 =	vmul.f32 v3, v5  }
0xdb: {  	v6 =	vsub.f32 $1.500000000e+00, v6  }
0xdc: {  	v14 =	vmul.f32 v14, v59;
	v56 =	vadd.f32 $-2.500000000e+00, v3;
	v12 =	vmul.f32 $-3.199800010e+00, v5  }
0xdd: {  	v6 =	vmul.f32 v9, v6;
	v13 =	vmul.f32 $-9.422900080e-01, v5  }
0xde: {  	v10 =	vmul.f32 $2.000000030e-01, v56;
	v12 =	vmul.f32 $1.442695020e+00, v12  }
0xdf: {  	v8 =	vadd.f32 $1.000000000e+00, v54;
	v15 =	vmul.f32 $-4.029000100e-01, v5;
	v13 =	vmul.f32 $1.442695020e+00, v13  }
0xe0: {  	v5 =	vmul.f32 $-2.016199980e-01, v5;
	v10 =	vmax.f32 v10, $0.0e+00;
	(erf) = vpow2.f32 v12  }
0xe1: {  	v57 =	vmul.f32 $1.442695020e+00, v15;
	v10 =	vmin.f32 v10, $1.000000000e+00;
	(erf) = vpow2.f32 v13  }
0xe2: {  	v60 =	vor.u32 $0x5, v2;
	v7 =	vmul.f32 v6, v7;
	v58 =	vmul.f32 $6.000000000e+00, v10  }
0xe3: {  	v55 =	vsub.s32 $0x7EF311C3, v8;
	v5 =	vmul.f32 $1.442695020e+00, v5;
	(erf) = vpow2.f32 v57  }
0xe4: {  	v11 =	vmul.f32 v55, v8;
	v7 =	vmul.f32 v7, v6;
	v13 =	vadd.f32 $-1.500000000e+01, v58  }
0xe5: {  	v2 =	vor.u32 $0x3, v2;
	v16 =	vmul.f32 $1.000000010e-01, v3;
	(erf) = vpow2.f32 v5  }
0xe6: {  	v7 =	vsub.f32 $1.500000000e+00, v7;
	v5 =	vmul.f32 v10, v10;
	v13 =	vmul.f32 v13, v10  }
0xe7: {  	v11 =	vsub.f32 $2.000000000e+00, v11;
	v20 =	vmul.f32 $9.999999770e-03, v3;
	v62 =	vmul.f32 $6.000000000e+00, v16  }
0xe8: {  	v6 =	vmul.f32 v7, v6;
	v5 =	vmul.f32 v5, v10;
	v61 =	vadd.f32 $1.000000000e+01, v13  }
0xe9: {  	v63 =	vld.idx.msk [tilespmem:v60+s19+$0x0], $0xffff;
	v25 =	vmul.f32 v16, v16;
	v7 =	vmul.f32 v55, v11;
	v24 =	vpop (erf)  }
0xea: {  	v12 =	vld.idx.msk [tilespmem:v60+s20+$0x0], $0xffff;
	v23 =	vsub.f32 v4, v6;
	v10 =	vadd.f32 $-1.500000000e+01, v62;
	v5 =	vmul.f32 v61, v5;
	v17 =	vpop (erf)  }
0xeb: {  	s16 =	simm.s32 $0x10;
	v15 =	vmul.f32 $1.817500000e-01, v24;
	v17 =	vmul.f32 $5.098599790e-01, v17  }
0xec: {  	v18 =	vmov s16;
	v10 =	vmul.f32 v10, v16;
	v5 =	vmul.f32 v5, v23;
	v26 =	vpop (erf)  }
0xed: {  	v19 =	vld.idx.msk [tilespmem:v2+s19+$0x0], $0xffff;
	v8 =	vmul.f32 v7, v8;
	v13 =	vmul.f32 $2.802200020e-01, v26;
	v15 =	vadd.f32 v17, v15  }
0xee: {  	v2 =	vld.idx.msk [tilespmem:v2+s20+$0x0], $0xffff;
	v27 =	vadd.f32 $1.000000000e+01, v10;
	v5 =	vadd.f32 v5, v6;
	v6 =	vmul.f32 v25, v16;
	v28 =	vpop (erf)  }
0xef: {  	v11 =	vmul.f32 v12, v63;
	v10 =	vmul.f32 $2.817000080e-02, v28;
	v13 =	vadd.f32 v15, v13  }
0xf0: {  	v8 =	vsub.f32 $2.000000000e+00, v8;
	v5 =	vadd.f32 v5, v20;
	v6 =	vmul.f32 v27, v6  }
0xf1: {  	v29 =	vmul.f32 $5.000000000e-01, v14;
	v4 =	vmul.f32 v4, v11;
	v10 =	vadd.f32 v13, v10  }
0xf2: {  	v7 =	vmul.f32 v8, v7;
	v5 =	vadd.f32 $-2.000000030e-01, v5;
	v6 =	vsub.f32 $1.000000000e+00, v6  }
0xf3: {  	v2 =	vmul.f32 v2, v19;
	vm0 =	vlt.f32 v3, $1.000000000e+01;
	v3 =	vmul.f32 v10, v4  }
0xf4: {  	v4 =	vnsel vm0, $0x0, v5;
	v5 =	vnsel vm0, $0x0, v6;
	v6 =	vmul.f32 v7, v29  }
0xf5: {  	v7 =	vshll.u32 v18, $0x3;
	v2 =	vmul.f32 v4, v2;
	v3 =	vmul.f32 v3, v5  }
0xf6: {  	v4 =	vor.u32 v1, v7  }
0xf7: {  	v7 =	vor.u32 $0x1, v4;
	v5 =	vmul.f32 v5, v6;
	v2 =	vadd.f32 v2, v3;
	_ =	sdelay $0x1  }
0xf8: {  	v2 =	vsub.f32 v2, v5  }
0xf9: {  	s1 =	simm.s32 $0x4800  }
0xfa: {  	v3 =	vor.u32 $0x2, v4;
	[tilespmem:s1+$0x0] =	vst v2  }
0xfb: {  	v2 =	vld.idx.msk [tilespmem:v7+s20+$0x0], $0xffff  }
0xfc: {  	v5 =	vld.idx.msk [tilespmem:v7+s19+$0x0], $0xffff  }
0xfd: {  	v6 =	vld.idx.msk [tilespmem:v4+s20+$0x0], $0xffff  }
0xfe: {  	v7 =	vld.idx.msk [tilespmem:v4+s19+$0x0], $0xffff  }
0xff: {  	v30 =	vld.idx.msk [tilespmem:v3+s20+$0x0], $0xffff  }
0x100: {  	v3 =	vld.idx.msk [tilespmem:v3+s19+$0x0], $0xffff;
	_ =	sdelay $0x2  }
0x101: {  	v6 =	vsub.f32 v6, v7;
	v2 =	vsub.f32 v2, v5;
	_ =	sdelay $0x1  }
0x102: {  	v3 =	vsub.f32 v30, v3;
	v5 =	vmul.f32 v6, v6;
	v2 =	vmul.f32 v2, v2;
	_ =	sdelay $0x1  }
0x103: {  	v3 =	vmul.f32 v3, v3;
	v2 =	vadd.f32 v2, v5;
	_ =	sdelay $0x1  }
0x104: {  	v2 =	vadd.f32 v3, v2;
	_ =	sdelay $0x1  }
0x105: {  	v3 =	vshrl.u32 v2, $0x1;
	v5 =	vmul.f32 $5.000000000e-01, v2  }
0x106: {  	v3 =	vsub.s32 $0x5F3759DF, v3  }
0x107: {  	v6 =	vmul.f32 v3, v5  }
0x108: {  	v7 =	vor.u32 $0x6, v4  }
0x109: {  	v6 =	vmul.f32 v3, v6;
	_ =	sdelay $0x1  }
0x10a: {  	v6 =	vsub.f32 $1.500000000e+00, v6;
	_ =	sdelay $0x1  }
0x10b: {  	v31 =	vld.idx.msk [tilespmem:v7+s20+$0x0], $0xffff;
	v3 =	vmul.f32 v3, v6  }
0x10c: {  	v6 =	vld.idx.msk [tilespmem:v7+s19+$0x0], $0xffff  }
0x10d: {  	v5 =	vmul.f32 v3, v5  }
0x10e: {  	v41 =	vor.u32 $0x4, v4  }
0x10f: {  	v5 =	vmul.f32 v5, v3  }
0x110: {  	v7 =	vadd.f32 $1.000000000e+00, v2  }
0x111: {  	v6 =	vadd.f32 v31, v6;
	v5 =	vsub.f32 $1.500000000e+00, v5  }
0x112: {  	v34 =	vmul.f32 v2, v2;
	v32 =	vshrl.u32 v7, $0x1;
	v7 =	vmul.f32 $5.000000000e-01, v7  }
0x113: {  	v45 =	vld.idx.msk [tilespmem:v41+s19+$0x0], $0xffff;
	v9 =	vsub.s32 $0x5F3759DF, v32;
	v3 =	vmul.f32 v5, v3;
	v5 =	vadd.f32 $9.999999710e-10, v6  }
0x114: {  	v14 =	vld.idx.msk [tilespmem:v41+s20+$0x0], $0xffff;
	v35 =	vmul.f32 v34, v2;
	v33 =	vmul.f32 v9, v7  }
0x115: {  	v2 =	vmul.f32 v3, v2;
	v5 =	vmul.f32 $2.134320020e+00, v5  }
0x116: {  	v6 =	vmul.f32 v9, v33  }
0x117: {  	v5 =	vmul.f32 v2, v5  }
0x118: {  	v6 =	vsub.f32 $1.500000000e+00, v6  }
0x119: {  	v14 =	vmul.f32 v14, v45;
	v37 =	vadd.f32 $-2.500000000e+00, v2;
	v39 =	vmul.f32 $-3.199800010e+00, v5  }
0x11a: {  	v6 =	vmul.f32 v9, v6;
	v40 =	vmul.f32 $-9.422900080e-01, v5  }
0x11b: {  	v10 =	vmul.f32 $2.000000030e-01, v37;
	v12 =	vmul.f32 $1.442695020e+00, v39  }
0x11c: {  	v8 =	vadd.f32 $1.000000000e+00, v35;
	v42 =	vmul.f32 $-4.029000100e-01, v5;
	v13 =	vmul.f32 $1.442695020e+00, v40  }
0x11d: {  	v5 =	vmul.f32 $-2.016199980e-01, v5;
	v10 =	vmax.f32 v10, $0.0e+00;
	(erf) = vpow2.f32 v12  }
0x11e: {  	v43 =	vmul.f32 $1.442695020e+00, v42;
	v10 =	vmin.f32 v10, $1.000000000e+00;
	(erf) = vpow2.f32 v13  }
0x11f: {  	v46 =	vor.u32 $0x5, v4;
	v7 =	vmul.f32 v6, v7;
	v44 =	vmul.f32 $6.000000000e+00, v10  }
0x120: {  	v36 =	vsub.s32 $0x7EF311C3, v8;
	v5 =	vmul.f32 $1.442695020e+00, v5;
	(erf) = vpow2.f32 v43  }
0x121: {  	v38 =	vmul.f32 v36, v8;
	v7 =	vmul.f32 v7, v6;
	v13 =	vadd.f32 $-1.500000000e+01, v44  }
0x122: {  	v4 =	vor.u32 $0x3, v4;
	v47 =	vmul.f32 $1.000000010e-01, v2;
	(erf) = vpow2.f32 v5  }
0x123: {  	v7 =	vsub.f32 $1.500000000e+00, v7;
	v5 =	vmul.f32 v10, v10;
	v13 =	vmul.f32 v13, v10  }
0x124: {  	v11 =	vsub.f32 $2.000000000e+00, v38;
	v58 =	vmul.f32 $9.999999770e-03, v2;
	v49 =	vmul.f32 $6.000000000e+00, v47  }
0x125: {  	v6 =	vmul.f32 v7, v6;
	v5 =	vmul.f32 v5, v10;
	v48 =	vadd.f32 $1.000000000e+01, v13  }
0x126: {  	v50 =	vld.idx.msk [tilespmem:v46+s19+$0x0], $0xffff;
	v53 =	vmul.f32 v47, v47;
	v7 =	vmul.f32 v36, v11;
	v52 =	vpop (erf)  }
0x127: {  	v12 =	vld.idx.msk [tilespmem:v46+s20+$0x0], $0xffff;
	v51 =	vsub.f32 v3, v6;
	v10 =	vadd.f32 $-1.500000000e+01, v49;
	v5 =	vmul.f32 v48, v5;
	v54 =	vpop (erf)  }
0x128: {  	s9 =	simm.s32 $0x20;
	v15 =	vmul.f32 $1.817500000e-01, v52;
	v17 =	vmul.f32 $5.098599790e-01, v54  }
0x129: {  	v55 =	vmov s9;
	v10 =	vmul.f32 v10, v47;
	v5 =	vmul.f32 v5, v51;
	v56 =	vpop (erf)  }
0x12a: {  	v57 =	vld.idx.msk [tilespmem:v4+s19+$0x0], $0xffff;
	v8 =	vmul.f32 v7, v8;
	v13 =	vmul.f32 $2.802200020e-01, v56;
	v15 =	vadd.f32 v17, v15  }
0x12b: {  	v4 =	vld.idx.msk [tilespmem:v4+s20+$0x0], $0xffff;
	v59 =	vadd.f32 $1.000000000e+01, v10;
	v5 =	vadd.f32 v5, v6;
	v6 =	vmul.f32 v53, v47;
	v60 =	vpop (erf)  }
0x12c: {  	v11 =	vmul.f32 v12, v50;
	v10 =	vmul.f32 $2.817000080e-02, v60;
	v13 =	vadd.f32 v15, v13  }
0x12d: {  	v8 =	vsub.f32 $2.000000000e+00, v8;
	v5 =	vadd.f32 v5, v58;
	v6 =	vmul.f32 v59, v6  }
0x12e: {  	v61 =	vmul.f32 $5.000000000e-01, v14;
	v3 =	vmul.f32 v3, v11;
	v10 =	vadd.f32 v13, v10  }
0x12f: {  	v7 =	vmul.f32 v8, v7;
	v5 =	vadd.f32 $-2.000000030e-01, v5;
	v6 =	vsub.f32 $1.000000000e+00, v6  }
0x130: {  	vm15 =	vlt.f32 v2, $1.000000000e+01;
	v2 =	vmul.f32 v4, v57;
	v3 =	vmul.f32 v10, v3  }
0x131: {  	v4 =	vnsel vm15, $0x0, v5;
	v5 =	vnsel vm15, $0x0, v6;
	v6 =	vmul.f32 v7, v61  }
0x132: {  	v7 =	vshll.u32 v55, $0x3;
	v62 =	vmul.f32 v4, v2;
	v63 =	vmul.f32 v3, v5  }
0x133: {  	v2 =	vor.u32 v1, v7  }
0x134: {  	v4 =	vmul.f32 v5, v6;
	v3 =	vor.u32 $0x1, v2;
	v5 =	vadd.f32 v62, v63  }
0x135: {  	s16 =	simm.s32 $0x30  }
.LBB2_6:
0x136: {  	p1 =	sne.s32 s16, $0x3F0;
	v4 =	vsub.f32 v5, v4  }
0x137: {  	s1 =	sadd.s32 $0x10, s1  }
0x138: {  	v5 =	vor.u32 $0x2, v2;
	[tilespmem:s1+$0x0] =	vst v4  }
0x139: {  	v4 =	vld.idx.msk [tilespmem:v3+s20+$0x0], $0xffff  }
0x13a: {  	v3 =	vld.idx.msk [tilespmem:v3+s19+$0x0], $0xffff  }
0x13b: {  	v6 =	vld.idx.msk [tilespmem:v2+s20+$0x0], $0xffff  }
0x13c: {  	v7 =	vld.idx.msk [tilespmem:v2+s19+$0x0], $0xffff  }
0x13d: {  	v8 =	vld.idx.msk [tilespmem:v5+s20+$0x0], $0xffff  }
0x13e: {  	v5 =	vld.idx.msk [tilespmem:v5+s19+$0x0], $0xffff;
	_ =	sdelay $0x3  }
0x13f: {  	v3 =	vsub.f32 v4, v3;
	v6 =	vsub.f32 v6, v7;
	_ =	sdelay $0x1  }
0x140: {  	v3 =	vmul.f32 v3, v3;
	v4 =	vsub.f32 v8, v5;
	v5 =	vmul.f32 v6, v6;
	_ =	sdelay $0x1  }
0x141: {  	v3 =	vadd.f32 v3, v5;
	v4 =	vmul.f32 v4, v4;
	_ =	sdelay $0x1  }
0x142: {  	v3 =	vadd.f32 v4, v3;
	_ =	sdelay $0x1  }
0x143: {  	v4 =	vshrl.u32 v3, $0x1;
	v5 =	vmul.f32 $5.000000000e-01, v3  }
0x144: {  	v4 =	vsub.s32 $0x5F3759DF, v4  }
0x145: {  	v6 =	vor.u32 $0x6, v2;
	v7 =	vmul.f32 v4, v5;
	_ =	sdelay $0x1  }
0x146: {  	v7 =	vmul.f32 v4, v7;
	_ =	sdelay $0x1  }
0x147: {  	v7 =	vsub.f32 $1.500000000e+00, v7  }
0x148: {  	v8 =	vld.idx.msk [tilespmem:v6+s20+$0x0], $0xffff  }
0x149: {  	v4 =	vmul.f32 v4, v7;
	v6 =	vld.idx.msk [tilespmem:v6+s19+$0x0], $0xffff;
	_ =	sdelay $0x1  }
0x14a: {  	v5 =	vmul.f32 v4, v5  }
0x14b: {  	v7 =	vadd.f32 $1.000000000e+00, v3  }
0x14c: {  	v5 =	vmul.f32 v5, v4  }
0x14d: {  	v9 =	vshrl.u32 v7, $0x1;
	v7 =	vmul.f32 $5.000000000e-01, v7  }
0x14e: {  	v9 =	vsub.s32 $0x5F3759DF, v9;
	v5 =	vsub.f32 $1.500000000e+00, v5;
	v6 =	vadd.f32 v8, v6  }
0x14f: {  	v10 =	vmul.f32 v3, v3;
	v8 =	vmul.f32 v9, v7  }
0x150: {  	v4 =	vmul.f32 v5, v4;
	v5 =	vadd.f32 $9.999999710e-10, v6  }
0x151: {  	v6 =	vmul.f32 v9, v8;
	v8 =	vmul.f32 v10, v3  }
0x152: {  	v3 =	vmul.f32 v4, v3;
	v5 =	vmul.f32 $2.134320020e+00, v5  }
0x153: {  	v6 =	vsub.f32 $1.500000000e+00, v6;
	v8 =	vadd.f32 $1.000000000e+00, v8  }
0x154: {  	v5 =	vmul.f32 v3, v5  }
0x155: {  	v6 =	vmul.f32 v9, v6;
	v9 =	vsub.s32 $0x7EF311C3, v8  }
0x156: {  	v10 =	vadd.f32 $-2.500000000e+00, v3;
	v11 =	vmul.f32 v9, v8;
	v12 =	vmul.f32 $-3.199800010e+00, v5  }
0x157: {  	v13 =	vor.u32 $0x4, v2;
	v7 =	vmul.f32 v6, v7;
	v14 =	vmul.f32 $-9.422900080e-01, v5  }
0x158: {  	v10 =	vmul.f32 $2.000000030e-01, v10;
	v12 =	vmul.f32 $1.442695020e+00, v12  }
0x159: {  	v15 =	vmul.f32 $-4.029000100e-01, v5;
	v14 =	vmul.f32 $1.442695020e+00, v14  }
0x15a: {  	v5 =	vmul.f32 $-2.016199980e-01, v5;
	v10 =	vmax.f32 v10, $0.0e+00;
	(erf) = vpow2.f32 v12  }
0x15b: {  	v10 =	vmin.f32 v10, $1.000000000e+00;
	v12 =	vmul.f32 $1.442695020e+00, v15;
	(erf) = vpow2.f32 v14  }
0x15c: {  	v7 =	vmul.f32 v7, v6;
	v15 =	vmul.f32 $6.000000000e+00, v10;
	v14 =	vld.idx.msk [tilespmem:v13+s19+$0x0], $0xffff  }
0x15d: {  	v16 =	vor.u32 $0x5, v2;
	v5 =	vmul.f32 $1.442695020e+00, v5;
	v13 =	vld.idx.msk [tilespmem:v13+s20+$0x0], $0xffff;
	(erf) = vpow2.f32 v12  }
0x15e: {  	v11 =	vsub.f32 $2.000000000e+00, v11;
	v12 =	vadd.f32 $-1.500000000e+01, v15  }
0x15f: {  	v7 =	vsub.f32 $1.500000000e+00, v7;
	v15 =	vmul.f32 $1.000000010e-01, v3;
	(erf) = vpow2.f32 v5  }
0x160: {  	v5 =	vmul.f32 v10, v10;
	v12 =	vmul.f32 v12, v10  }
0x161: {  	v2 =	vor.u32 $0x3, v2;
	v6 =	vmul.f32 v7, v6;
	v7 =	vmul.f32 v9, v11  }
0x162: {  	v11 =	vmul.f32 $6.000000000e+00, v15;
	v5 =	vmul.f32 v5, v10;
	v10 =	vadd.f32 $1.000000000e+01, v12;
	v9 =	vld.idx.msk [tilespmem:v16+s19+$0x0], $0xffff  }
0x163: {  	v20 =	vsub.f32 v4, v6;
	v8 =	vmul.f32 v7, v8;
	v13 =	vmul.f32 v13, v14;
	v12 =	vld.idx.msk [tilespmem:v16+s20+$0x0], $0xffff;
	v14 =	vpop (erf)  }
0x164: {  	v11 =	vadd.f32 $-1.500000000e+01, v11;
	v5 =	vmul.f32 v10, v5;
	v10 =	vmul.f32 v15, v15;
	v17 =	vpop (erf)  }
0x165: {  	v14 =	vmul.f32 $1.817500000e-01, v14;
	v17 =	vmul.f32 $5.098599790e-01, v17  }
0x166: {  	v18 =	vmov s16;
	v21 =	vmul.f32 v11, v15;
	v5 =	vmul.f32 v5, v20;
	v19 =	vld.idx.msk [tilespmem:v2+s19+$0x0], $0xffff;
	v16 =	vpop (erf)  }
0x167: {  	v20 =	vmul.f32 $9.999999770e-03, v3;
	v2 =	vld.idx.msk [tilespmem:v2+s20+$0x0], $0xffff;
	v14 =	vadd.f32 v17, v14;
	v16 =	vmul.f32 $2.802200020e-01, v16  }
0x168: {  	v5 =	vadd.f32 v5, v6;
	v6 =	vmul.f32 v10, v15;
	v10 =	vadd.f32 $1.000000000e+01, v21;
	v11 =	vpop (erf)  }
0x169: {  	v9 =	vmul.f32 v12, v9;
	v14 =	vadd.f32 v14, v16;
	v11 =	vmul.f32 $2.817000080e-02, v11  }
0x16a: {  	v8 =	vsub.f32 $2.000000000e+00, v8;
	v5 =	vadd.f32 v5, v20;
	v6 =	vmul.f32 v10, v6  }
0x16b: {  	v10 =	vmul.f32 $5.000000000e-01, v13;
	v4 =	vmul.f32 v4, v9;
	v11 =	vadd.f32 v14, v11  }
0x16c: {  	v7 =	vmul.f32 v8, v7;
	v5 =	vadd.f32 $-2.000000030e-01, v5;
	v6 =	vsub.f32 $1.000000000e+00, v6  }
0x16d: {  	vm0 =	vlt.f32 v3, $1.000000000e+01;
	v2 =	vmul.f32 v2, v19;
	v3 =	vmul.f32 v11, v4  }
.Ltmp6:
0x16e: {  	v4 =	vnsel vm0, $0x0, v5;
	v5 =	vnsel vm0, $0x0, v6;
	v6 =	vmul.f32 v7, v10;
	(pc) =	sbr.rel @p1 .LBB2_6-.Ltmp6, $4  }
0x16f: {  	v7 =	vshll.u32 v18, $0x3;
	v8 =	vmul.f32 v4, v2;
	v9 =	vmul.f32 v3, v5  }
0x170: {  	v2 =	vor.u32 v1, v7  }
0x171: {  	v3 =	vor.u32 $0x1, v2;
	v4 =	vmul.f32 v5, v6;
	v5 =	vadd.f32 v8, v9  }
0x172: {  	s16 =	sadd.s32 $0x10, s16  }
0x173: {  	_ = 	snop  }
0x174: {  	v4 =	vsub.f32 v5, v4  }
0x175: {  	s1 =	sadd.s32 $0x10, s1  }
0x176: {  	v28 =	vor.u32 $0x2, v2;
	[tilespmem:s1+$0x0] =	vst v4  }
0x177: {  	v4 =	vld.idx.msk [tilespmem:v3+s20+$0x0], $0xffff  }
0x178: {  	v3 =	vld.idx.msk [tilespmem:v3+s19+$0x0], $0xffff  }
0x179: {  	v6 =	vld.idx.msk [tilespmem:v2+s20+$0x0], $0xffff  }
0x17a: {  	v7 =	vld.idx.msk [tilespmem:v2+s19+$0x0], $0xffff  }
0x17b: {  	v8 =	vld.idx.msk [tilespmem:v28+s20+$0x0], $0xffff  }
0x17c: {  	v5 =	vld.idx.msk [tilespmem:v28+s19+$0x0], $0xffff;
	_ =	sdelay $0x2  }
0x17d: {  	v6 =	vsub.f32 v6, v7;
	v3 =	vsub.f32 v4, v3;
	_ =	sdelay $0x1  }
0x17e: {  	v29 =	vsub.f32 v8, v5;
	v30 =	vmul.f32 v6, v6;
	v3 =	vmul.f32 v3, v3;
	_ =	sdelay $0x1  }
0x17f: {  	v3 =	vadd.f32 v3, v30;
	v4 =	vmul.f32 v29, v29;
	_ =	sdelay $0x1  }
0x180: {  	v3 =	vadd.f32 v4, v3;
	_ =	sdelay $0x1  }
0x181: {  	v4 =	vshrl.u32 v3, $0x1;
	v31 =	vmul.f32 $5.000000000e-01, v3  }
0x182: {  	v4 =	vsub.s32 $0x5F3759DF, v4  }
0x183: {  	v32 =	vmul.f32 v4, v31  }
0x184: {  	v33 =	vor.u32 $0x6, v2  }
0x185: {  	v6 =	vmul.f32 v4, v32;
	_ =	sdelay $0x1  }
0x186: {  	v6 =	vsub.f32 $1.500000000e+00, v6;
	_ =	sdelay $0x1  }
0x187: {  	v34 =	vld.idx.msk [tilespmem:v33+s20+$0x0], $0xffff;
	v4 =	vmul.f32 v4, v6  }
0x188: {  	v35 =	vld.idx.msk [tilespmem:v33+s19+$0x0], $0xffff  }
0x189: {  	v5 =	vmul.f32 v4, v31  }
0x18a: {  	v36 =	vadd.f32 $1.000000000e+00, v3  }
0x18b: {  	v5 =	vmul.f32 v5, v4  }
0x18c: {  	v9 =	vshrl.u32 v36, $0x1;
	v7 =	vmul.f32 $5.000000000e-01, v36  }
0x18d: {  	v9 =	vsub.s32 $0x5F3759DF, v9;
	v6 =	vadd.f32 v34, v35;
	v5 =	vsub.f32 $1.500000000e+00, v5  }
0x18e: {  	v10 =	vmul.f32 v3, v3;
	v37 =	vmul.f32 v9, v7  }
0x18f: {  	v38 =	vadd.f32 $9.999999710e-10, v6;
	v4 =	vmul.f32 v5, v4  }
0x190: {  	v40 =	vmul.f32 v10, v3;
	v39 =	vmul.f32 v9, v37  }
0x191: {  	v5 =	vmul.f32 $2.134320020e+00, v38;
	v3 =	vmul.f32 v4, v3  }
0x192: {  	v8 =	vadd.f32 $1.000000000e+00, v40;
	v6 =	vsub.f32 $1.500000000e+00, v39  }
0x193: {  	v5 =	vmul.f32 v3, v5  }
0x194: {  	v41 =	vsub.s32 $0x7EF311C3, v8;
	v6 =	vmul.f32 v9, v6  }
0x195: {  	v11 =	vmul.f32 v41, v8;
	v42 =	vadd.f32 $-2.500000000e+00, v3;
	v12 =	vmul.f32 $-3.199800010e+00, v5  }
0x196: {  	v7 =	vmul.f32 v6, v7;
	v13 =	vmul.f32 $-9.422900080e-01, v5  }
0x197: {  	v14 =	vor.u32 $0x4, v2;
	v10 =	vmul.f32 $2.000000030e-01, v42;
	v12 =	vmul.f32 $1.442695020e+00, v12  }
0x198: {  	v15 =	vmul.f32 $-4.029000100e-01, v5;
	v13 =	vmul.f32 $1.442695020e+00, v13  }
0x199: {  	v5 =	vmul.f32 $-2.016199980e-01, v5;
	v10 =	vmax.f32 v10, $0.0e+00;
	(erf) = vpow2.f32 v12  }
0x19a: {  	v43 =	vmul.f32 $1.442695020e+00, v15;
	v10 =	vmin.f32 v10, $1.000000000e+00;
	(erf) = vpow2.f32 v13  }
0x19b: {  	v7 =	vmul.f32 v7, v6;
	v44 =	vmul.f32 $6.000000000e+00, v10  }
0x19c: {  	v45 =	vld.idx.msk [tilespmem:v14+s19+$0x0], $0xffff;
	v5 =	vmul.f32 $1.442695020e+00, v5;
	(erf) = vpow2.f32 v43  }
0x19d: {  	v46 =	vor.u32 $0x5, v2;
	v14 =	vld.idx.msk [tilespmem:v14+s20+$0x0], $0xffff;
	v11 =	vsub.f32 $2.000000000e+00, v11;
	v13 =	vadd.f32 $-1.500000000e+01, v44  }
0x19e: {  	v7 =	vsub.f32 $1.500000000e+00, v7;
	v16 =	vmul.f32 $1.000000010e-01, v3;
	(erf) = vpow2.f32 v5  }
0x19f: {  	v47 =	vmul.f32 v10, v10;
	v13 =	vmul.f32 v13, v10  }
0x1a0: {  	v2 =	vor.u32 $0x3, v2;
	v48 =	vmul.f32 v41, v11;
	v6 =	vmul.f32 v7, v6  }
0x1a1: {  	v50 =	vmul.f32 $6.000000000e+00, v16;
	v5 =	vmul.f32 v47, v10;
	v49 =	vadd.f32 $1.000000000e+01, v13  }
0x1a2: {  	v51 =	vld.idx.msk [tilespmem:v46+s19+$0x0], $0xffff;
	v14 =	vmul.f32 v14, v45;
	v8 =	vmul.f32 v48, v8;
	v52 =	vsub.f32 v4, v6;
	v53 =	vpop (erf)  }
0x1a3: {  	v54 =	vmul.f32 v16, v16;
	v12 =	vld.idx.msk [tilespmem:v46+s20+$0x0], $0xffff;
	v10 =	vadd.f32 $-1.500000000e+01, v50;
	v5 =	vmul.f32 v49, v5;
	v17 =	vpop (erf)  }
0x1a4: {  	v15 =	vmul.f32 $1.817500000e-01, v53;
	v17 =	vmul.f32 $5.098599790e-01, v17  }
0x1a5: {  	v10 =	vmul.f32 v10, v16;
	v5 =	vmul.f32 v5, v52;
	v55 =	vpop (erf)  }
0x1a6: {  	v18 =	vld.idx.msk [tilespmem:v2+s19+$0x0], $0xffff;
	v19 =	vmul.f32 $9.999999770e-03, v3;
	v13 =	vmul.f32 $2.802200020e-01, v55;
	v15 =	vadd.f32 v17, v15  }
0x1a7: {  	v2 =	vld.idx.msk [tilespmem:v2+s20+$0x0], $0xffff;
	v56 =	vmul.f32 v54, v16;
	v57 =	vadd.f32 $1.000000000e+01, v10;
	v5 =	vadd.f32 v5, v6;
	v58 =	vpop (erf)  }
0x1a8: {  	v11 =	vmul.f32 v12, v51;
	v10 =	vmul.f32 $2.817000080e-02, v58;
	v13 =	vadd.f32 v15, v13  }
0x1a9: {  	v8 =	vsub.f32 $2.000000000e+00, v8;
	v6 =	vmul.f32 v57, v56;
	v5 =	vadd.f32 v5, v19  }
0x1aa: {  	v59 =	vmul.f32 $5.000000000e-01, v14;
	v4 =	vmul.f32 v4, v11;
	v10 =	vadd.f32 v13, v10  }
0x1ab: {  	v7 =	vmul.f32 v8, v48;
	v6 =	vsub.f32 $1.000000000e+00, v6;
	v5 =	vadd.f32 $-2.000000030e-01, v5  }
0x1ac: {  	v2 =	vmul.f32 v2, v18;
	vm0 =	vlt.f32 v3, $1.000000000e+01;
	v3 =	vmul.f32 v10, v4  }
0x1ad: {  	v62 =	vmul.f32 v7, v59;
	v61 =	vnsel vm0, $0x0, v6;
	v60 =	vnsel vm0, $0x0, v5  }
0x1ae: {  	v2 =	vmul.f32 v60, v2;
	v3 =	vmul.f32 v3, v61;
	_ =	sdelay $0x1  }
0x1af: {  	v63 =	vmul.f32 v61, v62;
	v2 =	vadd.f32 v2, v3;
	_ =	sdelay $0x1  }
0x1b0: {  	v2 =	vsub.f32 v2, v63  }
0x1b1: {  	s1 =	sadd.s32 $0x10, s1  }
0x1b2: {  	s16 =	simm.s32 $0x0;
	s9 =	simm.s32 $0x4800;
	[tilespmem:s1+$0x0] =	vst v2  }
0x1b3: {  	[spmem:s4] =	stream.indirect.scatter.add.f32 [tilespmem:s9], [sflag:$0x3], $0x1, s16, s18, $0xb8;
	[tilespmem:$0xC900] =	vst v63  }
0x1b4: {  	s16 =	simm.s32 $0x4880  }
0x1b5: {  	[spmem:s4] =	stream.indirect.scatter.add.f32 [tilespmem:s16], [sflag:$0x3], $0x1, s18, s18, $0xb8;
	[tilespmem:$0xC900] =	vst v63  }
0x1b6: {  	s9 =	simm.s32 $0x4900  }
0x1b7: {  	[spmem:s4] =	stream.indirect.scatter.add.f32 [tilespmem:s9], [sflag:$0x3], $0x1, s24, s18, $0xb8;
	[tilespmem:$0xC900] =	vst v63  }
0x1b8: {  	s16 =	simm.s32 $0x4980  }
0x1b9: {  	[spmem:s4] =	stream.indirect.scatter.add.f32 [tilespmem:s16], [sflag:$0x3], $0x1, s29, s18, $0xb8;
	[tilespmem:$0xC900] =	vst v63  }
0x1ba: {  	s9 =	simm.s32 $0x4A00  }
0x1bb: {  	[spmem:s4] =	stream.indirect.scatter.add.f32 [tilespmem:s9], [sflag:$0x3], $0x1, s14, s18, $0xb8;
	[tilespmem:$0xC900] =	vst v63  }
0x1bc: {  	s16 =	simm.s32 $0x4A80  }
0x1bd: {  	[spmem:s4] =	stream.indirect.scatter.add.f32 [tilespmem:s16], [sflag:$0x3], $0x1, s25, s18, $0xb8;
	[tilespmem:$0xC900] =	vst v63  }
0x1be: {  	s9 =	simm.s32 $0x4B00  }
0x1bf: {  	[spmem:s4] =	stream.indirect.scatter.add.f32 [tilespmem:s9], [sflag:$0x3], $0x1, s31, s18, $0xb8;
	[tilespmem:$0xC900] =	vst v63  }
0x1c0: {  	s16 =	simm.s32 $0x4B80  }
0x1c1: {  	[spmem:s4] =	stream.indirect.scatter.add.f32 [tilespmem:s16], [sflag:$0x3], $0x1, s23, s18, $0xb8;
	[tilespmem:$0xC900] =	vst v63  }
0x1c2: {  	_ =	swait.ge [sflag:s10], $0x80  }
0x1c3: {  	[sflag:s10] =	ssyncset.done $0x0  }
0x1c4: {  	[sflag:s10] =	ssyncadd.s32 $0xFFFFFF80  }
0x1c5: {  	_ =	swait.ge [sflag:s10], $0x80  }
0x1c6: {  	[sflag:s10] =	ssyncset.done $0x0  }
0x1c7: {  	[sflag:s10] =	ssyncadd.s32 $0xFFFFFF80  }
0x1c8: {  	_ =	swait.ge [sflag:s10], $0x80  }
0x1c9: {  	[sflag:s10] =	ssyncset.done $0x0  }
0x1ca: {  	[sflag:s10] =	ssyncadd.s32 $0xFFFFFF80  }
0x1cb: {  	_ =	swait.ge [sflag:s10], $0x80  }
0x1cc: {  	[sflag:s10] =	ssyncset.done $0x0  }
0x1cd: {  	[sflag:s10] =	ssyncadd.s32 $0xFFFFFF80  }
0x1ce: {  	_ =	swait.ge [sflag:s10], $0x80  }
0x1cf: {  	[sflag:s10] =	ssyncset.done $0x0  }
0x1d0: {  	[sflag:s10] =	ssyncadd.s32 $0xFFFFFF80  }
0x1d1: {  	_ =	swait.ge [sflag:s10], $0x80  }
0x1d2: {  	[sflag:s10] =	ssyncset.done $0x0  }
0x1d3: {  	[sflag:s10] =	ssyncadd.s32 $0xFFFFFF80  }
0x1d4: {  	_ =	swait.ge [sflag:s10], $0x80  }
0x1d5: {  	[sflag:s10] =	ssyncset.done $0x0  }
0x1d6: {  	[sflag:s10] =	ssyncadd.s32 $0xFFFFFF80  }
0x1d7: {  	_ =	swait.ge [sflag:s10], $0x80  }
0x1d8: {  	[sflag:s10] =	ssyncset.done $0x0  }
0x1d9: {  	[sflag:s10] =	ssyncadd.s32 $0xFFFFFF80  }
.LBB2_8:
0x1da: {  	s1 =	sadd.s32 $0x2, s30  }
0x1db: {  	p1 =	sge.u32 s1, s8  }
0x1dc: {  	s1 =	sshll.u32 @!p1 s1, $0xA  }
0x1dd: {  	s1 =	sadd.s32 @!p1 s11, s1  }
0x1de: {  	s1 =	sshrl.u32 @!p1 s1, $0x3  }
0x1df: {  	s16 =	simm.s32 @!p1 $0x0;
	s9 =	sadd.s32 @!p1 s2, s1  }
0x1e0: {  	[tilespmem:s16], [sflag:$0x1] =	stream.linear.gather @!p1 [hbm4b:s9+s16], $0x400, $0x38;
	[tilespmem:$0xC900] =	vst v63  }
0x1e1: {  	s1 =	sadd.s32 @!p1 s3, s1;
	s9 =	simm.s32 @!p1 $0x400  }
0x1e2: {  	[tilespmem:s9], [sflag:$0x1] =	stream.linear.gather @!p1 [hbm4b:s1+s16], $0x400, $0x38;
	[tilespmem:$0xC900] =	vst v63  }
0x1e3: {  	s1 =	simm.s32 @!p1 $0x1  }
0x1e4: {  	_ =	swait.ge @!p1 [sflag:s1], $0x400  }
0x1e5: {  	[sflag:s1] =	ssyncset.done @!p1 $0x0  }
0x1e6: {  	[sflag:s1] =	ssyncadd.s32 @!p1 $0xFFFFFC00  }
0x1e7: {  	_ =	swait.ge @!p1 [sflag:s1], $0x400  }
0x1e8: {  	[sflag:s1] =	ssyncset.done @!p1 $0x0  }
0x1e9: {  	s30 =	simm.s32 @!p1 $0x800;
	[sflag:s1] =	ssyncadd.s32 @!p1 $0xFFFFFC00;
	s1 =	simm.s32 @!p1 $0x80  }
0x1ea: {  	[tilespmem:s30], [sflag:$0x2] =	stream.indirect.gather @!p1 [hbm4b:s6+s1], $0x8, s16, s1, $0xb8;
	[tilespmem:$0xC900] =	vst v63  }
0x1eb: {  	s16 =	simm.s32 @!p1 $0x2800  }
0x1ec: {  	[tilespmem:s16], [sflag:$0x2] =	stream.indirect.gather @!p1 [hbm4b:s6+s1], $0x8, s9, s1, $0xb8;
	[tilespmem:$0xC900] =	vst v63  }
0x1ed: {  	s9 =	simm.s32 @!p1 $0xC00  }
0x1ee: {  	[tilespmem:s9], [sflag:$0x2] =	stream.indirect.gather @!p1 [hbm4b:s6+s1], $0x8, s1, s1, $0xb8;
	[tilespmem:$0xC900] =	vst v63  }
0x1ef: {  	s16 =	simm.s32 @!p1 $0x2C00;
	s9 =	simm.s32 @!p1 $0x480  }
0x1f0: {  	[tilespmem:s16], [sflag:$0x2] =	stream.indirect.gather @!p1 [hbm4b:s6+s1], $0x8, s9, s1, $0xb8;
	[tilespmem:$0xC900] =	vst v63  }
0x1f1: {  	s9 =	simm.s32 @!p1 $0x100;
	s16 =	simm.s32 @!p1 $0x1000  }
0x1f2: {  	[tilespmem:s16], [sflag:$0x2] =	stream.indirect.gather @!p1 [hbm4b:s6+s1], $0x8, s9, s1, $0xb8;
	[tilespmem:$0xC900] =	vst v63  }
0x1f3: {  	s9 =	simm.s32 @!p1 $0x500;
	s16 =	simm.s32 @!p1 $0x3000  }
0x1f4: {  	[tilespmem:s16], [sflag:$0x2] =	stream.indirect.gather @!p1 [hbm4b:s6+s1], $0x8, s9, s1, $0xb8;
	[tilespmem:$0xC900] =	vst v63  }
0x1f5: {  	s9 =	simm.s32 @!p1 $0x180;
	s16 =	simm.s32 @!p1 $0x1400  }
0x1f6: {  	[tilespmem:s16], [sflag:$0x2] =	stream.indirect.gather @!p1 [hbm4b:s6+s1], $0x8, s9, s1, $0xb8;
	[tilespmem:$0xC900] =	vst v63  }
0x1f7: {  	s9 =	simm.s32 @!p1 $0x580;
	s16 =	simm.s32 @!p1 $0x3400  }
0x1f8: {  	[tilespmem:s16], [sflag:$0x2] =	stream.indirect.gather @!p1 [hbm4b:s6+s1], $0x8, s9, s1, $0xb8;
	[tilespmem:$0xC900] =	vst v63  }
0x1f9: {  	s9 =	simm.s32 @!p1 $0x200;
	s16 =	simm.s32 @!p1 $0x1800  }
0x1fa: {  	[tilespmem:s16], [sflag:$0x2] =	stream.indirect.gather @!p1 [hbm4b:s6+s1], $0x8, s9, s1, $0xb8;
	[tilespmem:$0xC900] =	vst v63  }
0x1fb: {  	s9 =	simm.s32 @!p1 $0x600;
	s16 =	simm.s32 @!p1 $0x3800  }
0x1fc: {  	[tilespmem:s16], [sflag:$0x2] =	stream.indirect.gather @!p1 [hbm4b:s6+s1], $0x8, s9, s1, $0xb8;
	[tilespmem:$0xC900] =	vst v63  }
0x1fd: {  	s9 =	simm.s32 @!p1 $0x280;
	s16 =	simm.s32 @!p1 $0x1C00  }
0x1fe: {  	[tilespmem:s16], [sflag:$0x2] =	stream.indirect.gather @!p1 [hbm4b:s6+s1], $0x8, s9, s1, $0xb8;
	[tilespmem:$0xC900] =	vst v63  }
0x1ff: {  	s9 =	simm.s32 @!p1 $0x680;
	s16 =	simm.s32 @!p1 $0x3C00  }
0x200: {  	[tilespmem:s16], [sflag:$0x2] =	stream.indirect.gather @!p1 [hbm4b:s6+s1], $0x8, s9, s1, $0xb8;
	[tilespmem:$0xC900] =	vst v63  }
0x201: {  	s9 =	simm.s32 @!p1 $0x300;
	s16 =	simm.s32 @!p1 $0x2000  }
0x202: {  	[tilespmem:s16], [sflag:$0x2] =	stream.indirect.gather @!p1 [hbm4b:s6+s1], $0x8, s9, s1, $0xb8;
	[tilespmem:$0xC900] =	vst v63  }
0x203: {  	s9 =	simm.s32 @!p1 $0x700;
	s16 =	simm.s32 @!p1 $0x4000  }
0x204: {  	[tilespmem:s16], [sflag:$0x2] =	stream.indirect.gather @!p1 [hbm4b:s6+s1], $0x8, s9, s1, $0xb8;
	[tilespmem:$0xC900] =	vst v63  }
.Ltmp7:
0x205: {  	_ = 	snop;
	(pc) =	sbr.rel @p0 .LBB2_12-.Ltmp7, $4  }
0x206: {  	s9 =	simm.s32 @!p1 $0x380;
	s16 =	simm.s32 @!p1 $0x2400  }
0x207: {  	[tilespmem:s16], [sflag:$0x2] =	stream.indirect.gather @!p1 [hbm4b:s6+s1], $0x8, s9, s1, $0xb8;
	[tilespmem:$0xC900] =	vst v63  }
0x208: {  	s9 =	simm.s32 @!p1 $0x780;
	s16 =	simm.s32 @!p1 $0x4400  }
0x209: {  	[tilespmem:s16], [sflag:$0x2] =	stream.indirect.gather @!p1 [hbm4b:s6+s1], $0x8, s9, s1, $0xb8;
	[tilespmem:$0xC900] =	vst v63  }
0x20a: {  	_ =	swait.ge [sflag:s12], $0x400  }
0x20b: {  	[sflag:s12] =	ssyncset.done $0x0  }
0x20c: {  	[sflag:s12] =	ssyncadd.s32 $0xFFFFFC00  }
0x20d: {  	_ =	swait.ge [sflag:s12], $0x400  }
0x20e: {  	[sflag:s12] =	ssyncset.done $0x0  }
0x20f: {  	[sflag:s12] =	ssyncadd.s32 $0xFFFFFC00  }
0x210: {  	_ =	swait.ge [sflag:s12], $0x400  }
0x211: {  	[sflag:s12] =	ssyncset.done $0x0  }
0x212: {  	[sflag:s12] =	ssyncadd.s32 $0xFFFFFC00  }
0x213: {  	_ =	swait.ge [sflag:s12], $0x400  }
0x214: {  	[sflag:s12] =	ssyncset.done $0x0  }
0x215: {  	[sflag:s12] =	ssyncadd.s32 $0xFFFFFC00  }
0x216: {  	_ =	swait.ge [sflag:s12], $0x400  }
0x217: {  	[sflag:s12] =	ssyncset.done $0x0  }
0x218: {  	[sflag:s12] =	ssyncadd.s32 $0xFFFFFC00  }
0x219: {  	_ =	swait.ge [sflag:s12], $0x400  }
0x21a: {  	[sflag:s12] =	ssyncset.done $0x0  }
0x21b: {  	[sflag:s12] =	ssyncadd.s32 $0xFFFFFC00  }
0x21c: {  	_ =	swait.ge [sflag:s12], $0x400  }
0x21d: {  	[sflag:s12] =	ssyncset.done $0x0  }
0x21e: {  	[sflag:s12] =	ssyncadd.s32 $0xFFFFFC00  }
0x21f: {  	_ =	swait.ge [sflag:s12], $0x400  }
0x220: {  	[sflag:s12] =	ssyncset.done $0x0  }
0x221: {  	[sflag:s12] =	ssyncadd.s32 $0xFFFFFC00  }
0x222: {  	_ =	swait.ge [sflag:s12], $0x400  }
0x223: {  	[sflag:s12] =	ssyncset.done $0x0  }
0x224: {  	[sflag:s12] =	ssyncadd.s32 $0xFFFFFC00  }
0x225: {  	_ =	swait.ge [sflag:s12], $0x400  }
0x226: {  	[sflag:s12] =	ssyncset.done $0x0  }
0x227: {  	[sflag:s12] =	ssyncadd.s32 $0xFFFFFC00  }
0x228: {  	_ =	swait.ge [sflag:s12], $0x400  }
0x229: {  	[sflag:s12] =	ssyncset.done $0x0  }
0x22a: {  	[sflag:s12] =	ssyncadd.s32 $0xFFFFFC00  }
0x22b: {  	_ =	swait.ge [sflag:s12], $0x400  }
0x22c: {  	[sflag:s12] =	ssyncset.done $0x0  }
0x22d: {  	[sflag:s12] =	ssyncadd.s32 $0xFFFFFC00  }
0x22e: {  	_ =	swait.ge [sflag:s12], $0x400  }
0x22f: {  	[sflag:s12] =	ssyncset.done $0x0  }
0x230: {  	[sflag:s12] =	ssyncadd.s32 $0xFFFFFC00  }
0x231: {  	s1 =	simm.s32 $0x0;
	_ =	swait.ge [sflag:s12], $0x400  }
0x232: {  	v2 =	vmov s1;
	[sflag:s12] =	ssyncset.done $0x0  }
0x233: {  	v2 =	vshll.u32 v2, $0x3;
	[sflag:s12] =	ssyncadd.s32 $0xFFFFFC00  }
0x234: {  	v2 =	vor.u32 v1, v2;
	_ =	swait.ge [sflag:s12], $0x400  }
0x235: {  	v3 =	vor.u32 $0x1, v2;
	[sflag:s12] =	ssyncset.done $0x0  }
0x236: {  	[sflag:s12] =	ssyncadd.s32 $0xFFFFFC00  }
0x237: {  	_ =	swait.ge [sflag:s12], $0x400  }
0x238: {  	[sflag:s12] =	ssyncset.done $0x0  }
0x239: {  	v4 =	vor.u32 $0x2, v2;
	[sflag:s12] =	ssyncadd.s32 $0xFFFFFC00  }
0x23a: {  	v5 =	vld.idx.msk [tilespmem:v3+s7+$0x0], $0xffff  }
0x23b: {  	v3 =	vld.idx.msk [tilespmem:v3+s13+$0x0], $0xffff  }
0x23c: {  	v6 =	vld.idx.msk [tilespmem:v2+s7+$0x0], $0xffff  }
0x23d: {  	v7 =	vld.idx.msk [tilespmem:v2+s13+$0x0], $0xffff  }
0x23e: {  	v8 =	vld.idx.msk [tilespmem:v4+s7+$0x0], $0xffff  }
0x23f: {  	v4 =	vld.idx.msk [tilespmem:v4+s13+$0x0], $0xffff;
	_ =	sdelay $0x2  }
0x240: {  	v6 =	vsub.f32 v6, v7;
	v3 =	vsub.f32 v5, v3;
	_ =	sdelay $0x1  }
0x241: {  	v4 =	vsub.f32 v8, v4;
	v5 =	vmul.f32 v6, v6;
	v3 =	vmul.f32 v3, v3;
	_ =	sdelay $0x1  }
0x242: {  	v4 =	vmul.f32 v4, v4;
	v3 =	vadd.f32 v3, v5;
	_ =	sdelay $0x1  }
0x243: {  	v3 =	vadd.f32 v4, v3;
	_ =	sdelay $0x1  }
0x244: {  	v4 =	vshrl.u32 v3, $0x1;
	v5 =	vmul.f32 $5.000000000e-01, v3  }
0x245: {  	v4 =	vsub.s32 $0x5F3759DF, v4  }
0x246: {  	v6 =	vmul.f32 v4, v5  }
0x247: {  	v7 =	vor.u32 $0x6, v2  }
0x248: {  	v6 =	vmul.f32 v4, v6;
	_ =	sdelay $0x1  }
0x249: {  	v6 =	vsub.f32 $1.500000000e+00, v6;
	_ =	sdelay $0x1  }
0x24a: {  	v52 =	vld.idx.msk [tilespmem:v7+s7+$0x0], $0xffff;
	v4 =	vmul.f32 v4, v6  }
0x24b: {  	v6 =	vld.idx.msk [tilespmem:v7+s13+$0x0], $0xffff  }
0x24c: {  	v5 =	vmul.f32 v4, v5  }
0x24d: {  	v14 =	vor.u32 $0x4, v2  }
0x24e: {  	v5 =	vmul.f32 v5, v4  }
0x24f: {  	v7 =	vadd.f32 $1.000000000e+00, v3  }
0x250: {  	v6 =	vadd.f32 v52, v6;
	v5 =	vsub.f32 $1.500000000e+00, v5  }
0x251: {  	v10 =	vmul.f32 v3, v3;
	v9 =	vshrl.u32 v7, $0x1;
	v7 =	vmul.f32 $5.000000000e-01, v7  }
0x252: {  	v59 =	vld.idx.msk [tilespmem:v14+s13+$0x0], $0xffff;
	v9 =	vsub.s32 $0x5F3759DF, v9;
	v4 =	vmul.f32 v5, v4;
	v5 =	vadd.f32 $9.999999710e-10, v6  }
0x253: {  	v14 =	vld.idx.msk [tilespmem:v14+s7+$0x0], $0xffff;
	v54 =	vmul.f32 v10, v3;
	v53 =	vmul.f32 v9, v7  }
0x254: {  	v3 =	vmul.f32 v4, v3;
	v5 =	vmul.f32 $2.134320020e+00, v5  }
0x255: {  	v6 =	vmul.f32 v9, v53  }
0x256: {  	v5 =	vmul.f32 v3, v5  }
0x257: {  	v6 =	vsub.f32 $1.500000000e+00, v6  }
0x258: {  	v14 =	vmul.f32 v14, v59;
	v56 =	vadd.f32 $-2.500000000e+00, v3;
	v12 =	vmul.f32 $-3.199800010e+00, v5  }
0x259: {  	v6 =	vmul.f32 v9, v6;
	v13 =	vmul.f32 $-9.422900080e-01, v5  }
0x25a: {  	v10 =	vmul.f32 $2.000000030e-01, v56;
	v12 =	vmul.f32 $1.442695020e+00, v12  }
0x25b: {  	v8 =	vadd.f32 $1.000000000e+00, v54;
	v15 =	vmul.f32 $-4.029000100e-01, v5;
	v13 =	vmul.f32 $1.442695020e+00, v13  }
0x25c: {  	v5 =	vmul.f32 $-2.016199980e-01, v5;
	v10 =	vmax.f32 v10, $0.0e+00;
	(erf) = vpow2.f32 v12  }
0x25d: {  	v57 =	vmul.f32 $1.442695020e+00, v15;
	v10 =	vmin.f32 v10, $1.000000000e+00;
	(erf) = vpow2.f32 v13  }
0x25e: {  	v60 =	vor.u32 $0x5, v2;
	v7 =	vmul.f32 v6, v7;
	v58 =	vmul.f32 $6.000000000e+00, v10  }
0x25f: {  	v55 =	vsub.s32 $0x7EF311C3, v8;
	v5 =	vmul.f32 $1.442695020e+00, v5;
	(erf) = vpow2.f32 v57  }
0x260: {  	v11 =	vmul.f32 v55, v8;
	v7 =	vmul.f32 v7, v6;
	v13 =	vadd.f32 $-1.500000000e+01, v58  }
0x261: {  	v2 =	vor.u32 $0x3, v2;
	v16 =	vmul.f32 $1.000000010e-01, v3;
	(erf) = vpow2.f32 v5  }
0x262: {  	v7 =	vsub.f32 $1.500000000e+00, v7;
	v5 =	vmul.f32 v10, v10;
	v13 =	vmul.f32 v13, v10  }
0x263: {  	v11 =	vsub.f32 $2.000000000e+00, v11;
	v20 =	vmul.f32 $9.999999770e-03, v3;
	v62 =	vmul.f32 $6.000000000e+00, v16  }
0x264: {  	v6 =	vmul.f32 v7, v6;
	v5 =	vmul.f32 v5, v10;
	v61 =	vadd.f32 $1.000000000e+01, v13  }
0x265: {  	v63 =	vld.idx.msk [tilespmem:v60+s13+$0x0], $0xffff;
	v25 =	vmul.f32 v16, v16;
	v7 =	vmul.f32 v55, v11;
	v24 =	vpop (erf)  }
0x266: {  	v12 =	vld.idx.msk [tilespmem:v60+s7+$0x0], $0xffff;
	v23 =	vsub.f32 v4, v6;
	v10 =	vadd.f32 $-1.500000000e+01, v62;
	v5 =	vmul.f32 v61, v5;
	v17 =	vpop (erf)  }
0x267: {  	s30 =	simm.s32 $0x10;
	v15 =	vmul.f32 $1.817500000e-01, v24;
	v17 =	vmul.f32 $5.098599790e-01, v17  }
0x268: {  	v18 =	vmov s30;
	v10 =	vmul.f32 v10, v16;
	v5 =	vmul.f32 v5, v23;
	v26 =	vpop (erf)  }
0x269: {  	v19 =	vld.idx.msk [tilespmem:v2+s13+$0x0], $0xffff;
	v8 =	vmul.f32 v7, v8;
	v13 =	vmul.f32 $2.802200020e-01, v26;
	v15 =	vadd.f32 v17, v15  }
0x26a: {  	v2 =	vld.idx.msk [tilespmem:v2+s7+$0x0], $0xffff;
	v27 =	vadd.f32 $1.000000000e+01, v10;
	v5 =	vadd.f32 v5, v6;
	v6 =	vmul.f32 v25, v16;
	v28 =	vpop (erf)  }
0x26b: {  	v11 =	vmul.f32 v12, v63;
	v10 =	vmul.f32 $2.817000080e-02, v28;
	v13 =	vadd.f32 v15, v13  }
0x26c: {  	v8 =	vsub.f32 $2.000000000e+00, v8;
	v5 =	vadd.f32 v5, v20;
	v6 =	vmul.f32 v27, v6  }
0x26d: {  	v29 =	vmul.f32 $5.000000000e-01, v14;
	v4 =	vmul.f32 v4, v11;
	v10 =	vadd.f32 v13, v10  }
0x26e: {  	v7 =	vmul.f32 v8, v7;
	v5 =	vadd.f32 $-2.000000030e-01, v5;
	v6 =	vsub.f32 $1.000000000e+00, v6  }
0x26f: {  	v2 =	vmul.f32 v2, v19;
	vm0 =	vlt.f32 v3, $1.000000000e+01;
	v3 =	vmul.f32 v10, v4  }
0x270: {  	v4 =	vnsel vm0, $0x0, v5;
	v5 =	vnsel vm0, $0x0, v6;
	v6 =	vmul.f32 v7, v29  }
0x271: {  	v7 =	vshll.u32 v18, $0x3;
	v2 =	vmul.f32 v4, v2;
	v3 =	vmul.f32 v3, v5  }
0x272: {  	v4 =	vor.u32 v1, v7  }
0x273: {  	v7 =	vor.u32 $0x1, v4;
	v5 =	vmul.f32 v5, v6;
	v2 =	vadd.f32 v2, v3;
	_ =	sdelay $0x1  }
0x274: {  	v2 =	vsub.f32 v2, v5  }
0x275: {  	s1 =	simm.s32 $0x9400  }
0x276: {  	v3 =	vor.u32 $0x2, v4;
	[tilespmem:s1+$0x0] =	vst v2  }
0x277: {  	v2 =	vld.idx.msk [tilespmem:v7+s7+$0x0], $0xffff  }
0x278: {  	v5 =	vld.idx.msk [tilespmem:v7+s13+$0x0], $0xffff  }
0x279: {  	v6 =	vld.idx.msk [tilespmem:v4+s7+$0x0], $0xffff  }
0x27a: {  	v7 =	vld.idx.msk [tilespmem:v4+s13+$0x0], $0xffff  }
0x27b: {  	v30 =	vld.idx.msk [tilespmem:v3+s7+$0x0], $0xffff  }
0x27c: {  	v3 =	vld.idx.msk [tilespmem:v3+s13+$0x0], $0xffff;
	_ =	sdelay $0x2  }
0x27d: {  	v6 =	vsub.f32 v6, v7;
	v2 =	vsub.f32 v2, v5;
	_ =	sdelay $0x1  }
0x27e: {  	v3 =	vsub.f32 v30, v3;
	v5 =	vmul.f32 v6, v6;
	v2 =	vmul.f32 v2, v2;
	_ =	sdelay $0x1  }
0x27f: {  	v3 =	vmul.f32 v3, v3;
	v2 =	vadd.f32 v2, v5;
	_ =	sdelay $0x1  }
0x280: {  	v2 =	vadd.f32 v3, v2;
	_ =	sdelay $0x1  }
0x281: {  	v3 =	vshrl.u32 v2, $0x1;
	v5 =	vmul.f32 $5.000000000e-01, v2  }
0x282: {  	v3 =	vsub.s32 $0x5F3759DF, v3  }
0x283: {  	v6 =	vmul.f32 v3, v5  }
0x284: {  	v7 =	vor.u32 $0x6, v4  }
0x285: {  	v6 =	vmul.f32 v3, v6;
	_ =	sdelay $0x1  }
0x286: {  	v6 =	vsub.f32 $1.500000000e+00, v6;
	_ =	sdelay $0x1  }
0x287: {  	v31 =	vld.idx.msk [tilespmem:v7+s7+$0x0], $0xffff;
	v3 =	vmul.f32 v3, v6  }
0x288: {  	v6 =	vld.idx.msk [tilespmem:v7+s13+$0x0], $0xffff  }
0x289: {  	v5 =	vmul.f32 v3, v5  }
0x28a: {  	v41 =	vor.u32 $0x4, v4  }
0x28b: {  	v5 =	vmul.f32 v5, v3  }
0x28c: {  	v7 =	vadd.f32 $1.000000000e+00, v2  }
0x28d: {  	v6 =	vadd.f32 v31, v6;
	v5 =	vsub.f32 $1.500000000e+00, v5  }
0x28e: {  	v34 =	vmul.f32 v2, v2;
	v32 =	vshrl.u32 v7, $0x1;
	v7 =	vmul.f32 $5.000000000e-01, v7  }
0x28f: {  	v45 =	vld.idx.msk [tilespmem:v41+s13+$0x0], $0xffff;
	v9 =	vsub.s32 $0x5F3759DF, v32;
	v3 =	vmul.f32 v5, v3;
	v5 =	vadd.f32 $9.999999710e-10, v6  }
0x290: {  	v14 =	vld.idx.msk [tilespmem:v41+s7+$0x0], $0xffff;
	v35 =	vmul.f32 v34, v2;
	v33 =	vmul.f32 v9, v7  }
0x291: {  	v2 =	vmul.f32 v3, v2;
	v5 =	vmul.f32 $2.134320020e+00, v5  }
0x292: {  	v6 =	vmul.f32 v9, v33  }
0x293: {  	v5 =	vmul.f32 v2, v5  }
0x294: {  	v6 =	vsub.f32 $1.500000000e+00, v6  }
0x295: {  	v14 =	vmul.f32 v14, v45;
	v37 =	vadd.f32 $-2.500000000e+00, v2;
	v39 =	vmul.f32 $-3.199800010e+00, v5  }
0x296: {  	v6 =	vmul.f32 v9, v6;
	v40 =	vmul.f32 $-9.422900080e-01, v5  }
0x297: {  	v10 =	vmul.f32 $2.000000030e-01, v37;
	v12 =	vmul.f32 $1.442695020e+00, v39  }
0x298: {  	v8 =	vadd.f32 $1.000000000e+00, v35;
	v42 =	vmul.f32 $-4.029000100e-01, v5;
	v13 =	vmul.f32 $1.442695020e+00, v40  }
0x299: {  	v5 =	vmul.f32 $-2.016199980e-01, v5;
	v10 =	vmax.f32 v10, $0.0e+00;
	(erf) = vpow2.f32 v12  }
0x29a: {  	v43 =	vmul.f32 $1.442695020e+00, v42;
	v10 =	vmin.f32 v10, $1.000000000e+00;
	(erf) = vpow2.f32 v13  }
0x29b: {  	v46 =	vor.u32 $0x5, v4;
	v7 =	vmul.f32 v6, v7;
	v44 =	vmul.f32 $6.000000000e+00, v10  }
0x29c: {  	v36 =	vsub.s32 $0x7EF311C3, v8;
	v5 =	vmul.f32 $1.442695020e+00, v5;
	(erf) = vpow2.f32 v43  }
0x29d: {  	v38 =	vmul.f32 v36, v8;
	v7 =	vmul.f32 v7, v6;
	v13 =	vadd.f32 $-1.500000000e+01, v44  }
0x29e: {  	v4 =	vor.u32 $0x3, v4;
	v47 =	vmul.f32 $1.000000010e-01, v2;
	(erf) = vpow2.f32 v5  }
0x29f: {  	v7 =	vsub.f32 $1.500000000e+00, v7;
	v5 =	vmul.f32 v10, v10;
	v13 =	vmul.f32 v13, v10  }
0x2a0: {  	v11 =	vsub.f32 $2.000000000e+00, v38;
	v58 =	vmul.f32 $9.999999770e-03, v2;
	v49 =	vmul.f32 $6.000000000e+00, v47  }
0x2a1: {  	v6 =	vmul.f32 v7, v6;
	v5 =	vmul.f32 v5, v10;
	v48 =	vadd.f32 $1.000000000e+01, v13  }
0x2a2: {  	v50 =	vld.idx.msk [tilespmem:v46+s13+$0x0], $0xffff;
	v53 =	vmul.f32 v47, v47;
	v7 =	vmul.f32 v36, v11;
	v52 =	vpop (erf)  }
0x2a3: {  	v12 =	vld.idx.msk [tilespmem:v46+s7+$0x0], $0xffff;
	v51 =	vsub.f32 v3, v6;
	v10 =	vadd.f32 $-1.500000000e+01, v49;
	v5 =	vmul.f32 v48, v5;
	v54 =	vpop (erf)  }
0x2a4: {  	s9 =	simm.s32 $0x20;
	v15 =	vmul.f32 $1.817500000e-01, v52;
	v17 =	vmul.f32 $5.098599790e-01, v54  }
0x2a5: {  	v55 =	vmov s9;
	v10 =	vmul.f32 v10, v47;
	v5 =	vmul.f32 v5, v51;
	v56 =	vpop (erf)  }
0x2a6: {  	v57 =	vld.idx.msk [tilespmem:v4+s13+$0x0], $0xffff;
	v8 =	vmul.f32 v7, v8;
	v13 =	vmul.f32 $2.802200020e-01, v56;
	v15 =	vadd.f32 v17, v15  }
0x2a7: {  	v4 =	vld.idx.msk [tilespmem:v4+s7+$0x0], $0xffff;
	v59 =	vadd.f32 $1.000000000e+01, v10;
	v5 =	vadd.f32 v5, v6;
	v6 =	vmul.f32 v53, v47;
	v60 =	vpop (erf)  }
0x2a8: {  	v11 =	vmul.f32 v12, v50;
	v10 =	vmul.f32 $2.817000080e-02, v60;
	v13 =	vadd.f32 v15, v13  }
0x2a9: {  	v8 =	vsub.f32 $2.000000000e+00, v8;
	v5 =	vadd.f32 v5, v58;
	v6 =	vmul.f32 v59, v6  }
0x2aa: {  	v61 =	vmul.f32 $5.000000000e-01, v14;
	v3 =	vmul.f32 v3, v11;
	v10 =	vadd.f32 v13, v10  }
0x2ab: {  	v7 =	vmul.f32 v8, v7;
	v5 =	vadd.f32 $-2.000000030e-01, v5;
	v6 =	vsub.f32 $1.000000000e+00, v6  }
0x2ac: {  	vm15 =	vlt.f32 v2, $1.000000000e+01;
	v2 =	vmul.f32 v4, v57;
	v3 =	vmul.f32 v10, v3  }
0x2ad: {  	v4 =	vnsel vm15, $0x0, v5;
	v5 =	vnsel vm15, $0x0, v6;
	v6 =	vmul.f32 v7, v61  }
0x2ae: {  	v7 =	vshll.u32 v55, $0x3;
	v62 =	vmul.f32 v4, v2;
	v63 =	vmul.f32 v3, v5  }
0x2af: {  	v2 =	vor.u32 v1, v7  }
0x2b0: {  	v4 =	vmul.f32 v5, v6;
	v3 =	vor.u32 $0x1, v2;
	v5 =	vadd.f32 v62, v63  }
0x2b1: {  	s16 =	simm.s32 $0x30  }
.LBB2_10:
0x2b2: {  	p0 =	sne.s32 s16, $0x3F0;
	v4 =	vsub.f32 v5, v4  }
0x2b3: {  	s1 =	sadd.s32 $0x10, s1  }
0x2b4: {  	v5 =	vor.u32 $0x2, v2;
	[tilespmem:s1+$0x0] =	vst v4  }
0x2b5: {  	v4 =	vld.idx.msk [tilespmem:v3+s7+$0x0], $0xffff  }
0x2b6: {  	v3 =	vld.idx.msk [tilespmem:v3+s13+$0x0], $0xffff  }
0x2b7: {  	v6 =	vld.idx.msk [tilespmem:v2+s7+$0x0], $0xffff  }
0x2b8: {  	v7 =	vld.idx.msk [tilespmem:v2+s13+$0x0], $0xffff  }
0x2b9: {  	v8 =	vld.idx.msk [tilespmem:v5+s7+$0x0], $0xffff  }
0x2ba: {  	v5 =	vld.idx.msk [tilespmem:v5+s13+$0x0], $0xffff;
	_ =	sdelay $0x3  }
0x2bb: {  	v3 =	vsub.f32 v4, v3;
	v6 =	vsub.f32 v6, v7;
	_ =	sdelay $0x1  }
0x2bc: {  	v3 =	vmul.f32 v3, v3;
	v4 =	vsub.f32 v8, v5;
	v5 =	vmul.f32 v6, v6;
	_ =	sdelay $0x1  }
0x2bd: {  	v3 =	vadd.f32 v3, v5;
	v4 =	vmul.f32 v4, v4;
	_ =	sdelay $0x1  }
0x2be: {  	v3 =	vadd.f32 v4, v3;
	_ =	sdelay $0x1  }
0x2bf: {  	v4 =	vshrl.u32 v3, $0x1;
	v5 =	vmul.f32 $5.000000000e-01, v3  }
0x2c0: {  	v4 =	vsub.s32 $0x5F3759DF, v4  }
0x2c1: {  	v6 =	vor.u32 $0x6, v2;
	v7 =	vmul.f32 v4, v5;
	_ =	sdelay $0x1  }
0x2c2: {  	v7 =	vmul.f32 v4, v7;
	_ =	sdelay $0x1  }
0x2c3: {  	v7 =	vsub.f32 $1.500000000e+00, v7  }
0x2c4: {  	v8 =	vld.idx.msk [tilespmem:v6+s7+$0x0], $0xffff  }
0x2c5: {  	v4 =	vmul.f32 v4, v7;
	v6 =	vld.idx.msk [tilespmem:v6+s13+$0x0], $0xffff;
	_ =	sdelay $0x1  }
0x2c6: {  	v5 =	vmul.f32 v4, v5  }
0x2c7: {  	v7 =	vadd.f32 $1.000000000e+00, v3  }
0x2c8: {  	v5 =	vmul.f32 v5, v4  }
0x2c9: {  	v9 =	vshrl.u32 v7, $0x1;
	v7 =	vmul.f32 $5.000000000e-01, v7  }
0x2ca: {  	v9 =	vsub.s32 $0x5F3759DF, v9;
	v5 =	vsub.f32 $1.500000000e+00, v5;
	v6 =	vadd.f32 v8, v6  }
0x2cb: {  	v10 =	vmul.f32 v3, v3;
	v8 =	vmul.f32 v9, v7  }
0x2cc: {  	v4 =	vmul.f32 v5, v4;
	v5 =	vadd.f32 $9.999999710e-10, v6  }
0x2cd: {  	v6 =	vmul.f32 v9, v8;
	v8 =	vmul.f32 v10, v3  }
0x2ce: {  	v3 =	vmul.f32 v4, v3;
	v5 =	vmul.f32 $2.134320020e+00, v5  }
0x2cf: {  	v6 =	vsub.f32 $1.500000000e+00, v6;
	v8 =	vadd.f32 $1.000000000e+00, v8  }
0x2d0: {  	v5 =	vmul.f32 v3, v5  }
0x2d1: {  	v6 =	vmul.f32 v9, v6;
	v9 =	vsub.s32 $0x7EF311C3, v8  }
0x2d2: {  	v10 =	vadd.f32 $-2.500000000e+00, v3;
	v11 =	vmul.f32 v9, v8;
	v12 =	vmul.f32 $-3.199800010e+00, v5  }
0x2d3: {  	v13 =	vor.u32 $0x4, v2;
	v7 =	vmul.f32 v6, v7;
	v14 =	vmul.f32 $-9.422900080e-01, v5  }
0x2d4: {  	v10 =	vmul.f32 $2.000000030e-01, v10;
	v12 =	vmul.f32 $1.442695020e+00, v12  }
0x2d5: {  	v15 =	vmul.f32 $-4.029000100e-01, v5;
	v14 =	vmul.f32 $1.442695020e+00, v14  }
0x2d6: {  	v5 =	vmul.f32 $-2.016199980e-01, v5;
	v10 =	vmax.f32 v10, $0.0e+00;
	(erf) = vpow2.f32 v12  }
0x2d7: {  	v10 =	vmin.f32 v10, $1.000000000e+00;
	v12 =	vmul.f32 $1.442695020e+00, v15;
	(erf) = vpow2.f32 v14  }
0x2d8: {  	v7 =	vmul.f32 v7, v6;
	v15 =	vmul.f32 $6.000000000e+00, v10;
	v14 =	vld.idx.msk [tilespmem:v13+s13+$0x0], $0xffff  }
0x2d9: {  	v16 =	vor.u32 $0x5, v2;
	v5 =	vmul.f32 $1.442695020e+00, v5;
	v13 =	vld.idx.msk [tilespmem:v13+s7+$0x0], $0xffff;
	(erf) = vpow2.f32 v12  }
0x2da: {  	v11 =	vsub.f32 $2.000000000e+00, v11;
	v12 =	vadd.f32 $-1.500000000e+01, v15  }
0x2db: {  	v7 =	vsub.f32 $1.500000000e+00, v7;
	v15 =	vmul.f32 $1.000000010e-01, v3;
	(erf) = vpow2.f32 v5  }
0x2dc: {  	v5 =	vmul.f32 v10, v10;
	v12 =	vmul.f32 v12, v10  }
0x2dd: {  	v2 =	vor.u32 $0x3, v2;
	v6 =	vmul.f32 v7, v6;
	v7 =	vmul.f32 v9, v11  }
0x2de: {  	v11 =	vmul.f32 $6.000000000e+00, v15;
	v5 =	vmul.f32 v5, v10;
	v10 =	vadd.f32 $1.000000000e+01, v12;
	v9 =	vld.idx.msk [tilespmem:v16+s13+$0x0], $0xffff  }
0x2df: {  	v20 =	vsub.f32 v4, v6;
	v8 =	vmul.f32 v7, v8;
	v13 =	vmul.f32 v13, v14;
	v12 =	vld.idx.msk [tilespmem:v16+s7+$0x0], $0xffff;
	v14 =	vpop (erf)  }
0x2e0: {  	v11 =	vadd.f32 $-1.500000000e+01, v11;
	v5 =	vmul.f32 v10, v5;
	v10 =	vmul.f32 v15, v15;
	v17 =	vpop (erf)  }
0x2e1: {  	v14 =	vmul.f32 $1.817500000e-01, v14;
	v17 =	vmul.f32 $5.098599790e-01, v17  }
0x2e2: {  	v18 =	vmov s16;
	v21 =	vmul.f32 v11, v15;
	v5 =	vmul.f32 v5, v20;
	v19 =	vld.idx.msk [tilespmem:v2+s13+$0x0], $0xffff;
	v16 =	vpop (erf)  }
0x2e3: {  	v20 =	vmul.f32 $9.999999770e-03, v3;
	v2 =	vld.idx.msk [tilespmem:v2+s7+$0x0], $0xffff;
	v14 =	vadd.f32 v17, v14;
	v16 =	vmul.f32 $2.802200020e-01, v16  }
0x2e4: {  	v5 =	vadd.f32 v5, v6;
	v6 =	vmul.f32 v10, v15;
	v10 =	vadd.f32 $1.000000000e+01, v21;
	v11 =	vpop (erf)  }
0x2e5: {  	v9 =	vmul.f32 v12, v9;
	v14 =	vadd.f32 v14, v16;
	v11 =	vmul.f32 $2.817000080e-02, v11  }
0x2e6: {  	v8 =	vsub.f32 $2.000000000e+00, v8;
	v5 =	vadd.f32 v5, v20;
	v6 =	vmul.f32 v10, v6  }
0x2e7: {  	v10 =	vmul.f32 $5.000000000e-01, v13;
	v4 =	vmul.f32 v4, v9;
	v11 =	vadd.f32 v14, v11  }
0x2e8: {  	v7 =	vmul.f32 v8, v7;
	v5 =	vadd.f32 $-2.000000030e-01, v5;
	v6 =	vsub.f32 $1.000000000e+00, v6  }
0x2e9: {  	vm0 =	vlt.f32 v3, $1.000000000e+01;
	v2 =	vmul.f32 v2, v19;
	v3 =	vmul.f32 v11, v4  }
.Ltmp8:
0x2ea: {  	v4 =	vnsel vm0, $0x0, v5;
	v5 =	vnsel vm0, $0x0, v6;
	v6 =	vmul.f32 v7, v10;
	(pc) =	sbr.rel @p0 .LBB2_10-.Ltmp8, $4  }
0x2eb: {  	v7 =	vshll.u32 v18, $0x3;
	v8 =	vmul.f32 v4, v2;
	v9 =	vmul.f32 v3, v5  }
0x2ec: {  	v2 =	vor.u32 v1, v7  }
0x2ed: {  	v3 =	vor.u32 $0x1, v2;
	v4 =	vmul.f32 v5, v6;
	v5 =	vadd.f32 v8, v9  }
0x2ee: {  	s16 =	sadd.s32 $0x10, s16  }
0x2ef: {  	_ = 	snop  }
0x2f0: {  	v4 =	vsub.f32 v5, v4  }
0x2f1: {  	s1 =	sadd.s32 $0x10, s1  }
0x2f2: {  	v28 =	vor.u32 $0x2, v2;
	[tilespmem:s1+$0x0] =	vst v4  }
0x2f3: {  	v4 =	vld.idx.msk [tilespmem:v3+s7+$0x0], $0xffff  }
0x2f4: {  	v3 =	vld.idx.msk [tilespmem:v3+s13+$0x0], $0xffff  }
0x2f5: {  	v6 =	vld.idx.msk [tilespmem:v2+s7+$0x0], $0xffff  }
0x2f6: {  	v7 =	vld.idx.msk [tilespmem:v2+s13+$0x0], $0xffff  }
0x2f7: {  	v8 =	vld.idx.msk [tilespmem:v28+s7+$0x0], $0xffff  }
0x2f8: {  	v5 =	vld.idx.msk [tilespmem:v28+s13+$0x0], $0xffff;
	_ =	sdelay $0x2  }
0x2f9: {  	v6 =	vsub.f32 v6, v7;
	v3 =	vsub.f32 v4, v3;
	_ =	sdelay $0x1  }
0x2fa: {  	v29 =	vsub.f32 v8, v5;
	v30 =	vmul.f32 v6, v6;
	v3 =	vmul.f32 v3, v3;
	_ =	sdelay $0x1  }
0x2fb: {  	v3 =	vadd.f32 v3, v30;
	v4 =	vmul.f32 v29, v29;
	_ =	sdelay $0x1  }
0x2fc: {  	v3 =	vadd.f32 v4, v3;
	_ =	sdelay $0x1  }
0x2fd: {  	v4 =	vshrl.u32 v3, $0x1;
	v31 =	vmul.f32 $5.000000000e-01, v3  }
0x2fe: {  	v4 =	vsub.s32 $0x5F3759DF, v4  }
0x2ff: {  	v32 =	vmul.f32 v4, v31  }
0x300: {  	v33 =	vor.u32 $0x6, v2  }
0x301: {  	v6 =	vmul.f32 v4, v32;
	_ =	sdelay $0x1  }
0x302: {  	v6 =	vsub.f32 $1.500000000e+00, v6;
	_ =	sdelay $0x1  }
0x303: {  	v34 =	vld.idx.msk [tilespmem:v33+s7+$0x0], $0xffff;
	v4 =	vmul.f32 v4, v6  }
0x304: {  	v35 =	vld.idx.msk [tilespmem:v33+s13+$0x0], $0xffff  }
0x305: {  	v5 =	vmul.f32 v4, v31  }
0x306: {  	v36 =	vadd.f32 $1.000000000e+00, v3  }
0x307: {  	v5 =	vmul.f32 v5, v4  }
0x308: {  	v9 =	vshrl.u32 v36, $0x1;
	v7 =	vmul.f32 $5.000000000e-01, v36  }
0x309: {  	v9 =	vsub.s32 $0x5F3759DF, v9;
	v6 =	vadd.f32 v34, v35;
	v5 =	vsub.f32 $1.500000000e+00, v5  }
0x30a: {  	v10 =	vmul.f32 v3, v3;
	v37 =	vmul.f32 v9, v7  }
0x30b: {  	v38 =	vadd.f32 $9.999999710e-10, v6;
	v4 =	vmul.f32 v5, v4  }
0x30c: {  	v40 =	vmul.f32 v10, v3;
	v39 =	vmul.f32 v9, v37  }
0x30d: {  	v5 =	vmul.f32 $2.134320020e+00, v38;
	v3 =	vmul.f32 v4, v3  }
0x30e: {  	v8 =	vadd.f32 $1.000000000e+00, v40;
	v6 =	vsub.f32 $1.500000000e+00, v39  }
0x30f: {  	v5 =	vmul.f32 v3, v5  }
0x310: {  	v41 =	vsub.s32 $0x7EF311C3, v8;
	v6 =	vmul.f32 v9, v6  }
0x311: {  	v11 =	vmul.f32 v41, v8;
	v42 =	vadd.f32 $-2.500000000e+00, v3;
	v12 =	vmul.f32 $-3.199800010e+00, v5  }
0x312: {  	v7 =	vmul.f32 v6, v7;
	v13 =	vmul.f32 $-9.422900080e-01, v5  }
0x313: {  	v14 =	vor.u32 $0x4, v2;
	v10 =	vmul.f32 $2.000000030e-01, v42;
	v12 =	vmul.f32 $1.442695020e+00, v12  }
0x314: {  	v15 =	vmul.f32 $-4.029000100e-01, v5;
	v13 =	vmul.f32 $1.442695020e+00, v13  }
0x315: {  	v5 =	vmul.f32 $-2.016199980e-01, v5;
	v10 =	vmax.f32 v10, $0.0e+00;
	(erf) = vpow2.f32 v12  }
0x316: {  	v43 =	vmul.f32 $1.442695020e+00, v15;
	v10 =	vmin.f32 v10, $1.000000000e+00;
	(erf) = vpow2.f32 v13  }
0x317: {  	v7 =	vmul.f32 v7, v6;
	v44 =	vmul.f32 $6.000000000e+00, v10  }
0x318: {  	v45 =	vld.idx.msk [tilespmem:v14+s13+$0x0], $0xffff;
	v5 =	vmul.f32 $1.442695020e+00, v5;
	(erf) = vpow2.f32 v43  }
0x319: {  	v46 =	vor.u32 $0x5, v2;
	v14 =	vld.idx.msk [tilespmem:v14+s7+$0x0], $0xffff;
	v11 =	vsub.f32 $2.000000000e+00, v11;
	v13 =	vadd.f32 $-1.500000000e+01, v44  }
0x31a: {  	v7 =	vsub.f32 $1.500000000e+00, v7;
	v16 =	vmul.f32 $1.000000010e-01, v3;
	(erf) = vpow2.f32 v5  }
0x31b: {  	v47 =	vmul.f32 v10, v10;
	v13 =	vmul.f32 v13, v10  }
0x31c: {  	v2 =	vor.u32 $0x3, v2;
	v48 =	vmul.f32 v41, v11;
	v6 =	vmul.f32 v7, v6  }
0x31d: {  	v50 =	vmul.f32 $6.000000000e+00, v16;
	v5 =	vmul.f32 v47, v10;
	v49 =	vadd.f32 $1.000000000e+01, v13  }
0x31e: {  	v51 =	vld.idx.msk [tilespmem:v46+s13+$0x0], $0xffff;
	v14 =	vmul.f32 v14, v45;
	v8 =	vmul.f32 v48, v8;
	v52 =	vsub.f32 v4, v6;
	v53 =	vpop (erf)  }
0x31f: {  	v54 =	vmul.f32 v16, v16;
	v12 =	vld.idx.msk [tilespmem:v46+s7+$0x0], $0xffff;
	v10 =	vadd.f32 $-1.500000000e+01, v50;
	v5 =	vmul.f32 v49, v5;
	v17 =	vpop (erf)  }
0x320: {  	v15 =	vmul.f32 $1.817500000e-01, v53;
	v17 =	vmul.f32 $5.098599790e-01, v17  }
0x321: {  	v10 =	vmul.f32 v10, v16;
	v5 =	vmul.f32 v5, v52;
	v55 =	vpop (erf)  }
0x322: {  	v18 =	vld.idx.msk [tilespmem:v2+s13+$0x0], $0xffff;
	v19 =	vmul.f32 $9.999999770e-03, v3;
	v13 =	vmul.f32 $2.802200020e-01, v55;
	v15 =	vadd.f32 v17, v15  }
0x323: {  	v2 =	vld.idx.msk [tilespmem:v2+s7+$0x0], $0xffff;
	v56 =	vmul.f32 v54, v16;
	v57 =	vadd.f32 $1.000000000e+01, v10;
	v5 =	vadd.f32 v5, v6;
	v58 =	vpop (erf)  }
0x324: {  	v11 =	vmul.f32 v12, v51;
	v10 =	vmul.f32 $2.817000080e-02, v58;
	v13 =	vadd.f32 v15, v13  }
0x325: {  	v8 =	vsub.f32 $2.000000000e+00, v8;
	v6 =	vmul.f32 v57, v56;
	v5 =	vadd.f32 v5, v19  }
0x326: {  	v59 =	vmul.f32 $5.000000000e-01, v14;
	v4 =	vmul.f32 v4, v11;
	v10 =	vadd.f32 v13, v10  }
0x327: {  	v7 =	vmul.f32 v8, v48;
	v6 =	vsub.f32 $1.000000000e+00, v6;
	v5 =	vadd.f32 $-2.000000030e-01, v5  }
0x328: {  	v2 =	vmul.f32 v2, v18;
	vm0 =	vlt.f32 v3, $1.000000000e+01;
	v3 =	vmul.f32 v10, v4  }
0x329: {  	v62 =	vmul.f32 v7, v59;
	v61 =	vnsel vm0, $0x0, v6;
	v60 =	vnsel vm0, $0x0, v5  }
0x32a: {  	v2 =	vmul.f32 v60, v2;
	v3 =	vmul.f32 v3, v61;
	_ =	sdelay $0x1  }
0x32b: {  	v63 =	vmul.f32 v61, v62;
	v2 =	vadd.f32 v2, v3;
	_ =	sdelay $0x1  }
0x32c: {  	v2 =	vsub.f32 v2, v63  }
0x32d: {  	s1 =	sadd.s32 $0x10, s1  }
0x32e: {  	s30 =	simm.s32 $0x4C00;
	s9 =	simm.s32 $0x9400;
	[tilespmem:s1+$0x0] =	vst v2  }
0x32f: {  	[spmem:s4] =	stream.indirect.scatter.add.f32 [tilespmem:s9], [sflag:$0x6], $0x1, s30, s18, $0xb8;
	[tilespmem:$0xC900] =	vst v63  }
0x330: {  	s16 =	simm.s32 $0x4C80;
	s30 =	simm.s32 $0x9480  }
0x331: {  	[spmem:s4] =	stream.indirect.scatter.add.f32 [tilespmem:s30], [sflag:$0x6], $0x1, s16, s18, $0xb8;
	[tilespmem:$0xC900] =	vst v63  }
0x332: {  	s16 =	simm.s32 $0x4D00;
	s30 =	simm.s32 $0x9500  }
0x333: {  	[spmem:s4] =	stream.indirect.scatter.add.f32 [tilespmem:s30], [sflag:$0x6], $0x1, s16, s18, $0xb8;
	[tilespmem:$0xC900] =	vst v63  }
0x334: {  	s16 =	simm.s32 $0x4D80;
	s30 =	simm.s32 $0x9580  }
0x335: {  	[spmem:s4] =	stream.indirect.scatter.add.f32 [tilespmem:s30], [sflag:$0x6], $0x1, s16, s18, $0xb8;
	[tilespmem:$0xC900] =	vst v63  }
0x336: {  	s9 =	simm.s32 $0x4E00;
	s16 =	simm.s32 $0x9600  }
0x337: {  	[spmem:s4] =	stream.indirect.scatter.add.f32 [tilespmem:s16], [sflag:$0x6], $0x1, s9, s18, $0xb8;
	[tilespmem:$0xC900] =	vst v63  }
0x338: {  	s30 =	simm.s32 $0x4E80  }
0x339: {  	[spmem:s4] =	stream.indirect.scatter.add.f32 [tilespmem:s15], [sflag:$0x6], $0x1, s30, s18, $0xb8;
	[tilespmem:$0xC900] =	vst v63  }
0x33a: {  	_ = 	snop  }
0x33b: {  	[spmem:s4] =	stream.indirect.scatter.add.f32 [tilespmem:s5], [sflag:$0x6], $0x1, s17, s18, $0xb8;
	[tilespmem:$0xC900] =	vst v63  }
0x33c: {  	_ = 	snop  }
0x33d: {  	[spmem:s4] =	stream.indirect.scatter.add.f32 [tilespmem:s22], [sflag:$0x6], $0x1, s21, s18, $0xb8;
	[tilespmem:$0xC900] =	vst v63  }
0x33e: {  	_ =	swait.ge [sflag:s26], $0x80  }
0x33f: {  	[sflag:s26] =	ssyncset.done $0x0  }
0x340: {  	[sflag:s26] =	ssyncadd.s32 $0xFFFFFF80  }
0x341: {  	_ =	swait.ge [sflag:s26], $0x80  }
0x342: {  	[sflag:s26] =	ssyncset.done $0x0  }
0x343: {  	[sflag:s26] =	ssyncadd.s32 $0xFFFFFF80  }
0x344: {  	_ =	swait.ge [sflag:s26], $0x80  }
0x345: {  	[sflag:s26] =	ssyncset.done $0x0  }
0x346: {  	[sflag:s26] =	ssyncadd.s32 $0xFFFFFF80  }
0x347: {  	_ =	swait.ge [sflag:s26], $0x80  }
0x348: {  	[sflag:s26] =	ssyncset.done $0x0  }
0x349: {  	[sflag:s26] =	ssyncadd.s32 $0xFFFFFF80  }
0x34a: {  	_ =	swait.ge [sflag:s26], $0x80  }
0x34b: {  	[sflag:s26] =	ssyncset.done $0x0  }
0x34c: {  	[sflag:s26] =	ssyncadd.s32 $0xFFFFFF80  }
0x34d: {  	_ =	swait.ge [sflag:s26], $0x80  }
0x34e: {  	[sflag:s26] =	ssyncset.done $0x0  }
0x34f: {  	[sflag:s26] =	ssyncadd.s32 $0xFFFFFF80  }
0x350: {  	_ =	swait.ge [sflag:s26], $0x80  }
.Ltmp9:
0x351: {  	[sflag:s26] =	ssyncset.done $0x0;
	(pc) =	sbr.rel .LBB2_12-.Ltmp9, $4  }
0x352: {  	[sflag:s26] =	ssyncadd.s32 $0xFFFFFF80  }
0x353: {  	_ =	swait.ge [sflag:s26], $0x80  }
0x354: {  	[sflag:s26] =	ssyncset.done $0x0  }
0x355: {  	[sflag:s26] =	ssyncadd.s32 $0xFFFFFF80  }
.LBB2_14:
0x356: {  	_ =	sfence.sel $0x180000  }
0x357: {  	[bflag:$0x0] =	sbarrier.arrive $0xFFFF  }
0x358: {  	_ =	strace $0x90000047  }
0x359: {  	s0 =	stileid.u32;
	[bflag:$0x2] =	sbarrier.arrive $0xFFFF  }
0x35a: {  	p0 =	sne.s32 s0, $0x0;
	s0 =	rddreg [dreg:$0x4]  }
0x35b: {  	s0 =	sadd.s32 @!p0 $0x100000, s0  }
0x35c: {  	[sflag:s0] =	ssyncadd.tile.s32 @!p0 $0x1;
	_ =	shalt  }
.Lfunc_end2:
_tile_overlayer_lowered:
.L_overlay_start_2:
0x35d: {  	(tag) =	ssettag $0x2  }
0x35e: {  	s0 =	rddreg [dreg:$0x0];
	s2 =	stileid.u32  }
0x35f: {  	s1 =	rddreg [dreg:$0x1];
	p0 =	sne.s32 s2, $0x0  }
0x360: {  	s3 =	rddreg [dreg:$0x2];
	[bflag:$0x3] =	sbarrier.arrive $0xFFFF;
	s2 =	simm.s32 @!p0 $0x1C07  }
0x361: {  	[timem:s3], [sflag:s2] =	dma.local @!p0 [hbm:s0], s1  }
0x362: {  	s0 =	simm.s32 @!p0 $0x7  }
0x363: {  	_ =	swait.ge @!p0 [sflag:s0], s1  }
0x364: {  	s1 =	ssub.s32 @!p0 $0x0, s1;
	[sflag:s0] =	ssyncset.done @!p0 $0x0  }
0x365: {  	[sflag:s0] =	ssyncadd.s32 @!p0 s1  }
0x366: {  	[bflag:$0x3] =	sbarrier.arrive $0xFFFF  }
0x367: {  	_ =	shalt  }

</sc_bundles>
